<compile_context>
chip_gen: v7x
topology: tpu7x:2x2x1
jax: 0.10.2.dev20260603
libtpu: 0.0.44.dev20260713+nightly
codegen_flags: <defaults>
</compile_context>

<pallas_src>
import jax
import jax.numpy as jnp
from jax import lax
from jax.experimental import pallas as pl
from jax.experimental.pallas import tpu as pltpu
from jax.experimental.pallas import tpu_sc as plsc

N_NODES = 50000
H = 32
NC, NS = 2, 16
ROWS_PER_TILE = 3136
N_PAD = NS * ROWS_PER_TILE
E = 800000
E_PER_TILE = E // NS
CHUNK = 128
N_FULL = E_PER_TILE // CHUNK
TAIL = E_PER_TILE - N_FULL * CHUNK
ZROWS = ROWS_PER_TILE // 4


def _layer_body(y_hbm, src_hbm, dst_hbm, out_hbm,
                sidx, didx, sidx_t, didx_t, rows, zbuf, acc, sem):
    c = lax.axis_index("c")
    s = lax.axis_index("s")

    def zrow(r, _):
        zbuf[r, pl.ds(0, 16)] = jnp.zeros((16,), jnp.float32)
        zbuf[r, pl.ds(16, 16)] = jnp.zeros((16,), jnp.float32)
        return 0
    lax.fori_loop(0, ZROWS, zrow, 0)
    base_row = s * ROWS_PER_TILE
    for i in range(ROWS_PER_TILE // ZROWS):
        pltpu.sync_copy(zbuf, acc.at[pl.ds(base_row + i * ZROWS, ZROWS)])
    plsc.subcore_barrier()

    off = c * N_PAD
    ebase = s * E_PER_TILE

    def process(base, si, di, k):
        pltpu.sync_copy(src_hbm.at[pl.ds(base, k)], si)
        pltpu.sync_copy(dst_hbm.at[pl.ds(base, k)], di)
        for j in range(k // 16):
            si[pl.ds(j * 16, 16)] = si[pl.ds(j * 16, 16)] + off
        pltpu.async_copy(y_hbm.at[si], rows.at[pl.ds(0, k)], sem).wait()
        pltpu.sync_copy(rows.at[pl.ds(0, k)], acc.at[di], add=True)

    def chunk_body(i, _):
        process(ebase + i * CHUNK, sidx, didx, CHUNK)
        return 0
    lax.fori_loop(0, N_FULL, chunk_body, 0)
    process(ebase + N_FULL * CHUNK, sidx_t, didx_t, TAIL)

    plsc.subcore_barrier()
    pltpu.sync_copy(acc.at[pl.ds(base_row, ROWS_PER_TILE)],
                    out_hbm.at[pl.ds(c * N_PAD + base_row, ROWS_PER_TILE)])


_layer = pl.kernel(
    _layer_body,
    out_type=jax.ShapeDtypeStruct((NC * N_PAD, H), jnp.float32),
    mesh=plsc.VectorSubcoreMesh(core_axis_name="c", subcore_axis_name="s"),
    scratch_types=[
        pltpu.VMEM((CHUNK,), jnp.int32),
        pltpu.VMEM((CHUNK,), jnp.int32),
        pltpu.VMEM((TAIL,), jnp.int32),
        pltpu.VMEM((TAIL,), jnp.int32),
        pltpu.VMEM((CHUNK, H), jnp.float32),
        pltpu.VMEM((ZROWS, H), jnp.float32),
        pltpu.VMEM_SHARED((N_PAD, H), jnp.float32),
        pltpu.SemaphoreType.DMA,
    ],
    compiler_params=pltpu.CompilerParams(use_tc_tiling_on_sc=False),
)


def _to_split(x):
    xs = jnp.stack([x[:, :H], x[:, H:]], axis=0)
    return jnp.pad(xs, ((0, 0), (0, N_PAD - N_NODES), (0, 0))).reshape(
        NC * N_PAD, H)


def _from_split(a):
    a = a.reshape(NC, N_PAD, H)[:, :N_NODES, :]
    return jnp.concatenate([a[0], a[1]], axis=1)


def kernel(edge_index, Gu, Gi, Gut, Git):
    src = edge_index[0]
    dst = edge_index[1]
    x0 = jnp.concatenate([Gu + Gut, Gi + Git], axis=0)

    ones2 = jnp.ones((NC * N_PAD, H), jnp.float32)
    deg_dst = _layer(ones2, src, dst).reshape(NC, N_PAD, H)[0, :N_NODES, 0]
    deg_src = _layer(ones2, dst, src).reshape(NC, N_PAD, H)[0, :N_NODES, 0]
    inv_s = lax.rsqrt(jnp.maximum(deg_src, 1.0))
    inv_d = lax.rsqrt(jnp.maximum(deg_dst, 1.0))
    inv_s2 = jnp.tile(jnp.pad(inv_s, (0, N_PAD - N_NODES)), NC)[:, None]
    inv_d2 = jnp.tile(jnp.pad(inv_d, (0, N_PAD - N_NODES)), NC)[:, None]

    x2 = _to_split(x0)
    out2 = x2
    for l in range(3):
        a2 = _layer(x2 * inv_s2, src, dst)
        x2 = a2 * inv_d2
        out2 = out2 + x2 * (1.0 / (l + 2))
    return _from_split(out2)

# --- scband reference (transcript-rebuilt; emitter-appended) ---
"""Pipeline reference for scband-egcfv2-model-22668837388894 (READ-ONLY COPY).

The authoritative reference and input builder live on the scoring server;
editing this copy changes nothing except your own understanding.
"""

import jax, jax.numpy as jnp
import numpy as np

NUM_USERS = 25000
NUM_ITEMS = 25000
EMBED_K = 64
N_LAYERS = 3
N_EDGES = 800000


def _xavier(key, shape):
    fan_in, fan_out = shape[0], shape[1]
    std = np.sqrt(2.0 / (fan_in + fan_out))
    return jax.random.normal(key, shape, dtype=jnp.float32) * std


def setup_inputs(seed: int = 0) -> dict:
    key = jax.random.key(seed)
    k1, k2, k3, k4, k5 = jax.random.split(key, 5)
    n = NUM_USERS + NUM_ITEMS
    edge_index = jax.random.randint(k1, (2, N_EDGES), 0, n, dtype=jnp.int32)
    Gu = _xavier(k2, (NUM_USERS, EMBED_K))
    Gi = _xavier(k3, (NUM_ITEMS, EMBED_K))
    Gut = _xavier(k4, (NUM_USERS, EMBED_K))
    Git = _xavier(k5, (NUM_ITEMS, EMBED_K))
    return {"edge_index": edge_index, "Gu": Gu, "Gi": Gi, "Gut": Gut, "Git": Git}


def _propagate(x, src, dst, n):
    # symmetric-normalized LightGCN-style propagation (LGConv / NodeNodeTextLayer)
    ones = jnp.ones((src.shape[0],), dtype=x.dtype)
    deg_src = jnp.zeros((n,), dtype=x.dtype).at[src].add(ones)
    deg_dst = jnp.zeros((n,), dtype=x.dtype).at[dst].add(ones)
    inv_sqrt_src = 1.0 / jnp.sqrt(jnp.clip(deg_src, 1.0))
    inv_sqrt_dst = 1.0 / jnp.sqrt(jnp.clip(deg_dst, 1.0))
    norm = inv_sqrt_src[src] * inv_sqrt_dst[dst]
    msgs = x[src] * norm[:, None]
    out = jnp.zeros_like(x).at[dst].add(msgs)
    return out


def _prop_stack(x0, src, dst, n, alpha):
    embs = [x0]
    x = x0
    for _ in range(N_LAYERS):
        x = _propagate(x, src, dst, n)
        embs.append(x)
    stacked = jnp.stack(embs, axis=0)  # [L+1, n, d]
    return jnp.tensordot(alpha, stacked, axes=1)  # alpha-weighted sum


def reference(edge_index, Gu, Gi, Gut, Git):
    src, dst = edge_index[0], edge_index[1]
    n = Gu.shape[0] + Gi.shape[0]
    alpha = jnp.array([1.0 / (k + 1) for k in range(N_LAYERS + 1)], dtype=jnp.float32)
    ego_collab = jnp.concatenate([Gu, Gi], axis=0)
    ego_text = jnp.concatenate([Gut, Git], axis=0)
    collab = _prop_stack(ego_collab, src, dst, n, alpha)
    textual = _prop_stack(ego_text, src, dst, n, alpha)
    return collab + textual  # [num_users+num_items, embed_k] fused embeddings

if __name__ == "__main__":
    import jax
    _d = setup_inputs()
    print(jax.jit(kernel)(*tuple(_d.values())))

</pallas_src>

<mosaic_0001>
#map = affine_map<(d0, d1) -> (0, 0)>
#map1 = affine_map<(d0, d1) -> (0)>
module attributes {stable_mosaic.version = 14 : i64} {
  func.func @_layer_body(%arg0: i32, %arg1: i32, %arg2: memref<100352x32xf32, #tpu.memory_space<hbm>>, %arg3: memref<800000xi32, #tpu.memory_space<hbm>>, %arg4: memref<800000xi32, #tpu.memory_space<hbm>>, %arg5: memref<100352x32xf32, #tpu.memory_space<hbm>>, %arg6: memref<128xi32, #tpu.memory_space<vmem>>, %arg7: memref<128xi32, #tpu.memory_space<vmem>>, %arg8: memref<80xi32, #tpu.memory_space<vmem>>, %arg9: memref<80xi32, #tpu.memory_space<vmem>>, %arg10: memref<128x32xf32, #tpu.memory_space<vmem>>, %arg11: memref<784x32xf32, #tpu.memory_space<vmem>>, %arg12: memref<50176x32xf32, #tpu.memory_space<vmem_shared>>, %arg13: memref<!tpu.dma_semaphore, #tpu.memory_space<semaphore_mem>>) attributes {dimension_semantics = [#tpu.dimension_semantics<core_parallel>, #tpu.dimension_semantics<subcore_parallel>], iteration_bounds = array<i64: 2, 16>, scalar_prefetch = 0 : i64, scratch_operands = 8 : i64, tpu.core_type = #tpu.core_type<sc_vector_subcore>, window_params = [{transform_indices = #map}, {transform_indices = #map1}, {transform_indices = #map1}, {transform_indices = #map}]} {
    %scan3A = arith.constant 0 : i32
    %scan3A_0 = arith.constant 0 : i32
    %scan3A_1 = arith.constant 784 : i32
    %scan3A_2 = arith.addi %scan3A_0, %scan3A_1 : i32
    %scan3A_3 = arith.constant 1 : i32
    %scan3A_4 = scf.for %scan3A_84 = %scan3A_0 to %scan3A_2 step %scan3A_3 iter_args(%scan3A_85 = %scan3A) -> (i32)  : i32 {
      %broadcast_in_dim3A = arith.constant 0.000000e+00 : f32
      %broadcast_in_dim3A_86 = vector.broadcast %broadcast_in_dim3A : f32 to vector<16xf32>
      %swap3A_87 = arith.index_cast %scan3A_84 : i32 to index
      %swap3A_88 = arith.constant 0 : index
      %swap3A_89 = tpu.vector_load %arg11[%swap3A_87, %swap3A_88] {strides = array<i32>} : memref<784x32xf32, #tpu.memory_space<vmem>>, vector<1x16xf32>,
      %swap3A_90 = vector.shape_cast %swap3A_89 : vector<1x16xf32> to vector<16xf32>
      %swap3A_91 = vector.shape_cast %broadcast_in_dim3A_86 : vector<16xf32> to vector<1x16xf32>
      tpu.vector_store %arg11[%swap3A_87, %swap3A_88], %swap3A_91 {strides = array<i32>} : memref<784x32xf32, #tpu.memory_space<vmem>>, vector<1x16xf32>,
      %broadcast_in_dim3A_92 = arith.constant 0.000000e+00 : f32
      %broadcast_in_dim3A_93 = vector.broadcast %broadcast_in_dim3A_92 : f32 to vector<16xf32>
      %swap3A_94 = arith.index_cast %scan3A_84 : i32 to index
      %swap3A_95 = arith.constant 16 : index
      %swap3A_96 = tpu.vector_load %arg11[%swap3A_94, %swap3A_95] {strides = array<i32>} : memref<784x32xf32, #tpu.memory_space<vmem>>, vector<1x16xf32>,
      %swap3A_97 = vector.shape_cast %swap3A_96 : vector<1x16xf32> to vector<16xf32>
      %swap3A_98 = vector.shape_cast %broadcast_in_dim3A_93 : vector<16xf32> to vector<1x16xf32>
      tpu.vector_store %arg11[%swap3A_94, %swap3A_95], %swap3A_98 {strides = array<i32>} : memref<784x32xf32, #tpu.memory_space<vmem>>, vector<1x16xf32>,
      %scan3A_99 = arith.constant 0 : i32
      scf.yield %scan3A_99 : i32
    }
    %scan3A_5 = arith.constant 784 : i32
    %mul3A = arith.constant 3136 : i32
    %mul3A_6 = arith.muli %arg1, %mul3A : i32
    %add3A = arith.constant 0 : i32
    %add3A_7 = arith.addi %mul3A_6, %add3A : i32
    "tpu.region"() ({
      %run_scoped3A = tpu.sem_alloc : memref<!tpu.dma_semaphore, #tpu.memory_space<semaphore_mem>>
      %dma_start3A_84 = arith.constant 0 : i32
      %dma_start3A_85 = tpu.memref_slice %arg12[%add3A_7, %dma_start3A_84] : memref<50176x32xf32, #tpu.memory_space<vmem_shared>> -> memref<784x32xf32, #tpu.memory_space<vmem_shared>>
      %dma_start3A_86 = arith.constant 0 : i32
      %dma_start3A_87 = tpu.memref_slice %arg12[%add3A_7, %dma_start3A_86] : memref<50176x32xf32, #tpu.memory_space<vmem_shared>> -> memref<784x32xf32, #tpu.memory_space<vmem_shared>>
      tpu.enqueue_dma source(%arg11 : memref<784x32xf32, #tpu.memory_space<vmem>>) target(%dma_start3A_87 : memref<784x32xf32, #tpu.memory_space<vmem_shared>>) target_semaphore(%run_scoped3A : memref<!tpu.dma_semaphore, #tpu.memory_space<semaphore_mem>>)
      %dma_wait3A_88 = arith.constant 0 : i32
      %dma_wait3A_89 = tpu.memref_slice %arg12[%add3A_7, %dma_wait3A_88] : memref<50176x32xf32, #tpu.memory_space<vmem_shared>> -> memref<784x32xf32, #tpu.memory_space<vmem_shared>>
      %dma_wait3A_90 = arith.constant 0 : i32
      %dma_wait3A_91 = tpu.memref_slice %arg12[%add3A_7, %dma_wait3A_90] : memref<50176x32xf32, #tpu.memory_space<vmem_shared>> -> memref<784x32xf32, #tpu.memory_space<vmem_shared>>
      tpu.wait_dma2 semaphore(%run_scoped3A : memref<!tpu.dma_semaphore, #tpu.memory_space<semaphore_mem>>) src(%arg11 : memref<784x32xf32, #tpu.memory_space<vmem>>) dst(%dma_wait3A_91 : memref<784x32xf32, #tpu.memory_space<vmem_shared>>)
      tpu.yield
    }) : () -> ()
    %add3A_8 = arith.constant 784 : i32
    %add3A_9 = arith.addi %mul3A_6, %add3A_8 : i32
    "tpu.region"() ({
      %run_scoped3A = tpu.sem_alloc : memref<!tpu.dma_semaphore, #tpu.memory_space<semaphore_mem>>
      %dma_start3A_84 = arith.constant 0 : i32
      %dma_start3A_85 = tpu.memref_slice %arg12[%add3A_9, %dma_start3A_84] : memref<50176x32xf32, #tpu.memory_space<vmem_shared>> -> memref<784x32xf32, #tpu.memory_space<vmem_shared>>
      %dma_start3A_86 = arith.constant 0 : i32
      %dma_start3A_87 = tpu.memref_slice %arg12[%add3A_9, %dma_start3A_86] : memref<50176x32xf32, #tpu.memory_space<vmem_shared>> -> memref<784x32xf32, #tpu.memory_space<vmem_shared>>
      tpu.enqueue_dma source(%arg11 : memref<784x32xf32, #tpu.memory_space<vmem>>) target(%dma_start3A_87 : memref<784x32xf32, #tpu.memory_space<vmem_shared>>) target_semaphore(%run_scoped3A : memref<!tpu.dma_semaphore, #tpu.memory_space<semaphore_mem>>)
      %dma_wait3A_88 = arith.constant 0 : i32
      %dma_wait3A_89 = tpu.memref_slice %arg12[%add3A_9, %dma_wait3A_88] : memref<50176x32xf32, #tpu.memory_space<vmem_shared>> -> memref<784x32xf32, #tpu.memory_space<vmem_shared>>
      %dma_wait3A_90 = arith.constant 0 : i32
      %dma_wait3A_91 = tpu.memref_slice %arg12[%add3A_9, %dma_wait3A_90] : memref<50176x32xf32, #tpu.memory_space<vmem_shared>> -> memref<784x32xf32, #tpu.memory_space<vmem_shared>>
      tpu.wait_dma2 semaphore(%run_scoped3A : memref<!tpu.dma_semaphore, #tpu.memory_space<semaphore_mem>>) src(%arg11 : memref<784x32xf32, #tpu.memory_space<vmem>>) dst(%dma_wait3A_91 : memref<784x32xf32, #tpu.memory_space<vmem_shared>>)
      tpu.yield
    }) : () -> ()
    %add3A_10 = arith.constant 1568 : i32
    %add3A_11 = arith.addi %mul3A_6, %add3A_10 : i32
    "tpu.region"() ({
      %run_scoped3A = tpu.sem_alloc : memref<!tpu.dma_semaphore, #tpu.memory_space<semaphore_mem>>
      %dma_start3A_84 = arith.constant 0 : i32
      %dma_start3A_85 = tpu.memref_slice %arg12[%add3A_11, %dma_start3A_84] : memref<50176x32xf32, #tpu.memory_space<vmem_shared>> -> memref<784x32xf32, #tpu.memory_space<vmem_shared>>
      %dma_start3A_86 = arith.constant 0 : i32
      %dma_start3A_87 = tpu.memref_slice %arg12[%add3A_11, %dma_start3A_86] : memref<50176x32xf32, #tpu.memory_space<vmem_shared>> -> memref<784x32xf32, #tpu.memory_space<vmem_shared>>
      tpu.enqueue_dma source(%arg11 : memref<784x32xf32, #tpu.memory_space<vmem>>) target(%dma_start3A_87 : memref<784x32xf32, #tpu.memory_space<vmem_shared>>) target_semaphore(%run_scoped3A : memref<!tpu.dma_semaphore, #tpu.memory_space<semaphore_mem>>)
      %dma_wait3A_88 = arith.constant 0 : i32
      %dma_wait3A_89 = tpu.memref_slice %arg12[%add3A_11, %dma_wait3A_88] : memref<50176x32xf32, #tpu.memory_space<vmem_shared>> -> memref<784x32xf32, #tpu.memory_space<vmem_shared>>
      %dma_wait3A_90 = arith.constant 0 : i32
      %dma_wait3A_91 = tpu.memref_slice %arg12[%add3A_11, %dma_wait3A_90] : memref<50176x32xf32, #tpu.memory_space<vmem_shared>> -> memref<784x32xf32, #tpu.memory_space<vmem_shared>>
      tpu.wait_dma2 semaphore(%run_scoped3A : memref<!tpu.dma_semaphore, #tpu.memory_space<semaphore_mem>>) src(%arg11 : memref<784x32xf32, #tpu.memory_space<vmem>>) dst(%dma_wait3A_91 : memref<784x32xf32, #tpu.memory_space<vmem_shared>>)
      tpu.yield
    }) : () -> ()
    %add3A_12 = arith.constant 2352 : i32
    %add3A_13 = arith.addi %mul3A_6, %add3A_12 : i32
    "tpu.region"() ({
      %run_scoped3A = tpu.sem_alloc : memref<!tpu.dma_semaphore, #tpu.memory_space<semaphore_mem>>
      %dma_start3A_84 = arith.constant 0 : i32
      %dma_start3A_85 = tpu.memref_slice %arg12[%add3A_13, %dma_start3A_84] : memref<50176x32xf32, #tpu.memory_space<vmem_shared>> -> memref<784x32xf32, #tpu.memory_space<vmem_shared>>
      %dma_start3A_86 = arith.constant 0 : i32
      %dma_start3A_87 = tpu.memref_slice %arg12[%add3A_13, %dma_start3A_86] : memref<50176x32xf32, #tpu.memory_space<vmem_shared>> -> memref<784x32xf32, #tpu.memory_space<vmem_shared>>
      tpu.enqueue_dma source(%arg11 : memref<784x32xf32, #tpu.memory_space<vmem>>) target(%dma_start3A_87 : memref<784x32xf32, #tpu.memory_space<vmem_shared>>) target_semaphore(%run_scoped3A : memref<!tpu.dma_semaphore, #tpu.memory_space<semaphore_mem>>)
      %dma_wait3A_88 = arith.constant 0 : i32
      %dma_wait3A_89 = tpu.memref_slice %arg12[%add3A_13, %dma_wait3A_88] : memref<50176x32xf32, #tpu.memory_space<vmem_shared>> -> memref<784x32xf32, #tpu.memory_space<vmem_shared>>
      %dma_wait3A_90 = arith.constant 0 : i32
      %dma_wait3A_91 = tpu.memref_slice %arg12[%add3A_13, %dma_wait3A_90] : memref<50176x32xf32, #tpu.memory_space<vmem_shared>> -> memref<784x32xf32, #tpu.memory_space<vmem_shared>>
      tpu.wait_dma2 semaphore(%run_scoped3A : memref<!tpu.dma_semaphore, #tpu.memory_space<semaphore_mem>>) src(%arg11 : memref<784x32xf32, #tpu.memory_space<vmem>>) dst(%dma_wait3A_91 : memref<784x32xf32, #tpu.memory_space<vmem_shared>>)
      tpu.yield
    }) : () -> ()
    %barrier3A = arith.constant 0 : index
    tpu.barrier barrier_id(%barrier3A)
    %mul3A_14 = arith.constant 50176 : i32
    %mul3A_15 = arith.muli %arg0, %mul3A_14 : i32
    %mul3A_16 = arith.constant 50000 : i32
    %mul3A_17 = arith.muli %arg1, %mul3A_16 : i32
    %scan3A_18 = arith.constant 0 : i32
    %scan3A_19 = arith.constant 0 : i32
    %scan3A_20 = arith.constant 390 : i32
    %scan3A_21 = arith.addi %scan3A_19, %scan3A_20 : i32
    %scan3A_22 = arith.constant 1 : i32
    %scan3A_23 = scf.for %scan3A_84 = %scan3A_19 to %scan3A_21 step %scan3A_22 iter_args(%scan3A_85 = %scan3A_18) -> (i32)  : i32 {
      %mul3A_86 = arith.constant 128 : i32
      %mul3A_87 = arith.muli %scan3A_84, %mul3A_86 : i32
      %add3A_88 = arith.addi %mul3A_17, %mul3A_87 : i32
      "tpu.region"() ({
        %run_scoped3A = tpu.sem_alloc : memref<!tpu.dma_semaphore, #tpu.memory_space<semaphore_mem>>
        %dma_start3A_174 = tpu.memref_slice %arg3[%add3A_88] : memref<800000xi32, #tpu.memory_space<hbm>> -> memref<128xi32, #tpu.memory_space<hbm>>
        %dma_start3A_175 = tpu.memref_slice %arg3[%add3A_88] : memref<800000xi32, #tpu.memory_space<hbm>> -> memref<128xi32, #tpu.memory_space<hbm>>
        tpu.enqueue_dma source(%dma_start3A_175 : memref<128xi32, #tpu.memory_space<hbm>>) target(%arg6 : memref<128xi32, #tpu.memory_space<vmem>>) target_semaphore(%run_scoped3A : memref<!tpu.dma_semaphore, #tpu.memory_space<semaphore_mem>>)
        %dma_wait3A_176 = tpu.memref_slice %arg3[%add3A_88] : memref<800000xi32, #tpu.memory_space<hbm>> -> memref<128xi32, #tpu.memory_space<hbm>>
        %dma_wait3A_177 = tpu.memref_slice %arg3[%add3A_88] : memref<800000xi32, #tpu.memory_space<hbm>> -> memref<128xi32, #tpu.memory_space<hbm>>
        tpu.wait_dma2 semaphore(%run_scoped3A : memref<!tpu.dma_semaphore, #tpu.memory_space<semaphore_mem>>) src(%dma_wait3A_177 : memref<128xi32, #tpu.memory_space<hbm>>) dst(%arg6 : memref<128xi32, #tpu.memory_space<vmem>>)
        tpu.yield
      }) : () -> ()
      "tpu.region"() ({
        %run_scoped3A = tpu.sem_alloc : memref<!tpu.dma_semaphore, #tpu.memory_space<semaphore_mem>>
        %dma_start3A_174 = tpu.memref_slice %arg4[%add3A_88] : memref<800000xi32, #tpu.memory_space<hbm>> -> memref<128xi32, #tpu.memory_space<hbm>>
        %dma_start3A_175 = tpu.memref_slice %arg4[%add3A_88] : memref<800000xi32, #tpu.memory_space<hbm>> -> memref<128xi32, #tpu.memory_space<hbm>>
        tpu.enqueue_dma source(%dma_start3A_175 : memref<128xi32, #tpu.memory_space<hbm>>) target(%arg7 : memref<128xi32, #tpu.memory_space<vmem>>) target_semaphore(%run_scoped3A : memref<!tpu.dma_semaphore, #tpu.memory_space<semaphore_mem>>)
        %dma_wait3A_176 = tpu.memref_slice %arg4[%add3A_88] : memref<800000xi32, #tpu.memory_space<hbm>> -> memref<128xi32, #tpu.memory_space<hbm>>
        %dma_wait3A_177 = tpu.memref_slice %arg4[%add3A_88] : memref<800000xi32, #tpu.memory_space<hbm>> -> memref<128xi32, #tpu.memory_space<hbm>>
        tpu.wait_dma2 semaphore(%run_scoped3A : memref<!tpu.dma_semaphore, #tpu.memory_space<semaphore_mem>>) src(%dma_wait3A_177 : memref<128xi32, #tpu.memory_space<hbm>>) dst(%arg7 : memref<128xi32, #tpu.memory_space<vmem>>)
        tpu.yield
      }) : () -> ()
      %get3A_89 = arith.constant 0 : index
      %get3A_90 = tpu.vector_load %arg6[%get3A_89] {strides = array<i32>} : memref<128xi32, #tpu.memory_space<vmem>>, vector<16xi32>,
      %get3A_91 = vector.shape_cast %get3A_90 : vector<16xi32> to vector<16xi32>
      %add3A_92 = vector.broadcast %mul3A_15 : i32 to vector<16xi32>
      %add3A_93 = arith.addi %get3A_91, %add3A_92 : vector<16xi32>
      %swap3A_94 = arith.constant 0 : index
      %swap3A_95 = tpu.vector_load %arg6[%swap3A_94] {strides = array<i32>} : memref<128xi32, #tpu.memory_space<vmem>>, vector<16xi32>,
      %swap3A_96 = vector.shape_cast %swap3A_95 : vector<16xi32> to vector<16xi32>
      %swap3A_97 = vector.shape_cast %add3A_93 : vector<16xi32> to vector<16xi32>
      tpu.vector_store %arg6[%swap3A_94], %swap3A_97 {strides = array<i32>} : memref<128xi32, #tpu.memory_space<vmem>>, vector<16xi32>,
      %get3A_98 = arith.constant 16 : index
      %get3A_99 = tpu.vector_load %arg6[%get3A_98] {strides = array<i32>} : memref<128xi32, #tpu.memory_space<vmem>>, vector<16xi32>,
      %get3A_100 = vector.shape_cast %get3A_99 : vector<16xi32> to vector<16xi32>
      %add3A_101 = vector.broadcast %mul3A_15 : i32 to vector<16xi32>
      %add3A_102 = arith.addi %get3A_100, %add3A_101 : vector<16xi32>
      %swap3A_103 = arith.constant 16 : index
      %swap3A_104 = tpu.vector_load %arg6[%swap3A_103] {strides = array<i32>} : memref<128xi32, #tpu.memory_space<vmem>>, vector<16xi32>,
      %swap3A_105 = vector.shape_cast %swap3A_104 : vector<16xi32> to vector<16xi32>
      %swap3A_106 = vector.shape_cast %add3A_102 : vector<16xi32> to vector<16xi32>
      tpu.vector_store %arg6[%swap3A_103], %swap3A_106 {strides = array<i32>} : memref<128xi32, #tpu.memory_space<vmem>>, vector<16xi32>,
      %get3A_107 = arith.constant 32 : index
      %get3A_108 = tpu.vector_load %arg6[%get3A_107] {strides = array<i32>} : memref<128xi32, #tpu.memory_space<vmem>>, vector<16xi32>,
      %get3A_109 = vector.shape_cast %get3A_108 : vector<16xi32> to vector<16xi32>
      %add3A_110 = vector.broadcast %mul3A_15 : i32 to vector<16xi32>
      %add3A_111 = arith.addi %get3A_109, %add3A_110 : vector<16xi32>
      %swap3A_112 = arith.constant 32 : index
      %swap3A_113 = tpu.vector_load %arg6[%swap3A_112] {strides = array<i32>} : memref<128xi32, #tpu.memory_space<vmem>>, vector<16xi32>,
      %swap3A_114 = vector.shape_cast %swap3A_113 : vector<16xi32> to vector<16xi32>
      %swap3A_115 = vector.shape_cast %add3A_111 : vector<16xi32> to vector<16xi32>
      tpu.vector_store %arg6[%swap3A_112], %swap3A_115 {strides = array<i32>} : memref<128xi32, #tpu.memory_space<vmem>>, vector<16xi32>,
      %get3A_116 = arith.constant 48 : index
      %get3A_117 = tpu.vector_load %arg6[%get3A_116] {strides = array<i32>} : memref<128xi32, #tpu.memory_space<vmem>>, vector<16xi32>,
      %get3A_118 = vector.shape_cast %get3A_117 : vector<16xi32> to vector<16xi32>
      %add3A_119 = vector.broadcast %mul3A_15 : i32 to vector<16xi32>
      %add3A_120 = arith.addi %get3A_118, %add3A_119 : vector<16xi32>
      %swap3A_121 = arith.constant 48 : index
      %swap3A_122 = tpu.vector_load %arg6[%swap3A_121] {strides = array<i32>} : memref<128xi32, #tpu.memory_space<vmem>>, vector<16xi32>,
      %swap3A_123 = vector.shape_cast %swap3A_122 : vector<16xi32> to vector<16xi32>
      %swap3A_124 = vector.shape_cast %add3A_120 : vector<16xi32> to vector<16xi32>
      tpu.vector_store %arg6[%swap3A_121], %swap3A_124 {strides = array<i32>} : memref<128xi32, #tpu.memory_space<vmem>>, vector<16xi32>,
      %get3A_125 = arith.constant 64 : index
      %get3A_126 = tpu.vector_load %arg6[%get3A_125] {strides = array<i32>} : memref<128xi32, #tpu.memory_space<vmem>>, vector<16xi32>,
      %get3A_127 = vector.shape_cast %get3A_126 : vector<16xi32> to vector<16xi32>
      %add3A_128 = vector.broadcast %mul3A_15 : i32 to vector<16xi32>
      %add3A_129 = arith.addi %get3A_127, %add3A_128 : vector<16xi32>
      %swap3A_130 = arith.constant 64 : index
      %swap3A_131 = tpu.vector_load %arg6[%swap3A_130] {strides = array<i32>} : memref<128xi32, #tpu.memory_space<vmem>>, vector<16xi32>,
      %swap3A_132 = vector.shape_cast %swap3A_131 : vector<16xi32> to vector<16xi32>
      %swap3A_133 = vector.shape_cast %add3A_129 : vector<16xi32> to vector<16xi32>
      tpu.vector_store %arg6[%swap3A_130], %swap3A_133 {strides = array<i32>} : memref<128xi32, #tpu.memory_space<vmem>>, vector<16xi32>,
      %get3A_134 = arith.constant 80 : index
      %get3A_135 = tpu.vector_load %arg6[%get3A_134] {strides = array<i32>} : memref<128xi32, #tpu.memory_space<vmem>>, vector<16xi32>,
      %get3A_136 = vector.shape_cast %get3A_135 : vector<16xi32> to vector<16xi32>
      %add3A_137 = vector.broadcast %mul3A_15 : i32 to vector<16xi32>
      %add3A_138 = arith.addi %get3A_136, %add3A_137 : vector<16xi32>
      %swap3A_139 = arith.constant 80 : index
      %swap3A_140 = tpu.vector_load %arg6[%swap3A_139] {strides = array<i32>} : memref<128xi32, #tpu.memory_space<vmem>>, vector<16xi32>,
      %swap3A_141 = vector.shape_cast %swap3A_140 : vector<16xi32> to vector<16xi32>
      %swap3A_142 = vector.shape_cast %add3A_138 : vector<16xi32> to vector<16xi32>
      tpu.vector_store %arg6[%swap3A_139], %swap3A_142 {strides = array<i32>} : memref<128xi32, #tpu.memory_space<vmem>>, vector<16xi32>,
      %get3A_143 = arith.constant 96 : index
      %get3A_144 = tpu.vector_load %arg6[%get3A_143] {strides = array<i32>} : memref<128xi32, #tpu.memory_space<vmem>>, vector<16xi32>,
      %get3A_145 = vector.shape_cast %get3A_144 : vector<16xi32> to vector<16xi32>
      %add3A_146 = vector.broadcast %mul3A_15 : i32 to vector<16xi32>
      %add3A_147 = arith.addi %get3A_145, %add3A_146 : vector<16xi32>
      %swap3A_148 = arith.constant 96 : index
      %swap3A_149 = tpu.vector_load %arg6[%swap3A_148] {strides = array<i32>} : memref<128xi32, #tpu.memory_space<vmem>>, vector<16xi32>,
      %swap3A_150 = vector.shape_cast %swap3A_149 : vector<16xi32> to vector<16xi32>
      %swap3A_151 = vector.shape_cast %add3A_147 : vector<16xi32> to vector<16xi32>
      tpu.vector_store %arg6[%swap3A_148], %swap3A_151 {strides = array<i32>} : memref<128xi32, #tpu.memory_space<vmem>>, vector<16xi32>,
      %get3A_152 = arith.constant 112 : index
      %get3A_153 = tpu.vector_load %arg6[%get3A_152] {strides = array<i32>} : memref<128xi32, #tpu.memory_space<vmem>>, vector<16xi32>,
      %get3A_154 = vector.shape_cast %get3A_153 : vector<16xi32> to vector<16xi32>
      %add3A_155 = vector.broadcast %mul3A_15 : i32 to vector<16xi32>
      %add3A_156 = arith.addi %get3A_154, %add3A_155 : vector<16xi32>
      %swap3A_157 = arith.constant 112 : index
      %swap3A_158 = tpu.vector_load %arg6[%swap3A_157] {strides = array<i32>} : memref<128xi32, #tpu.memory_space<vmem>>, vector<16xi32>,
      %swap3A_159 = vector.shape_cast %swap3A_158 : vector<16xi32> to vector<16xi32>
      %swap3A_160 = vector.shape_cast %add3A_156 : vector<16xi32> to vector<16xi32>
      tpu.vector_store %arg6[%swap3A_157], %swap3A_160 {strides = array<i32>} : memref<128xi32, #tpu.memory_space<vmem>>, vector<16xi32>,
      %dma_start3A_161 = arith.constant 0 : i32
      %dma_start3A_162 = arith.constant 0 : i32
      %dma_start3A_163 = tpu.memref_slice %arg10[%dma_start3A_161, %dma_start3A_162] : memref<128x32xf32, #tpu.memory_space<vmem>> -> memref<128x32xf32, #tpu.memory_space<vmem>>
      %dma_start3A_164 = arith.constant 0 : i32
      %dma_start3A_165 = arith.constant 0 : i32
      %dma_start3A_166 = tpu.memref_slice %arg2[%dma_start3A_164, %dma_start3A_165] : memref<100352x32xf32, #tpu.memory_space<hbm>> -> memref<100352x32xf32, #tpu.memory_space<hbm>>
      tpu.enqueue_indirect_dma source(%dma_start3A_166 : memref<100352x32xf32, #tpu.memory_space<hbm>>) target(%dma_start3A_163 : memref<128x32xf32, #tpu.memory_space<vmem>>) offsets(%arg6 : memref<128xi32, #tpu.memory_space<vmem>>) semaphore(%arg13 : memref<!tpu.dma_semaphore, #tpu.memory_space<semaphore_mem>>)
      %dma_wait3A_167 = arith.constant 0 : i32
      %dma_wait3A_168 = arith.constant 0 : i32
      %dma_wait3A_169 = tpu.memref_slice %arg10[%dma_wait3A_167, %dma_wait3A_168] : memref<128x32xf32, #tpu.memory_space<vmem>> -> memref<128x32xf32, #tpu.memory_space<vmem>>
      %dma_wait3A_170 = arith.constant 0 : i32
      %dma_wait3A_171 = arith.constant 0 : i32
      %dma_wait3A_172 = tpu.memref_slice %arg2[%dma_wait3A_170, %dma_wait3A_171] : memref<100352x32xf32, #tpu.memory_space<hbm>> -> memref<100352x32xf32, #tpu.memory_space<hbm>>
      tpu.wait_indirect_dma semaphore(%arg13 : memref<!tpu.dma_semaphore, #tpu.memory_space<semaphore_mem>>) src(%dma_wait3A_172 : memref<100352x32xf32, #tpu.memory_space<hbm>>) dst(%dma_wait3A_169 : memref<128x32xf32, #tpu.memory_space<vmem>>)
      "tpu.region"() ({
        %run_scoped3A = tpu.sem_alloc : memref<!tpu.dma_semaphore, #tpu.memory_space<semaphore_mem>>
        %dma_start3A_174 = arith.constant 0 : i32
        %dma_start3A_175 = arith.constant 0 : i32
        %dma_start3A_176 = tpu.memref_slice %arg10[%dma_start3A_174, %dma_start3A_175] : memref<128x32xf32, #tpu.memory_space<vmem>> -> memref<128x32xf32, #tpu.memory_space<vmem>>
        %dma_start3A_177 = arith.constant 0 : i32
        %dma_start3A_178 = arith.constant 0 : i32
        %dma_start3A_179 = tpu.memref_slice %arg12[%dma_start3A_177, %dma_start3A_178] : memref<50176x32xf32, #tpu.memory_space<vmem_shared>> -> memref<50176x32xf32, #tpu.memory_space<vmem_shared>>
        tpu.enqueue_indirect_dma source(%dma_start3A_176 : memref<128x32xf32, #tpu.memory_space<vmem>>) target(%dma_start3A_179 : memref<50176x32xf32, #tpu.memory_space<vmem_shared>>) offsets(%arg7 : memref<128xi32, #tpu.memory_space<vmem>>) semaphore(%run_scoped3A : memref<!tpu.dma_semaphore, #tpu.memory_space<semaphore_mem>>) {add = true}
        %dma_wait3A_180 = arith.constant 0 : i32
        %dma_wait3A_181 = arith.constant 0 : i32
        %dma_wait3A_182 = tpu.memref_slice %arg10[%dma_wait3A_180, %dma_wait3A_181] : memref<128x32xf32, #tpu.memory_space<vmem>> -> memref<128x32xf32, #tpu.memory_space<vmem>>
        %dma_wait3A_183 = arith.constant 0 : i32
        %dma_wait3A_184 = arith.constant 0 : i32
        %dma_wait3A_185 = tpu.memref_slice %arg12[%dma_wait3A_183, %dma_wait3A_184] : memref<50176x32xf32, #tpu.memory_space<vmem_shared>> -> memref<50176x32xf32, #tpu.memory_space<vmem_shared>>
        tpu.wait_indirect_dma semaphore(%run_scoped3A : memref<!tpu.dma_semaphore, #tpu.memory_space<semaphore_mem>>) src(%dma_wait3A_182 : memref<128x32xf32, #tpu.memory_space<vmem>>) dst(%dma_wait3A_185 : memref<50176x32xf32, #tpu.memory_space<vmem_shared>>)
        tpu.yield
      }) : () -> ()
      %scan3A_173 = arith.constant 0 : i32
      scf.yield %scan3A_173 : i32
    }
    %scan3A_24 = arith.constant 390 : i32
    %add3A_25 = arith.constant 49920 : i32
    %add3A_26 = arith.addi %mul3A_17, %add3A_25 : i32
    "tpu.region"() ({
      %run_scoped3A = tpu.sem_alloc : memref<!tpu.dma_semaphore, #tpu.memory_space<semaphore_mem>>
      %dma_start3A_84 = tpu.memref_slice %arg3[%add3A_26] : memref<800000xi32, #tpu.memory_space<hbm>> -> memref<80xi32, #tpu.memory_space<hbm>>
      %dma_start3A_85 = tpu.memref_slice %arg3[%add3A_26] : memref<800000xi32, #tpu.memory_space<hbm>> -> memref<80xi32, #tpu.memory_space<hbm>>
      tpu.enqueue_dma source(%dma_start3A_85 : memref<80xi32, #tpu.memory_space<hbm>>) target(%arg8 : memref<80xi32, #tpu.memory_space<vmem>>) target_semaphore(%run_scoped3A : memref<!tpu.dma_semaphore, #tpu.memory_space<semaphore_mem>>)
      %dma_wait3A_86 = tpu.memref_slice %arg3[%add3A_26] : memref<800000xi32, #tpu.memory_space<hbm>> -> memref<80xi32, #tpu.memory_space<hbm>>
      %dma_wait3A_87 = tpu.memref_slice %arg3[%add3A_26] : memref<800000xi32, #tpu.memory_space<hbm>> -> memref<80xi32, #tpu.memory_space<hbm>>
      tpu.wait_dma2 semaphore(%run_scoped3A : memref<!tpu.dma_semaphore, #tpu.memory_space<semaphore_mem>>) src(%dma_wait3A_87 : memref<80xi32, #tpu.memory_space<hbm>>) dst(%arg8 : memref<80xi32, #tpu.memory_space<vmem>>)
      tpu.yield
    }) : () -> ()
    "tpu.region"() ({
      %run_scoped3A = tpu.sem_alloc : memref<!tpu.dma_semaphore, #tpu.memory_space<semaphore_mem>>
      %dma_start3A_84 = tpu.memref_slice %arg4[%add3A_26] : memref<800000xi32, #tpu.memory_space<hbm>> -> memref<80xi32, #tpu.memory_space<hbm>>
      %dma_start3A_85 = tpu.memref_slice %arg4[%add3A_26] : memref<800000xi32, #tpu.memory_space<hbm>> -> memref<80xi32, #tpu.memory_space<hbm>>
      tpu.enqueue_dma source(%dma_start3A_85 : memref<80xi32, #tpu.memory_space<hbm>>) target(%arg9 : memref<80xi32, #tpu.memory_space<vmem>>) target_semaphore(%run_scoped3A : memref<!tpu.dma_semaphore, #tpu.memory_space<semaphore_mem>>)
      %dma_wait3A_86 = tpu.memref_slice %arg4[%add3A_26] : memref<800000xi32, #tpu.memory_space<hbm>> -> memref<80xi32, #tpu.memory_space<hbm>>
      %dma_wait3A_87 = tpu.memref_slice %arg4[%add3A_26] : memref<800000xi32, #tpu.memory_space<hbm>> -> memref<80xi32, #tpu.memory_space<hbm>>
      tpu.wait_dma2 semaphore(%run_scoped3A : memref<!tpu.dma_semaphore, #tpu.memory_space<semaphore_mem>>) src(%dma_wait3A_87 : memref<80xi32, #tpu.memory_space<hbm>>) dst(%arg9 : memref<80xi32, #tpu.memory_space<vmem>>)
      tpu.yield
    }) : () -> ()
    %get3A = arith.constant 0 : index
    %get3A_27 = tpu.vector_load %arg8[%get3A] {strides = array<i32>} : memref<80xi32, #tpu.memory_space<vmem>>, vector<16xi32>,
    %get3A_28 = vector.shape_cast %get3A_27 : vector<16xi32> to vector<16xi32>
    %add3A_29 = vector.broadcast %mul3A_15 : i32 to vector<16xi32>
    %add3A_30 = arith.addi %get3A_28, %add3A_29 : vector<16xi32>
    %swap3A = arith.constant 0 : index
    %swap3A_31 = tpu.vector_load %arg8[%swap3A] {strides = array<i32>} : memref<80xi32, #tpu.memory_space<vmem>>, vector<16xi32>,
    %swap3A_32 = vector.shape_cast %swap3A_31 : vector<16xi32> to vector<16xi32>
    %swap3A_33 = vector.shape_cast %add3A_30 : vector<16xi32> to vector<16xi32>
    tpu.vector_store %arg8[%swap3A], %swap3A_33 {strides = array<i32>} : memref<80xi32, #tpu.memory_space<vmem>>, vector<16xi32>,
    %get3A_34 = arith.constant 16 : index
    %get3A_35 = tpu.vector_load %arg8[%get3A_34] {strides = array<i32>} : memref<80xi32, #tpu.memory_space<vmem>>, vector<16xi32>,
    %get3A_36 = vector.shape_cast %get3A_35 : vector<16xi32> to vector<16xi32>
    %add3A_37 = vector.broadcast %mul3A_15 : i32 to vector<16xi32>
    %add3A_38 = arith.addi %get3A_36, %add3A_37 : vector<16xi32>
    %swap3A_39 = arith.constant 16 : index
    %swap3A_40 = tpu.vector_load %arg8[%swap3A_39] {strides = array<i32>} : memref<80xi32, #tpu.memory_space<vmem>>, vector<16xi32>,
    %swap3A_41 = vector.shape_cast %swap3A_40 : vector<16xi32> to vector<16xi32>
    %swap3A_42 = vector.shape_cast %add3A_38 : vector<16xi32> to vector<16xi32>
    tpu.vector_store %arg8[%swap3A_39], %swap3A_42 {strides = array<i32>} : memref<80xi32, #tpu.memory_space<vmem>>, vector<16xi32>,
    %get3A_43 = arith.constant 32 : index
    %get3A_44 = tpu.vector_load %arg8[%get3A_43] {strides = array<i32>} : memref<80xi32, #tpu.memory_space<vmem>>, vector<16xi32>,
    %get3A_45 = vector.shape_cast %get3A_44 : vector<16xi32> to vector<16xi32>
    %add3A_46 = vector.broadcast %mul3A_15 : i32 to vector<16xi32>
    %add3A_47 = arith.addi %get3A_45, %add3A_46 : vector<16xi32>
    %swap3A_48 = arith.constant 32 : index
    %swap3A_49 = tpu.vector_load %arg8[%swap3A_48] {strides = array<i32>} : memref<80xi32, #tpu.memory_space<vmem>>, vector<16xi32>,
    %swap3A_50 = vector.shape_cast %swap3A_49 : vector<16xi32> to vector<16xi32>
    %swap3A_51 = vector.shape_cast %add3A_47 : vector<16xi32> to vector<16xi32>
    tpu.vector_store %arg8[%swap3A_48], %swap3A_51 {strides = array<i32>} : memref<80xi32, #tpu.memory_space<vmem>>, vector<16xi32>,
    %get3A_52 = arith.constant 48 : index
    %get3A_53 = tpu.vector_load %arg8[%get3A_52] {strides = array<i32>} : memref<80xi32, #tpu.memory_space<vmem>>, vector<16xi32>,
    %get3A_54 = vector.shape_cast %get3A_53 : vector<16xi32> to vector<16xi32>
    %add3A_55 = vector.broadcast %mul3A_15 : i32 to vector<16xi32>
    %add3A_56 = arith.addi %get3A_54, %add3A_55 : vector<16xi32>
    %swap3A_57 = arith.constant 48 : index
    %swap3A_58 = tpu.vector_load %arg8[%swap3A_57] {strides = array<i32>} : memref<80xi32, #tpu.memory_space<vmem>>, vector<16xi32>,
    %swap3A_59 = vector.shape_cast %swap3A_58 : vector<16xi32> to vector<16xi32>
    %swap3A_60 = vector.shape_cast %add3A_56 : vector<16xi32> to vector<16xi32>
    tpu.vector_store %arg8[%swap3A_57], %swap3A_60 {strides = array<i32>} : memref<80xi32, #tpu.memory_space<vmem>>, vector<16xi32>,
    %get3A_61 = arith.constant 64 : index
    %get3A_62 = tpu.vector_load %arg8[%get3A_61] {strides = array<i32>} : memref<80xi32, #tpu.memory_space<vmem>>, vector<16xi32>,
    %get3A_63 = vector.shape_cast %get3A_62 : vector<16xi32> to vector<16xi32>
    %add3A_64 = vector.broadcast %mul3A_15 : i32 to vector<16xi32>
    %add3A_65 = arith.addi %get3A_63, %add3A_64 : vector<16xi32>
    %swap3A_66 = arith.constant 64 : index
    %swap3A_67 = tpu.vector_load %arg8[%swap3A_66] {strides = array<i32>} : memref<80xi32, #tpu.memory_space<vmem>>, vector<16xi32>,
    %swap3A_68 = vector.shape_cast %swap3A_67 : vector<16xi32> to vector<16xi32>
    %swap3A_69 = vector.shape_cast %add3A_65 : vector<16xi32> to vector<16xi32>
    tpu.vector_store %arg8[%swap3A_66], %swap3A_69 {strides = array<i32>} : memref<80xi32, #tpu.memory_space<vmem>>, vector<16xi32>,
    %dma_start3A = arith.constant 0 : i32
    %dma_start3A_70 = arith.constant 0 : i32
    %dma_start3A_71 = tpu.memref_slice %arg10[%dma_start3A, %dma_start3A_70] : memref<128x32xf32, #tpu.memory_space<vmem>> -> memref<80x32xf32, #tpu.memory_space<vmem>>
    %dma_start3A_72 = arith.constant 0 : i32
    %dma_start3A_73 = arith.constant 0 : i32
    %dma_start3A_74 = tpu.memref_slice %arg2[%dma_start3A_72, %dma_start3A_73] : memref<100352x32xf32, #tpu.memory_space<hbm>> -> memref<100352x32xf32, #tpu.memory_space<hbm>>
    tpu.enqueue_indirect_dma source(%dma_start3A_74 : memref<100352x32xf32, #tpu.memory_space<hbm>>) target(%dma_start3A_71 : memref<80x32xf32, #tpu.memory_space<vmem>>) offsets(%arg8 : memref<80xi32, #tpu.memory_space<vmem>>) semaphore(%arg13 : memref<!tpu.dma_semaphore, #tpu.memory_space<semaphore_mem>>)
    %dma_wait3A = arith.constant 0 : i32
    %dma_wait3A_75 = arith.constant 0 : i32
    %dma_wait3A_76 = tpu.memref_slice %arg10[%dma_wait3A, %dma_wait3A_75] : memref<128x32xf32, #tpu.memory_space<vmem>> -> memref<80x32xf32, #tpu.memory_space<vmem>>
    %dma_wait3A_77 = arith.constant 0 : i32
    %dma_wait3A_78 = arith.constant 0 : i32
    %dma_wait3A_79 = tpu.memref_slice %arg2[%dma_wait3A_77, %dma_wait3A_78] : memref<100352x32xf32, #tpu.memory_space<hbm>> -> memref<100352x32xf32, #tpu.memory_space<hbm>>
    tpu.wait_indirect_dma semaphore(%arg13 : memref<!tpu.dma_semaphore, #tpu.memory_space<semaphore_mem>>) src(%dma_wait3A_79 : memref<100352x32xf32, #tpu.memory_space<hbm>>) dst(%dma_wait3A_76 : memref<80x32xf32, #tpu.memory_space<vmem>>)
    "tpu.region"() ({
      %run_scoped3A = tpu.sem_alloc : memref<!tpu.dma_semaphore, #tpu.memory_space<semaphore_mem>>
      %dma_start3A_84 = arith.constant 0 : i32
      %dma_start3A_85 = arith.constant 0 : i32
      %dma_start3A_86 = tpu.memref_slice %arg10[%dma_start3A_84, %dma_start3A_85] : memref<128x32xf32, #tpu.memory_space<vmem>> -> memref<80x32xf32, #tpu.memory_space<vmem>>
      %dma_start3A_87 = arith.constant 0 : i32
      %dma_start3A_88 = arith.constant 0 : i32
      %dma_start3A_89 = tpu.memref_slice %arg12[%dma_start3A_87, %dma_start3A_88] : memref<50176x32xf32, #tpu.memory_space<vmem_shared>> -> memref<50176x32xf32, #tpu.memory_space<vmem_shared>>
      tpu.enqueue_indirect_dma source(%dma_start3A_86 : memref<80x32xf32, #tpu.memory_space<vmem>>) target(%dma_start3A_89 : memref<50176x32xf32, #tpu.memory_space<vmem_shared>>) offsets(%arg9 : memref<80xi32, #tpu.memory_space<vmem>>) semaphore(%run_scoped3A : memref<!tpu.dma_semaphore, #tpu.memory_space<semaphore_mem>>) {add = true}
      %dma_wait3A_90 = arith.constant 0 : i32
      %dma_wait3A_91 = arith.constant 0 : i32
      %dma_wait3A_92 = tpu.memref_slice %arg10[%dma_wait3A_90, %dma_wait3A_91] : memref<128x32xf32, #tpu.memory_space<vmem>> -> memref<80x32xf32, #tpu.memory_space<vmem>>
      %dma_wait3A_93 = arith.constant 0 : i32
      %dma_wait3A_94 = arith.constant 0 : i32
      %dma_wait3A_95 = tpu.memref_slice %arg12[%dma_wait3A_93, %dma_wait3A_94] : memref<50176x32xf32, #tpu.memory_space<vmem_shared>> -> memref<50176x32xf32, #tpu.memory_space<vmem_shared>>
      tpu.wait_indirect_dma semaphore(%run_scoped3A : memref<!tpu.dma_semaphore, #tpu.memory_space<semaphore_mem>>) src(%dma_wait3A_92 : memref<80x32xf32, #tpu.memory_space<vmem>>) dst(%dma_wait3A_95 : memref<50176x32xf32, #tpu.memory_space<vmem_shared>>)
      tpu.yield
    }) : () -> ()
    %barrier3A_80 = arith.constant 0 : index
    tpu.barrier barrier_id(%barrier3A_80)
    %mul3A_81 = arith.constant 50176 : i32
    %mul3A_82 = arith.muli %arg0, %mul3A_81 : i32
    %add3A_83 = arith.addi %mul3A_82, %mul3A_6 : i32
    "tpu.region"() ({
      %run_scoped3A = tpu.sem_alloc : memref<!tpu.dma_semaphore, #tpu.memory_space<semaphore_mem>>
      %dma_start3A_84 = arith.constant 0 : i32
      %dma_start3A_85 = tpu.memref_slice %arg5[%add3A_83, %dma_start3A_84] : memref<100352x32xf32, #tpu.memory_space<hbm>> -> memref<3136x32xf32, #tpu.memory_space<hbm>>
      %dma_start3A_86 = arith.constant 0 : i32
      %dma_start3A_87 = tpu.memref_slice %arg12[%mul3A_6, %dma_start3A_86] : memref<50176x32xf32, #tpu.memory_space<vmem_shared>> -> memref<3136x32xf32, #tpu.memory_space<vmem_shared>>
      tpu.enqueue_dma source(%dma_start3A_87 : memref<3136x32xf32, #tpu.memory_space<vmem_shared>>) target(%dma_start3A_85 : memref<3136x32xf32, #tpu.memory_space<hbm>>) target_semaphore(%run_scoped3A : memref<!tpu.dma_semaphore, #tpu.memory_space<semaphore_mem>>)
      %dma_wait3A_88 = arith.constant 0 : i32
      %dma_wait3A_89 = tpu.memref_slice %arg5[%add3A_83, %dma_wait3A_88] : memref<100352x32xf32, #tpu.memory_space<hbm>> -> memref<3136x32xf32, #tpu.memory_space<hbm>>
      %dma_wait3A_90 = arith.constant 0 : i32
      %dma_wait3A_91 = tpu.memref_slice %arg12[%mul3A_6, %dma_wait3A_90] : memref<50176x32xf32, #tpu.memory_space<vmem_shared>> -> memref<3136x32xf32, #tpu.memory_space<vmem_shared>>
      tpu.wait_dma2 semaphore(%run_scoped3A : memref<!tpu.dma_semaphore, #tpu.memory_space<semaphore_mem>>) src(%dma_wait3A_91 : memref<3136x32xf32, #tpu.memory_space<vmem_shared>>) dst(%dma_wait3A_89 : memref<3136x32xf32, #tpu.memory_space<hbm>>)
      tpu.yield
    }) : () -> ()
    return
  }
}

#map = affine_map<(d0, d1) -> (0, 0)>
#map1 = affine_map<(d0, d1) -> (0)>
module attributes {stable_mosaic.version = 14 : i64} {
  func.func @_layer_body(%arg0: i32, %arg1: i32, %arg2: memref<100352x32xf32, #tpu.memory_space<hbm>>, %arg3: memref<800000xi32, #tpu.memory_space<hbm>>, %arg4: memref<800000xi32, #tpu.memory_space<hbm>>, %arg5: memref<100352x32xf32, #tpu.memory_space<hbm>>, %arg6: memref<128xi32, #tpu.memory_space<vmem>>, %arg7: memref<128xi32, #tpu.memory_space<vmem>>, %arg8: memref<80xi32, #tpu.memory_space<vmem>>, %arg9: memref<80xi32, #tpu.memory_space<vmem>>, %arg10: memref<128x32xf32, #tpu.memory_space<vmem>>, %arg11: memref<784x32xf32, #tpu.memory_space<vmem>>, %arg12: memref<50176x32xf32, #tpu.memory_space<vmem_shared>>, %arg13: memref<!tpu.dma_semaphore, #tpu.memory_space<semaphore_mem>>) attributes {dimension_semantics = [#tpu.dimension_semantics<core_parallel>, #tpu.dimension_semantics<subcore_parallel>], iteration_bounds = array<i64: 2, 16>, scalar_prefetch = 0 : i64, scratch_operands = 8 : i64, tpu.core_type = #tpu.core_type<sc_vector_subcore>, window_params = [{transform_indices = #map}, {transform_indices = #map1}, {transform_indices = #map1}, {transform_indices = #map}]} {
    %scan3A = arith.constant 0 : i32
    %scan3A_0 = arith.constant 0 : i32
    %scan3A_1 = arith.constant 784 : i32
    %scan3A_2 = arith.addi %scan3A_0, %scan3A_1 : i32
    %scan3A_3 = arith.constant 1 : i32
    %scan3A_4 = scf.for %scan3A_84 = %scan3A_0 to %scan3A_2 step %scan3A_3 iter_args(%scan3A_85 = %scan3A) -> (i32)  : i32 {
      %broadcast_in_dim3A = arith.constant 0.000000e+00 : f32
      %broadcast_in_dim3A_86 = vector.broadcast %broadcast_in_dim3A : f32 to vector<16xf32>
      %swap3A_87 = arith.index_cast %scan3A_84 : i32 to index
      %swap3A_88 = arith.constant 0 : index
      %swap3A_89 = tpu.vector_load %arg11[%swap3A_87, %swap3A_88] {strides = array<i32>} : memref<784x32xf32, #tpu.memory_space<vmem>>, vector<1x16xf32>,
      %swap3A_90 = vector.shape_cast %swap3A_89 : vector<1x16xf32> to vector<16xf32>
      %swap3A_91 = vector.shape_cast %broadcast_in_dim3A_86 : vector<16xf32> to vector<1x16xf32>
      tpu.vector_store %arg11[%swap3A_87, %swap3A_88], %swap3A_91 {strides = array<i32>} : memref<784x32xf32, #tpu.memory_space<vmem>>, vector<1x16xf32>,
      %broadcast_in_dim3A_92 = arith.constant 0.000000e+00 : f32
      %broadcast_in_dim3A_93 = vector.broadcast %broadcast_in_dim3A_92 : f32 to vector<16xf32>
      %swap3A_94 = arith.index_cast %scan3A_84 : i32 to index
      %swap3A_95 = arith.constant 16 : index
      %swap3A_96 = tpu.vector_load %arg11[%swap3A_94, %swap3A_95] {strides = array<i32>} : memref<784x32xf32, #tpu.memory_space<vmem>>, vector<1x16xf32>,
      %swap3A_97 = vector.shape_cast %swap3A_96 : vector<1x16xf32> to vector<16xf32>
      %swap3A_98 = vector.shape_cast %broadcast_in_dim3A_93 : vector<16xf32> to vector<1x16xf32>
      tpu.vector_store %arg11[%swap3A_94, %swap3A_95], %swap3A_98 {strides = array<i32>} : memref<784x32xf32, #tpu.memory_space<vmem>>, vector<1x16xf32>,
      %scan3A_99 = arith.constant 0 : i32
      scf.yield %scan3A_99 : i32
    }
    %scan3A_5 = arith.constant 784 : i32
    %mul3A = arith.constant 3136 : i32
    %mul3A_6 = arith.muli %arg1, %mul3A : i32
    %add3A = arith.constant 0 : i32
    %add3A_7 = arith.addi %mul3A_6, %add3A : i32
    "tpu.region"() ({
      %run_scoped3A = tpu.sem_alloc : memref<!tpu.dma_semaphore, #tpu.memory_space<semaphore_mem>>
      %dma_start3A_84 = arith.constant 0 : i32
      %dma_start3A_85 = tpu.memref_slice %arg12[%add3A_7, %dma_start3A_84] : memref<50176x32xf32, #tpu.memory_space<vmem_shared>> -> memref<784x32xf32, #tpu.memory_space<vmem_shared>>
      %dma_start3A_86 = arith.constant 0 : i32
      %dma_start3A_87 = tpu.memref_slice %arg12[%add3A_7, %dma_start3A_86] : memref<50176x32xf32, #tpu.memory_space<vmem_shared>> -> memref<784x32xf32, #tpu.memory_space<vmem_shared>>
      tpu.enqueue_dma source(%arg11 : memref<784x32xf32, #tpu.memory_space<vmem>>) target(%dma_start3A_87 : memref<784x32xf32, #tpu.memory_space<vmem_shared>>) target_semaphore(%run_scoped3A : memref<!tpu.dma_semaphore, #tpu.memory_space<semaphore_mem>>)
      %dma_wait3A_88 = arith.constant 0 : i32
      %dma_wait3A_89 = tpu.memref_slice %arg12[%add3A_7, %dma_wait3A_88] : memref<50176x32xf32, #tpu.memory_space<vmem_shared>> -> memref<784x32xf32, #tpu.memory_space<vmem_shared>>
      %dma_wait3A_90 = arith.constant 0 : i32
      %dma_wait3A_91 = tpu.memref_slice %arg12[%add3A_7, %dma_wait3A_90] : memref<50176x32xf32, #tpu.memory_space<vmem_shared>> -> memref<784x32xf32, #tpu.memory_space<vmem_shared>>
      tpu.wait_dma2 semaphore(%run_scoped3A : memref<!tpu.dma_semaphore, #tpu.memory_space<semaphore_mem>>) src(%arg11 : memref<784x32xf32, #tpu.memory_space<vmem>>) dst(%dma_wait3A_91 : memref<784x32xf32, #tpu.memory_space<vmem_shared>>)
      tpu.yield
    }) : () -> ()
    %add3A_8 = arith.constant 784 : i32
    %add3A_9 = arith.addi %mul3A_6, %add3A_8 : i32
    "tpu.region"() ({
      %run_scoped3A = tpu.sem_alloc : memref<!tpu.dma_semaphore, #tpu.memory_space<semaphore_mem>>
      %dma_start3A_84 = arith.constant 0 : i32
      %dma_start3A_85 = tpu.memref_slice %arg12[%add3A_9, %dma_start3A_84] : memref<50176x32xf32, #tpu.memory_space<vmem_shared>> -> memref<784x32xf32, #tpu.memory_space<vmem_shared>>
      %dma_start3A_86 = arith.constant 0 : i32
      %dma_start3A_87 = tpu.memref_slice %arg12[%add3A_9, %dma_start3A_86] : memref<50176x32xf32, #tpu.memory_space<vmem_shared>> -> memref<784x32xf32, #tpu.memory_space<vmem_shared>>
      tpu.enqueue_dma source(%arg11 : memref<784x32xf32, #tpu.memory_space<vmem>>) target(%dma_start3A_87 : memref<784x32xf32, #tpu.memory_space<vmem_shared>>) target_semaphore(%run_scoped3A : memref<!tpu.dma_semaphore, #tpu.memory_space<semaphore_mem>>)
      %dma_wait3A_88 = arith.constant 0 : i32
      %dma_wait3A_89 = tpu.memref_slice %arg12[%add3A_9, %dma_wait3A_88] : memref<50176x32xf32, #tpu.memory_space<vmem_shared>> -> memref<784x32xf32, #tpu.memory_space<vmem_shared>>
      %dma_wait3A_90 = arith.constant 0 : i32
      %dma_wait3A_91 = tpu.memref_slice %arg12[%add3A_9, %dma_wait3A_90] : memref<50176x32xf32, #tpu.memory_space<vmem_shared>> -> memref<784x32xf32, #tpu.memory_space<vmem_shared>>
      tpu.wait_dma2 semaphore(%run_scoped3A : memref<!tpu.dma_semaphore, #tpu.memory_space<semaphore_mem>>) src(%arg11 : memref<784x32xf32, #tpu.memory_space<vmem>>) dst(%dma_wait3A_91 : memref<784x32xf32, #tpu.memory_space<vmem_shared>>)
      tpu.yield
    }) : () -> ()
    %add3A_10 = arith.constant 1568 : i32
    %add3A_11 = arith.addi %mul3A_6, %add3A_10 : i32
    "tpu.region"() ({
      %run_scoped3A = tpu.sem_alloc : memref<!tpu.dma_semaphore, #tpu.memory_space<semaphore_mem>>
      %dma_start3A_84 = arith.constant 0 : i32
      %dma_start3A_85 = tpu.memref_slice %arg12[%add3A_11, %dma_start3A_84] : memref<50176x32xf32, #tpu.memory_space<vmem_shared>> -> memref<784x32xf32, #tpu.memory_space<vmem_shared>>
      %dma_start3A_86 = arith.constant 0 : i32
      %dma_start3A_87 = tpu.memref_slice %arg12[%add3A_11, %dma_start3A_86] : memref<50176x32xf32, #tpu.memory_space<vmem_shared>> -> memref<784x32xf32, #tpu.memory_space<vmem_shared>>
      tpu.enqueue_dma source(%arg11 : memref<784x32xf32, #tpu.memory_space<vmem>>) target(%dma_start3A_87 : memref<784x32xf32, #tpu.memory_space<vmem_shared>>) target_semaphore(%run_scoped3A : memref<!tpu.dma_semaphore, #tpu.memory_space<semaphore_mem>>)
      %dma_wait3A_88 = arith.constant 0 : i32
      %dma_wait3A_89 = tpu.memref_slice %arg12[%add3A_11, %dma_wait3A_88] : memref<50176x32xf32, #tpu.memory_space<vmem_shared>> -> memref<784x32xf32, #tpu.memory_space<vmem_shared>>
      %dma_wait3A_90 = arith.constant 0 : i32
      %dma_wait3A_91 = tpu.memref_slice %arg12[%add3A_11, %dma_wait3A_90] : memref<50176x32xf32, #tpu.memory_space<vmem_shared>> -> memref<784x32xf32, #tpu.memory_space<vmem_shared>>
      tpu.wait_dma2 semaphore(%run_scoped3A : memref<!tpu.dma_semaphore, #tpu.memory_space<semaphore_mem>>) src(%arg11 : memref<784x32xf32, #tpu.memory_space<vmem>>) dst(%dma_wait3A_91 : memref<784x32xf32, #tpu.memory_space<vmem_shared>>)
      tpu.yield
    }) : () -> ()
    %add3A_12 = arith.constant 2352 : i32
    %add3A_13 = arith.addi %mul3A_6, %add3A_12 : i32
    "tpu.region"() ({
      %run_scoped3A = tpu.sem_alloc : memref<!tpu.dma_semaphore, #tpu.memory_space<semaphore_mem>>
      %dma_start3A_84 = arith.constant 0 : i32
      %dma_start3A_85 = tpu.memref_slice %arg12[%add3A_13, %dma_start3A_84] : memref<50176x32xf32, #tpu.memory_space<vmem_shared>> -> memref<784x32xf32, #tpu.memory_space<vmem_shared>>
      %dma_start3A_86 = arith.constant 0 : i32
      %dma_start3A_87 = tpu.memref_slice %arg12[%add3A_13, %dma_start3A_86] : memref<50176x32xf32, #tpu.memory_space<vmem_shared>> -> memref<784x32xf32, #tpu.memory_space<vmem_shared>>
      tpu.enqueue_dma source(%arg11 : memref<784x32xf32, #tpu.memory_space<vmem>>) target(%dma_start3A_87 : memref<784x32xf32, #tpu.memory_space<vmem_shared>>) target_semaphore(%run_scoped3A : memref<!tpu.dma_semaphore, #tpu.memory_space<semaphore_mem>>)
      %dma_wait3A_88 = arith.constant 0 : i32
      %dma_wait3A_89 = tpu.memref_slice %arg12[%add3A_13, %dma_wait3A_88] : memref<50176x32xf32, #tpu.memory_space<vmem_shared>> -> memref<784x32xf32, #tpu.memory_space<vmem_shared>>
      %dma_wait3A_90 = arith.constant 0 : i32
      %dma_wait3A_91 = tpu.memref_slice %arg12[%add3A_13, %dma_wait3A_90] : memref<50176x32xf32, #tpu.memory_space<vmem_shared>> -> memref<784x32xf32, #tpu.memory_space<vmem_shared>>
      tpu.wait_dma2 semaphore(%run_scoped3A : memref<!tpu.dma_semaphore, #tpu.memory_space<semaphore_mem>>) src(%arg11 : memref<784x32xf32, #tpu.memory_space<vmem>>) dst(%dma_wait3A_91 : memref<784x32xf32, #tpu.memory_space<vmem_shared>>)
      tpu.yield
    }) : () -> ()
    %barrier3A = arith.constant 0 : index
    tpu.barrier barrier_id(%barrier3A)
    %mul3A_14 = arith.constant 50176 : i32
    %mul3A_15 = arith.muli %arg0, %mul3A_14 : i32
    %mul3A_16 = arith.constant 50000 : i32
    %mul3A_17 = arith.muli %arg1, %mul3A_16 : i32
    %scan3A_18 = arith.constant 0 : i32
    %scan3A_19 = arith.constant 0 : i32
    %scan3A_20 = arith.constant 390 : i32
    %scan3A_21 = arith.addi %scan3A_19, %scan3A_20 : i32
    %scan3A_22 = arith.constant 1 : i32
    %scan3A_23 = scf.for %scan3A_84 = %scan3A_19 to %scan3A_21 step %scan3A_22 iter_args(%scan3A_85 = %scan3A_18) -> (i32)  : i32 {
      %mul3A_86 = arith.constant 128 : i32
      %mul3A_87 = arith.muli %scan3A_84, %mul3A_86 : i32
      %add3A_88 = arith.addi %mul3A_17, %mul3A_87 : i32
      "tpu.region"() ({
        %run_scoped3A = tpu.sem_alloc : memref<!tpu.dma_semaphore, #tpu.memory_space<semaphore_mem>>
        %dma_start3A_174 = tpu.memref_slice %arg3[%add3A_88] : memref<800000xi32, #tpu.memory_space<hbm>> -> memref<128xi32, #tpu.memory_space<hbm>>
        %dma_start3A_175 = tpu.memref_slice %arg3[%add3A_88] : memref<800000xi32, #tpu.memory_space<hbm>> -> memref<128xi32, #tpu.memory_space<hbm>>
        tpu.enqueue_dma source(%dma_start3A_175 : memref<128xi32, #tpu.memory_space<hbm>>) target(%arg6 : memref<128xi32, #tpu.memory_space<vmem>>) target_semaphore(%run_scoped3A : memref<!tpu.dma_semaphore, #tpu.memory_space<semaphore_mem>>)
        %dma_wait3A_176 = tpu.memref_slice %arg3[%add3A_88] : memref<800000xi32, #tpu.memory_space<hbm>> -> memref<128xi32, #tpu.memory_space<hbm>>
        %dma_wait3A_177 = tpu.memref_slice %arg3[%add3A_88] : memref<800000xi32, #tpu.memory_space<hbm>> -> memref<128xi32, #tpu.memory_space<hbm>>
        tpu.wait_dma2 semaphore(%run_scoped3A : memref<!tpu.dma_semaphore, #tpu.memory_space<semaphore_mem>>) src(%dma_wait3A_177 : memref<128xi32, #tpu.memory_space<hbm>>) dst(%arg6 : memref<128xi32, #tpu.memory_space<vmem>>)
        tpu.yield
      }) : () -> ()
      "tpu.region"() ({
        %run_scoped3A = tpu.sem_alloc : memref<!tpu.dma_semaphore, #tpu.memory_space<semaphore_mem>>
        %dma_start3A_174 = tpu.memref_slice %arg4[%add3A_88] : memref<800000xi32, #tpu.memory_space<hbm>> -> memref<128xi32, #tpu.memory_space<hbm>>
        %dma_start3A_175 = tpu.memref_slice %arg4[%add3A_88] : memref<800000xi32, #tpu.memory_space<hbm>> -> memref<128xi32, #tpu.memory_space<hbm>>
        tpu.enqueue_dma source(%dma_start3A_175 : memref<128xi32, #tpu.memory_space<hbm>>) target(%arg7 : memref<128xi32, #tpu.memory_space<vmem>>) target_semaphore(%run_scoped3A : memref<!tpu.dma_semaphore, #tpu.memory_space<semaphore_mem>>)
        %dma_wait3A_176 = tpu.memref_slice %arg4[%add3A_88] : memref<800000xi32, #tpu.memory_space<hbm>> -> memref<128xi32, #tpu.memory_space<hbm>>
        %dma_wait3A_177 = tpu.memref_slice %arg4[%add3A_88] : memref<800000xi32, #tpu.memory_space<hbm>> -> memref<128xi32, #tpu.memory_space<hbm>>
        tpu.wait_dma2 semaphore(%run_scoped3A : memref<!tpu.dma_semaphore, #tpu.memory_space<semaphore_mem>>) src(%dma_wait3A_177 : memref<128xi32, #tpu.memory_space<hbm>>) dst(%arg7 : memref<128xi32, #tpu.memory_space<vmem>>)
        tpu.yield
      }) : () -> ()
      %get3A_89 = arith.constant 0 : index
      %get3A_90 = tpu.vector_load %arg6[%get3A_89] {strides = array<i32>} : memref<128xi32, #tpu.memory_space<vmem>>, vector<16xi32>,
      %get3A_91 = vector.shape_cast %get3A_90 : vector<16xi32> to vector<16xi32>
      %add3A_92 = vector.broadcast %mul3A_15 : i32 to vector<16xi32>
      %add3A_93 = arith.addi %get3A_91, %add3A_92 : vector<16xi32>
      %swap3A_94 = arith.constant 0 : index
      %swap3A_95 = tpu.vector_load %arg6[%swap3A_94] {strides = array<i32>} : memref<128xi32, #tpu.memory_space<vmem>>, vector<16xi32>,
      %swap3A_96 = vector.shape_cast %swap3A_95 : vector<16xi32> to vector<16xi32>
      %swap3A_97 = vector.shape_cast %add3A_93 : vector<16xi32> to vector<16xi32>
      tpu.vector_store %arg6[%swap3A_94], %swap3A_97 {strides = array<i32>} : memref<128xi32, #tpu.memory_space<vmem>>, vector<16xi32>,
      %get3A_98 = arith.constant 16 : index
      %get3A_99 = tpu.vector_load %arg6[%get3A_98] {strides = array<i32>} : memref<128xi32, #tpu.memory_space<vmem>>, vector<16xi32>,
      %get3A_100 = vector.shape_cast %get3A_99 : vector<16xi32> to vector<16xi32>
      %add3A_101 = vector.broadcast %mul3A_15 : i32 to vector<16xi32>
      %add3A_102 = arith.addi %get3A_100, %add3A_101 : vector<16xi32>
      %swap3A_103 = arith.constant 16 : index
      %swap3A_104 = tpu.vector_load %arg6[%swap3A_103] {strides = array<i32>} : memref<128xi32, #tpu.memory_space<vmem>>, vector<16xi32>,
      %swap3A_105 = vector.shape_cast %swap3A_104 : vector<16xi32> to vector<16xi32>
      %swap3A_106 = vector.shape_cast %add3A_102 : vector<16xi32> to vector<16xi32>
      tpu.vector_store %arg6[%swap3A_103], %swap3A_106 {strides = array<i32>} : memref<128xi32, #tpu.memory_space<vmem>>, vector<16xi32>,
      %get3A_107 = arith.constant 32 : index
      %get3A_108 = tpu.vector_load %arg6[%get3A_107] {strides = array<i32>} : memref<128xi32, #tpu.memory_space<vmem>>, vector<16xi32>,
      %get3A_109 = vector.shape_cast %get3A_108 : vector<16xi32> to vector<16xi32>
      %add3A_110 = vector.broadcast %mul3A_15 : i32 to vector<16xi32>
      %add3A_111 = arith.addi %get3A_109, %add3A_110 : vector<16xi32>
      %swap3A_112 = arith.constant 32 : index
      %swap3A_113 = tpu.vector_load %arg6[%swap3A_112] {strides = array<i32>} : memref<128xi32, #tpu.memory_space<vmem>>, vector<16xi32>,
      %swap3A_114 = vector.shape_cast %swap3A_113 : vector<16xi32> to vector<16xi32>
      %swap3A_115 = vector.shape_cast %add3A_111 : vector<16xi32> to vector<16xi32>
      tpu.vector_store %arg6[%swap3A_112], %swap3A_115 {strides = array<i32>} : memref<128xi32, #tpu.memory_space<vmem>>, vector<16xi32>,
      %get3A_116 = arith.constant 48 : index
      %get3A_117 = tpu.vector_load %arg6[%get3A_116] {strides = array<i32>} : memref<128xi32, #tpu.memory_space<vmem>>, vector<16xi32>,
      %get3A_118 = vector.shape_cast %get3A_117 : vector<16xi32> to vector<16xi32>
      %add3A_119 = vector.broadcast %mul3A_15 : i32 to vector<16xi32>
      %add3A_120 = arith.addi %get3A_118, %add3A_119 : vector<16xi32>
      %swap3A_121 = arith.constant 48 : index
      %swap3A_122 = tpu.vector_load %arg6[%swap3A_121] {strides = array<i32>} : memref<128xi32, #tpu.memory_space<vmem>>, vector<16xi32>,
      %swap3A_123 = vector.shape_cast %swap3A_122 : vector<16xi32> to vector<16xi32>
      %swap3A_124 = vector.shape_cast %add3A_120 : vector<16xi32> to vector<16xi32>
      tpu.vector_store %arg6[%swap3A_121], %swap3A_124 {strides = array<i32>} : memref<128xi32, #tpu.memory_space<vmem>>, vector<16xi32>,
      %get3A_125 = arith.constant 64 : index
      %get3A_126 = tpu.vector_load %arg6[%get3A_125] {strides = array<i32>} : memref<128xi32, #tpu.memory_space<vmem>>, vector<16xi32>,
      %get3A_127 = vector.shape_cast %get3A_126 : vector<16xi32> to vector<16xi32>
      %add3A_128 = vector.broadcast %mul3A_15 : i32 to vector<16xi32>
      %add3A_129 = arith.addi %get3A_127, %add3A_128 : vector<16xi32>
      %swap3A_130 = arith.constant 64 : index
      %swap3A_131 = tpu.vector_load %arg6[%swap3A_130] {strides = array<i32>} : memref<128xi32, #tpu.memory_space<vmem>>, vector<16xi32>,
      %swap3A_132 = vector.shape_cast %swap3A_131 : vector<16xi32> to vector<16xi32>
      %swap3A_133 = vector.shape_cast %add3A_129 : vector<16xi32> to vector<16xi32>
      tpu.vector_store %arg6[%swap3A_130], %swap3A_133 {strides = array<i32>} : memref<128xi32, #tpu.memory_space<vmem>>, vector<16xi32>,
      %get3A_134 = arith.constant 80 : index
      %get3A_135 = tpu.vector_load %arg6[%get3A_134] {strides = array<i32>} : memref<128xi32, #tpu.memory_space<vmem>>, vector<16xi32>,
      %get3A_136 = vector.shape_cast %get3A_135 : vector<16xi32> to vector<16xi32>
      %add3A_137 = vector.broadcast %mul3A_15 : i32 to vector<16xi32>
      %add3A_138 = arith.addi %get3A_136, %add3A_137 : vector<16xi32>
      %swap3A_139 = arith.constant 80 : index
      %swap3A_140 = tpu.vector_load %arg6[%swap3A_139] {strides = array<i32>} : memref<128xi32, #tpu.memory_space<vmem>>, vector<16xi32>,
      %swap3A_141 = vector.shape_cast %swap3A_140 : vector<16xi32> to vector<16xi32>
      %swap3A_142 = vector.shape_cast %add3A_138 : vector<16xi32> to vector<16xi32>
      tpu.vector_store %arg6[%swap3A_139], %swap3A_142 {strides = array<i32>} : memref<128xi32, #tpu.memory_space<vmem>>, vector<16xi32>,
      %get3A_143 = arith.constant 96 : index
      %get3A_144 = tpu.vector_load %arg6[%get3A_143] {strides = array<i32>} : memref<128xi32, #tpu.memory_space<vmem>>, vector<16xi32>,
      %get3A_145 = vector.shape_cast %get3A_144 : vector<16xi32> to vector<16xi32>
      %add3A_146 = vector.broadcast %mul3A_15 : i32 to vector<16xi32>
      %add3A_147 = arith.addi %get3A_145, %add3A_146 : vector<16xi32>
      %swap3A_148 = arith.constant 96 : index
      %swap3A_149 = tpu.vector_load %arg6[%swap3A_148] {strides = array<i32>} : memref<128xi32, #tpu.memory_space<vmem>>, vector<16xi32>,
      %swap3A_150 = vector.shape_cast %swap3A_149 : vector<16xi32> to vector<16xi32>
      %swap3A_151 = vector.shape_cast %add3A_147 : vector<16xi32> to vector<16xi32>
      tpu.vector_store %arg6[%swap3A_148], %swap3A_151 {strides = array<i32>} : memref<128xi32, #tpu.memory_space<vmem>>, vector<16xi32>,
      %get3A_152 = arith.constant 112 : index
      %get3A_153 = tpu.vector_load %arg6[%get3A_152] {strides = array<i32>} : memref<128xi32, #tpu.memory_space<vmem>>, vector<16xi32>,
      %get3A_154 = vector.shape_cast %get3A_153 : vector<16xi32> to vector<16xi32>
      %add3A_155 = vector.broadcast %mul3A_15 : i32 to vector<16xi32>
      %add3A_156 = arith.addi %get3A_154, %add3A_155 : vector<16xi32>
      %swap3A_157 = arith.constant 112 : index
      %swap3A_158 = tpu.vector_load %arg6[%swap3A_157] {strides = array<i32>} : memref<128xi32, #tpu.memory_space<vmem>>, vector<16xi32>,
      %swap3A_159 = vector.shape_cast %swap3A_158 : vector<16xi32> to vector<16xi32>
      %swap3A_160 = vector.shape_cast %add3A_156 : vector<16xi32> to vector<16xi32>
      tpu.vector_store %arg6[%swap3A_157], %swap3A_160 {strides = array<i32>} : memref<128xi32, #tpu.memory_space<vmem>>, vector<16xi32>,
      %dma_start3A_161 = arith.constant 0 : i32
      %dma_start3A_162 = arith.constant 0 : i32
      %dma_start3A_163 = tpu.memref_slice %arg10[%dma_start3A_161, %dma_start3A_162] : memref<128x32xf32, #tpu.memory_space<vmem>> -> memref<128x32xf32, #tpu.memory_space<vmem>>
      %dma_start3A_164 = arith.constant 0 : i32
      %dma_start3A_165 = arith.constant 0 : i32
      %dma_start3A_166 = tpu.memref_slice %arg2[%dma_start3A_164, %dma_start3A_165] : memref<100352x32xf32, #tpu.memory_space<hbm>> -> memref<100352x32xf32, #tpu.memory_space<hbm>>
      tpu.enqueue_indirect_dma source(%dma_start3A_166 : memref<100352x32xf32, #tpu.memory_space<hbm>>) target(%dma_start3A_163 : memref<128x32xf32, #tpu.memory_space<vmem>>) offsets(%arg6 : memref<128xi32, #tpu.memory_space<vmem>>) semaphore(%arg13 : memref<!tpu.dma_semaphore, #tpu.memory_space<semaphore_mem>>)
      %dma_wait3A_167 = arith.constant 0 : i32
      %dma_wait3A_168 = arith.constant 0 : i32
      %dma_wait3A_169 = tpu.memref_slice %arg10[%dma_wait3A_167, %dma_wait3A_168] : memref<128x32xf32, #tpu.memory_space<vmem>> -> memref<128x32xf32, #tpu.memory_space<vmem>>
      %dma_wait3A_170 = arith.constant 0 : i32
      %dma_wait3A_171 = arith.constant 0 : i32
      %dma_wait3A_172 = tpu.memref_slice %arg2[%dma_wait3A_170, %dma_wait3A_171] : memref<100352x32xf32, #tpu.memory_space<hbm>> -> memref<100352x32xf32, #tpu.memory_space<hbm>>
      tpu.wait_indirect_dma semaphore(%arg13 : memref<!tpu.dma_semaphore, #tpu.memory_space<semaphore_mem>>) src(%dma_wait3A_172 : memref<100352x32xf32, #tpu.memory_space<hbm>>) dst(%dma_wait3A_169 : memref<128x32xf32, #tpu.memory_space<vmem>>)
      "tpu.region"() ({
        %run_scoped3A = tpu.sem_alloc : memref<!tpu.dma_semaphore, #tpu.memory_space<semaphore_mem>>
        %dma_start3A_174 = arith.constant 0 : i32
        %dma_start3A_175 = arith.constant 0 : i32
        %dma_start3A_176 = tpu.memref_slice %arg10[%dma_start3A_174, %dma_start3A_175] : memref<128x32xf32, #tpu.memory_space<vmem>> -> memref<128x32xf32, #tpu.memory_space<vmem>>
        %dma_start3A_177 = arith.constant 0 : i32
        %dma_start3A_178 = arith.constant 0 : i32
        %dma_start3A_179 = tpu.memref_slice %arg12[%dma_start3A_177, %dma_start3A_178] : memref<50176x32xf32, #tpu.memory_space<vmem_shared>> -> memref<50176x32xf32, #tpu.memory_space<vmem_shared>>
        tpu.enqueue_indirect_dma source(%dma_start3A_176 : memref<128x32xf32, #tpu.memory_space<vmem>>) target(%dma_start3A_179 : memref<50176x32xf32, #tpu.memory_space<vmem_shared>>) offsets(%arg7 : memref<128xi32, #tpu.memory_space<vmem>>) semaphore(%run_scoped3A : memref<!tpu.dma_semaphore, #tpu.memory_space<semaphore_mem>>) {add = true}
        %dma_wait3A_180 = arith.constant 0 : i32
        %dma_wait3A_181 = arith.constant 0 : i32
        %dma_wait3A_182 = tpu.memref_slice %arg10[%dma_wait3A_180, %dma_wait3A_181] : memref<128x32xf32, #tpu.memory_space<vmem>> -> memref<128x32xf32, #tpu.memory_space<vmem>>
        %dma_wait3A_183 = arith.constant 0 : i32
        %dma_wait3A_184 = arith.constant 0 : i32
        %dma_wait3A_185 = tpu.memref_slice %arg12[%dma_wait3A_183, %dma_wait3A_184] : memref<50176x32xf32, #tpu.memory_space<vmem_shared>> -> memref<50176x32xf32, #tpu.memory_space<vmem_shared>>
        tpu.wait_indirect_dma semaphore(%run_scoped3A : memref<!tpu.dma_semaphore, #tpu.memory_space<semaphore_mem>>) src(%dma_wait3A_182 : memref<128x32xf32, #tpu.memory_space<vmem>>) dst(%dma_wait3A_185 : memref<50176x32xf32, #tpu.memory_space<vmem_shared>>)
        tpu.yield
      }) : () -> ()
      %scan3A_173 = arith.constant 0 : i32
      scf.yield %scan3A_173 : i32
    }
    %scan3A_24 = arith.constant 390 : i32
    %add3A_25 = arith.constant 49920 : i32
    %add3A_26 = arith.addi %mul3A_17, %add3A_25 : i32
    "tpu.region"() ({
      %run_scoped3A = tpu.sem_alloc : memref<!tpu.dma_semaphore, #tpu.memory_space<semaphore_mem>>
      %dma_start3A_84 = tpu.memref_slice %arg3[%add3A_26] : memref<800000xi32, #tpu.memory_space<hbm>> -> memref<80xi32, #tpu.memory_space<hbm>>
      %dma_start3A_85 = tpu.memref_slice %arg3[%add3A_26] : memref<800000xi32, #tpu.memory_space<hbm>> -> memref<80xi32, #tpu.memory_space<hbm>>
      tpu.enqueue_dma source(%dma_start3A_85 : memref<80xi32, #tpu.memory_space<hbm>>) target(%arg8 : memref<80xi32, #tpu.memory_space<vmem>>) target_semaphore(%run_scoped3A : memref<!tpu.dma_semaphore, #tpu.memory_space<semaphore_mem>>)
      %dma_wait3A_86 = tpu.memref_slice %arg3[%add3A_26] : memref<800000xi32, #tpu.memory_space<hbm>> -> memref<80xi32, #tpu.memory_space<hbm>>
      %dma_wait3A_87 = tpu.memref_slice %arg3[%add3A_26] : memref<800000xi32, #tpu.memory_space<hbm>> -> memref<80xi32, #tpu.memory_space<hbm>>
      tpu.wait_dma2 semaphore(%run_scoped3A : memref<!tpu.dma_semaphore, #tpu.memory_space<semaphore_mem>>) src(%dma_wait3A_87 : memref<80xi32, #tpu.memory_space<hbm>>) dst(%arg8 : memref<80xi32, #tpu.memory_space<vmem>>)
      tpu.yield
    }) : () -> ()
    "tpu.region"() ({
      %run_scoped3A = tpu.sem_alloc : memref<!tpu.dma_semaphore, #tpu.memory_space<semaphore_mem>>
      %dma_start3A_84 = tpu.memref_slice %arg4[%add3A_26] : memref<800000xi32, #tpu.memory_space<hbm>> -> memref<80xi32, #tpu.memory_space<hbm>>
      %dma_start3A_85 = tpu.memref_slice %arg4[%add3A_26] : memref<800000xi32, #tpu.memory_space<hbm>> -> memref<80xi32, #tpu.memory_space<hbm>>
      tpu.enqueue_dma source(%dma_start3A_85 : memref<80xi32, #tpu.memory_space<hbm>>) target(%arg9 : memref<80xi32, #tpu.memory_space<vmem>>) target_semaphore(%run_scoped3A : memref<!tpu.dma_semaphore, #tpu.memory_space<semaphore_mem>>)
      %dma_wait3A_86 = tpu.memref_slice %arg4[%add3A_26] : memref<800000xi32, #tpu.memory_space<hbm>> -> memref<80xi32, #tpu.memory_space<hbm>>
      %dma_wait3A_87 = tpu.memref_slice %arg4[%add3A_26] : memref<800000xi32, #tpu.memory_space<hbm>> -> memref<80xi32, #tpu.memory_space<hbm>>
      tpu.wait_dma2 semaphore(%run_scoped3A : memref<!tpu.dma_semaphore, #tpu.memory_space<semaphore_mem>>) src(%dma_wait3A_87 : memref<80xi32, #tpu.memory_space<hbm>>) dst(%arg9 : memref<80xi32, #tpu.memory_space<vmem>>)
      tpu.yield
    }) : () -> ()
    %get3A = arith.constant 0 : index
    %get3A_27 = tpu.vector_load %arg8[%get3A] {strides = array<i32>} : memref<80xi32, #tpu.memory_space<vmem>>, vector<16xi32>,
    %get3A_28 = vector.shape_cast %get3A_27 : vector<16xi32> to vector<16xi32>
    %add3A_29 = vector.broadcast %mul3A_15 : i32 to vector<16xi32>
    %add3A_30 = arith.addi %get3A_28, %add3A_29 : vector<16xi32>
    %swap3A = arith.constant 0 : index
    %swap3A_31 = tpu.vector_load %arg8[%swap3A] {strides = array<i32>} : memref<80xi32, #tpu.memory_space<vmem>>, vector<16xi32>,
    %swap3A_32 = vector.shape_cast %swap3A_31 : vector<16xi32> to vector<16xi32>
    %swap3A_33 = vector.shape_cast %add3A_30 : vector<16xi32> to vector<16xi32>
    tpu.vector_store %arg8[%swap3A], %swap3A_33 {strides = array<i32>} : memref<80xi32, #tpu.memory_space<vmem>>, vector<16xi32>,
    %get3A_34 = arith.constant 16 : index
    %get3A_35 = tpu.vector_load %arg8[%get3A_34] {strides = array<i32>} : memref<80xi32, #tpu.memory_space<vmem>>, vector<16xi32>,
    %get3A_36 = vector.shape_cast %get3A_35 : vector<16xi32> to vector<16xi32>
    %add3A_37 = vector.broadcast %mul3A_15 : i32 to vector<16xi32>
    %add3A_38 = arith.addi %get3A_36, %add3A_37 : vector<16xi32>
    %swap3A_39 = arith.constant 16 : index
    %swap3A_40 = tpu.vector_load %arg8[%swap3A_39] {strides = array<i32>} : memref<80xi32, #tpu.memory_space<vmem>>, vector<16xi32>,
    %swap3A_41 = vector.shape_cast %swap3A_40 : vector<16xi32> to vector<16xi32>
    %swap3A_42 = vector.shape_cast %add3A_38 : vector<16xi32> to vector<16xi32>
    tpu.vector_store %arg8[%swap3A_39], %swap3A_42 {strides = array<i32>} : memref<80xi32, #tpu.memory_space<vmem>>, vector<16xi32>,
    %get3A_43 = arith.constant 32 : index
    %get3A_44 = tpu.vector_load %arg8[%get3A_43] {strides = array<i32>} : memref<80xi32, #tpu.memory_space<vmem>>, vector<16xi32>,
    %get3A_45 = vector.shape_cast %get3A_44 : vector<16xi32> to vector<16xi32>
    %add3A_46 = vector.broadcast %mul3A_15 : i32 to vector<16xi32>
    %add3A_47 = arith.addi %get3A_45, %add3A_46 : vector<16xi32>
    %swap3A_48 = arith.constant 32 : index
    %swap3A_49 = tpu.vector_load %arg8[%swap3A_48] {strides = array<i32>} : memref<80xi32, #tpu.memory_space<vmem>>, vector<16xi32>,
    %swap3A_50 = vector.shape_cast %swap3A_49 : vector<16xi32> to vector<16xi32>
    %swap3A_51 = vector.shape_cast %add3A_47 : vector<16xi32> to vector<16xi32>
    tpu.vector_store %arg8[%swap3A_48], %swap3A_51 {strides = array<i32>} : memref<80xi32, #tpu.memory_space<vmem>>, vector<16xi32>,
    %get3A_52 = arith.constant 48 : index
    %get3A_53 = tpu.vector_load %arg8[%get3A_52] {strides = array<i32>} : memref<80xi32, #tpu.memory_space<vmem>>, vector<16xi32>,
    %get3A_54 = vector.shape_cast %get3A_53 : vector<16xi32> to vector<16xi32>
    %add3A_55 = vector.broadcast %mul3A_15 : i32 to vector<16xi32>
    %add3A_56 = arith.addi %get3A_54, %add3A_55 : vector<16xi32>
    %swap3A_57 = arith.constant 48 : index
    %swap3A_58 = tpu.vector_load %arg8[%swap3A_57] {strides = array<i32>} : memref<80xi32, #tpu.memory_space<vmem>>, vector<16xi32>,
    %swap3A_59 = vector.shape_cast %swap3A_58 : vector<16xi32> to vector<16xi32>
    %swap3A_60 = vector.shape_cast %add3A_56 : vector<16xi32> to vector<16xi32>
    tpu.vector_store %arg8[%swap3A_57], %swap3A_60 {strides = array<i32>} : memref<80xi32, #tpu.memory_space<vmem>>, vector<16xi32>,
    %get3A_61 = arith.constant 64 : index
    %get3A_62 = tpu.vector_load %arg8[%get3A_61] {strides = array<i32>} : memref<80xi32, #tpu.memory_space<vmem>>, vector<16xi32>,
    %get3A_63 = vector.shape_cast %get3A_62 : vector<16xi32> to vector<16xi32>
    %add3A_64 = vector.broadcast %mul3A_15 : i32 to vector<16xi32>
    %add3A_65 = arith.addi %get3A_63, %add3A_64 : vector<16xi32>
    %swap3A_66 = arith.constant 64 : index
    %swap3A_67 = tpu.vector_load %arg8[%swap3A_66] {strides = array<i32>} : memref<80xi32, #tpu.memory_space<vmem>>, vector<16xi32>,
    %swap3A_68 = vector.shape_cast %swap3A_67 : vector<16xi32> to vector<16xi32>
    %swap3A_69 = vector.shape_cast %add3A_65 : vector<16xi32> to vector<16xi32>
    tpu.vector_store %arg8[%swap3A_66], %swap3A_69 {strides = array<i32>} : memref<80xi32, #tpu.memory_space<vmem>>, vector<16xi32>,
    %dma_start3A = arith.constant 0 : i32
    %dma_start3A_70 = arith.constant 0 : i32
    %dma_start3A_71 = tpu.memref_slice %arg10[%dma_start3A, %dma_start3A_70] : memref<128x32xf32, #tpu.memory_space<vmem>> -> memref<80x32xf32, #tpu.memory_space<vmem>>
    %dma_start3A_72 = arith.constant 0 : i32
    %dma_start3A_73 = arith.constant 0 : i32
    %dma_start3A_74 = tpu.memref_slice %arg2[%dma_start3A_72, %dma_start3A_73] : memref<100352x32xf32, #tpu.memory_space<hbm>> -> memref<100352x32xf32, #tpu.memory_space<hbm>>
    tpu.enqueue_indirect_dma source(%dma_start3A_74 : memref<100352x32xf32, #tpu.memory_space<hbm>>) target(%dma_start3A_71 : memref<80x32xf32, #tpu.memory_space<vmem>>) offsets(%arg8 : memref<80xi32, #tpu.memory_space<vmem>>) semaphore(%arg13 : memref<!tpu.dma_semaphore, #tpu.memory_space<semaphore_mem>>)
    %dma_wait3A = arith.constant 0 : i32
    %dma_wait3A_75 = arith.constant 0 : i32
    %dma_wait3A_76 = tpu.memref_slice %arg10[%dma_wait3A, %dma_wait3A_75] : memref<128x32xf32, #tpu.memory_space<vmem>> -> memref<80x32xf32, #tpu.memory_space<vmem>>
    %dma_wait3A_77 = arith.constant 0 : i32
    %dma_wait3A_78 = arith.constant 0 : i32
    %dma_wait3A_79 = tpu.memref_slice %arg2[%dma_wait3A_77, %dma_wait3A_78] : memref<100352x32xf32, #tpu.memory_space<hbm>> -> memref<100352x32xf32, #tpu.memory_space<hbm>>
    tpu.wait_indirect_dma semaphore(%arg13 : memref<!tpu.dma_semaphore, #tpu.memory_space<semaphore_mem>>) src(%dma_wait3A_79 : memref<100352x32xf32, #tpu.memory_space<hbm>>) dst(%dma_wait3A_76 : memref<80x32xf32, #tpu.memory_space<vmem>>)
    "tpu.region"() ({
      %run_scoped3A = tpu.sem_alloc : memref<!tpu.dma_semaphore, #tpu.memory_space<semaphore_mem>>
      %dma_start3A_84 = arith.constant 0 : i32
      %dma_start3A_85 = arith.constant 0 : i32
      %dma_start3A_86 = tpu.memref_slice %arg10[%dma_start3A_84, %dma_start3A_85] : memref<128x32xf32, #tpu.memory_space<vmem>> -> memref<80x32xf32, #tpu.memory_space<vmem>>
      %dma_start3A_87 = arith.constant 0 : i32
      %dma_start3A_88 = arith.constant 0 : i32
      %dma_start3A_89 = tpu.memref_slice %arg12[%dma_start3A_87, %dma_start3A_88] : memref<50176x32xf32, #tpu.memory_space<vmem_shared>> -> memref<50176x32xf32, #tpu.memory_space<vmem_shared>>
      tpu.enqueue_indirect_dma source(%dma_start3A_86 : memref<80x32xf32, #tpu.memory_space<vmem>>) target(%dma_start3A_89 : memref<50176x32xf32, #tpu.memory_space<vmem_shared>>) offsets(%arg9 : memref<80xi32, #tpu.memory_space<vmem>>) semaphore(%run_scoped3A : memref<!tpu.dma_semaphore, #tpu.memory_space<semaphore_mem>>) {add = true}
      %dma_wait3A_90 = arith.constant 0 : i32
      %dma_wait3A_91 = arith.constant 0 : i32
      %dma_wait3A_92 = tpu.memref_slice %arg10[%dma_wait3A_90, %dma_wait3A_91] : memref<128x32xf32, #tpu.memory_space<vmem>> -> memref<80x32xf32, #tpu.memory_space<vmem>>
      %dma_wait3A_93 = arith.constant 0 : i32
      %dma_wait3A_94 = arith.constant 0 : i32
      %dma_wait3A_95 = tpu.memref_slice %arg12[%dma_wait3A_93, %dma_wait3A_94] : memref<50176x32xf32, #tpu.memory_space<vmem_shared>> -> memref<50176x32xf32, #tpu.memory_space<vmem_shared>>
      tpu.wait_indirect_dma semaphore(%run_scoped3A : memref<!tpu.dma_semaphore, #tpu.memory_space<semaphore_mem>>) src(%dma_wait3A_92 : memref<80x32xf32, #tpu.memory_space<vmem>>) dst(%dma_wait3A_95 : memref<50176x32xf32, #tpu.memory_space<vmem_shared>>)
      tpu.yield
    }) : () -> ()
    %barrier3A_80 = arith.constant 0 : index
    tpu.barrier barrier_id(%barrier3A_80)
    %mul3A_81 = arith.constant 50176 : i32
    %mul3A_82 = arith.muli %arg0, %mul3A_81 : i32
    %add3A_83 = arith.addi %mul3A_82, %mul3A_6 : i32
    "tpu.region"() ({
      %run_scoped3A = tpu.sem_alloc : memref<!tpu.dma_semaphore, #tpu.memory_space<semaphore_mem>>
      %dma_start3A_84 = arith.constant 0 : i32
      %dma_start3A_85 = tpu.memref_slice %arg5[%add3A_83, %dma_start3A_84] : memref<100352x32xf32, #tpu.memory_space<hbm>> -> memref<3136x32xf32, #tpu.memory_space<hbm>>
      %dma_start3A_86 = arith.constant 0 : i32
      %dma_start3A_87 = tpu.memref_slice %arg12[%mul3A_6, %dma_start3A_86] : memref<50176x32xf32, #tpu.memory_space<vmem_shared>> -> memref<3136x32xf32, #tpu.memory_space<vmem_shared>>
      tpu.enqueue_dma source(%dma_start3A_87 : memref<3136x32xf32, #tpu.memory_space<vmem_shared>>) target(%dma_start3A_85 : memref<3136x32xf32, #tpu.memory_space<hbm>>) target_semaphore(%run_scoped3A : memref<!tpu.dma_semaphore, #tpu.memory_space<semaphore_mem>>)
      %dma_wait3A_88 = arith.constant 0 : i32
      %dma_wait3A_89 = tpu.memref_slice %arg5[%add3A_83, %dma_wait3A_88] : memref<100352x32xf32, #tpu.memory_space<hbm>> -> memref<3136x32xf32, #tpu.memory_space<hbm>>
      %dma_wait3A_90 = arith.constant 0 : i32
      %dma_wait3A_91 = tpu.memref_slice %arg12[%mul3A_6, %dma_wait3A_90] : memref<50176x32xf32, #tpu.memory_space<vmem_shared>> -> memref<3136x32xf32, #tpu.memory_space<vmem_shared>>
      tpu.wait_dma2 semaphore(%run_scoped3A : memref<!tpu.dma_semaphore, #tpu.memory_space<semaphore_mem>>) src(%dma_wait3A_91 : memref<3136x32xf32, #tpu.memory_space<vmem_shared>>) dst(%dma_wait3A_89 : memref<3136x32xf32, #tpu.memory_space<hbm>>)
      tpu.yield
    }) : () -> ()
    return
  }
}

#map = affine_map<(d0, d1) -> (0, 0)>
#map1 = affine_map<(d0, d1) -> (0)>
module attributes {stable_mosaic.version = 14 : i64} {
  func.func @_layer_body(%arg0: i32, %arg1: i32, %arg2: memref<100352x32xf32, #tpu.memory_space<hbm>>, %arg3: memref<800000xi32, #tpu.memory_space<hbm>>, %arg4: memref<800000xi32, #tpu.memory_space<hbm>>, %arg5: memref<100352x32xf32, #tpu.memory_space<hbm>>, %arg6: memref<128xi32, #tpu.memory_space<vmem>>, %arg7: memref<128xi32, #tpu.memory_space<vmem>>, %arg8: memref<80xi32, #tpu.memory_space<vmem>>, %arg9: memref<80xi32, #tpu.memory_space<vmem>>, %arg10: memref<128x32xf32, #tpu.memory_space<vmem>>, %arg11: memref<784x32xf32, #tpu.memory_space<vmem>>, %arg12: memref<50176x32xf32, #tpu.memory_space<vmem_shared>>, %arg13: memref<!tpu.dma_semaphore, #tpu.memory_space<semaphore_mem>>) attributes {dimension_semantics = [#tpu.dimension_semantics<core_parallel>, #tpu.dimension_semantics<subcore_parallel>], iteration_bounds = array<i64: 2, 16>, scalar_prefetch = 0 : i64, scratch_operands = 8 : i64, tpu.core_type = #tpu.core_type<sc_vector_subcore>, window_params = [{transform_indices = #map}, {transform_indices = #map1}, {transform_indices = #map1}, {transform_indices = #map}]} {
    %scan3A = arith.constant 0 : i32
    %scan3A_0 = arith.constant 0 : i32
    %scan3A_1 = arith.constant 784 : i32
    %scan3A_2 = arith.addi %scan3A_0, %scan3A_1 : i32
    %scan3A_3 = arith.constant 1 : i32
    %scan3A_4 = scf.for %scan3A_84 = %scan3A_0 to %scan3A_2 step %scan3A_3 iter_args(%scan3A_85 = %scan3A) -> (i32)  : i32 {
      %broadcast_in_dim3A = arith.constant 0.000000e+00 : f32
      %broadcast_in_dim3A_86 = vector.broadcast %broadcast_in_dim3A : f32 to vector<16xf32>
      %swap3A_87 = arith.index_cast %scan3A_84 : i32 to index
      %swap3A_88 = arith.constant 0 : index
      %swap3A_89 = tpu.vector_load %arg11[%swap3A_87, %swap3A_88] {strides = array<i32>} : memref<784x32xf32, #tpu.memory_space<vmem>>, vector<1x16xf32>,
      %swap3A_90 = vector.shape_cast %swap3A_89 : vector<1x16xf32> to vector<16xf32>
      %swap3A_91 = vector.shape_cast %broadcast_in_dim3A_86 : vector<16xf32> to vector<1x16xf32>
      tpu.vector_store %arg11[%swap3A_87, %swap3A_88], %swap3A_91 {strides = array<i32>} : memref<784x32xf32, #tpu.memory_space<vmem>>, vector<1x16xf32>,
      %broadcast_in_dim3A_92 = arith.constant 0.000000e+00 : f32
      %broadcast_in_dim3A_93 = vector.broadcast %broadcast_in_dim3A_92 : f32 to vector<16xf32>
      %swap3A_94 = arith.index_cast %scan3A_84 : i32 to index
      %swap3A_95 = arith.constant 16 : index
      %swap3A_96 = tpu.vector_load %arg11[%swap3A_94, %swap3A_95] {strides = array<i32>} : memref<784x32xf32, #tpu.memory_space<vmem>>, vector<1x16xf32>,
      %swap3A_97 = vector.shape_cast %swap3A_96 : vector<1x16xf32> to vector<16xf32>
      %swap3A_98 = vector.shape_cast %broadcast_in_dim3A_93 : vector<16xf32> to vector<1x16xf32>
      tpu.vector_store %arg11[%swap3A_94, %swap3A_95], %swap3A_98 {strides = array<i32>} : memref<784x32xf32, #tpu.memory_space<vmem>>, vector<1x16xf32>,
      %scan3A_99 = arith.constant 0 : i32
      scf.yield %scan3A_99 : i32
    }
    %scan3A_5 = arith.constant 784 : i32
    %mul3A = arith.constant 3136 : i32
    %mul3A_6 = arith.muli %arg1, %mul3A : i32
    %add3A = arith.constant 0 : i32
    %add3A_7 = arith.addi %mul3A_6, %add3A : i32
    "tpu.region"() ({
      %run_scoped3A = tpu.sem_alloc : memref<!tpu.dma_semaphore, #tpu.memory_space<semaphore_mem>>
      %dma_start3A_84 = arith.constant 0 : i32
      %dma_start3A_85 = tpu.memref_slice %arg12[%add3A_7, %dma_start3A_84] : memref<50176x32xf32, #tpu.memory_space<vmem_shared>> -> memref<784x32xf32, #tpu.memory_space<vmem_shared>>
      %dma_start3A_86 = arith.constant 0 : i32
      %dma_start3A_87 = tpu.memref_slice %arg12[%add3A_7, %dma_start3A_86] : memref<50176x32xf32, #tpu.memory_space<vmem_shared>> -> memref<784x32xf32, #tpu.memory_space<vmem_shared>>
      tpu.enqueue_dma source(%arg11 : memref<784x32xf32, #tpu.memory_space<vmem>>) target(%dma_start3A_87 : memref<784x32xf32, #tpu.memory_space<vmem_shared>>) target_semaphore(%run_scoped3A : memref<!tpu.dma_semaphore, #tpu.memory_space<semaphore_mem>>)
      %dma_wait3A_88 = arith.constant 0 : i32
      %dma_wait3A_89 = tpu.memref_slice %arg12[%add3A_7, %dma_wait3A_88] : memref<50176x32xf32, #tpu.memory_space<vmem_shared>> -> memref<784x32xf32, #tpu.memory_space<vmem_shared>>
      %dma_wait3A_90 = arith.constant 0 : i32
      %dma_wait3A_91 = tpu.memref_slice %arg12[%add3A_7, %dma_wait3A_90] : memref<50176x32xf32, #tpu.memory_space<vmem_shared>> -> memref<784x32xf32, #tpu.memory_space<vmem_shared>>
      tpu.wait_dma2 semaphore(%run_scoped3A : memref<!tpu.dma_semaphore, #tpu.memory_space<semaphore_mem>>) src(%arg11 : memref<784x32xf32, #tpu.memory_space<vmem>>) dst(%dma_wait3A_91 : memref<784x32xf32, #tpu.memory_space<vmem_shared>>)
      tpu.yield
    }) : () -> ()
    %add3A_8 = arith.constant 784 : i32
    %add3A_9 = arith.addi %mul3A_6, %add3A_8 : i32
    "tpu.region"() ({
      %run_scoped3A = tpu.sem_alloc : memref<!tpu.dma_semaphore, #tpu.memory_space<semaphore_mem>>
      %dma_start3A_84 = arith.constant 0 : i32
      %dma_start3A_85 = tpu.memref_slice %arg12[%add3A_9, %dma_start3A_84] : memref<50176x32xf32, #tpu.memory_space<vmem_shared>> -> memref<784x32xf32, #tpu.memory_space<vmem_shared>>
      %dma_start3A_86 = arith.constant 0 : i32
      %dma_start3A_87 = tpu.memref_slice %arg12[%add3A_9, %dma_start3A_86] : memref<50176x32xf32, #tpu.memory_space<vmem_shared>> -> memref<784x32xf32, #tpu.memory_space<vmem_shared>>
      tpu.enqueue_dma source(%arg11 : memref<784x32xf32, #tpu.memory_space<vmem>>) target(%dma_start3A_87 : memref<784x32xf32, #tpu.memory_space<vmem_shared>>) target_semaphore(%run_scoped3A : memref<!tpu.dma_semaphore, #tpu.memory_space<semaphore_mem>>)
      %dma_wait3A_88 = arith.constant 0 : i32
      %dma_wait3A_89 = tpu.memref_slice %arg12[%add3A_9, %dma_wait3A_88] : memref<50176x32xf32, #tpu.memory_space<vmem_shared>> -> memref<784x32xf32, #tpu.memory_space<vmem_shared>>
      %dma_wait3A_90 = arith.constant 0 : i32
      %dma_wait3A_91 = tpu.memref_slice %arg12[%add3A_9, %dma_wait3A_90] : memref<50176x32xf32, #tpu.memory_space<vmem_shared>> -> memref<784x32xf32, #tpu.memory_space<vmem_shared>>
      tpu.wait_dma2 semaphore(%run_scoped3A : memref<!tpu.dma_semaphore, #tpu.memory_space<semaphore_mem>>) src(%arg11 : memref<784x32xf32, #tpu.memory_space<vmem>>) dst(%dma_wait3A_91 : memref<784x32xf32, #tpu.memory_space<vmem_shared>>)
      tpu.yield
    }) : () -> ()
    %add3A_10 = arith.constant 1568 : i32
    %add3A_11 = arith.addi %mul3A_6, %add3A_10 : i32
    "tpu.region"() ({
      %run_scoped3A = tpu.sem_alloc : memref<!tpu.dma_semaphore, #tpu.memory_space<semaphore_mem>>
      %dma_start3A_84 = arith.constant 0 : i32
      %dma_start3A_85 = tpu.memref_slice %arg12[%add3A_11, %dma_start3A_84] : memref<50176x32xf32, #tpu.memory_space<vmem_shared>> -> memref<784x32xf32, #tpu.memory_space<vmem_shared>>
      %dma_start3A_86 = arith.constant 0 : i32
      %dma_start3A_87 = tpu.memref_slice %arg12[%add3A_11, %dma_start3A_86] : memref<50176x32xf32, #tpu.memory_space<vmem_shared>> -> memref<784x32xf32, #tpu.memory_space<vmem_shared>>
      tpu.enqueue_dma source(%arg11 : memref<784x32xf32, #tpu.memory_space<vmem>>) target(%dma_start3A_87 : memref<784x32xf32, #tpu.memory_space<vmem_shared>>) target_semaphore(%run_scoped3A : memref<!tpu.dma_semaphore, #tpu.memory_space<semaphore_mem>>)
      %dma_wait3A_88 = arith.constant 0 : i32
      %dma_wait3A_89 = tpu.memref_slice %arg12[%add3A_11, %dma_wait3A_88] : memref<50176x32xf32, #tpu.memory_space<vmem_shared>> -> memref<784x32xf32, #tpu.memory_space<vmem_shared>>
      %dma_wait3A_90 = arith.constant 0 : i32
      %dma_wait3A_91 = tpu.memref_slice %arg12[%add3A_11, %dma_wait3A_90] : memref<50176x32xf32, #tpu.memory_space<vmem_shared>> -> memref<784x32xf32, #tpu.memory_space<vmem_shared>>
      tpu.wait_dma2 semaphore(%run_scoped3A : memref<!tpu.dma_semaphore, #tpu.memory_space<semaphore_mem>>) src(%arg11 : memref<784x32xf32, #tpu.memory_space<vmem>>) dst(%dma_wait3A_91 : memref<784x32xf32, #tpu.memory_space<vmem_shared>>)
      tpu.yield
    }) : () -> ()
    %add3A_12 = arith.constant 2352 : i32
    %add3A_13 = arith.addi %mul3A_6, %add3A_12 : i32
    "tpu.region"() ({
      %run_scoped3A = tpu.sem_alloc : memref<!tpu.dma_semaphore, #tpu.memory_space<semaphore_mem>>
      %dma_start3A_84 = arith.constant 0 : i32
      %dma_start3A_85 = tpu.memref_slice %arg12[%add3A_13, %dma_start3A_84] : memref<50176x32xf32, #tpu.memory_space<vmem_shared>> -> memref<784x32xf32, #tpu.memory_space<vmem_shared>>
      %dma_start3A_86 = arith.constant 0 : i32
      %dma_start3A_87 = tpu.memref_slice %arg12[%add3A_13, %dma_start3A_86] : memref<50176x32xf32, #tpu.memory_space<vmem_shared>> -> memref<784x32xf32, #tpu.memory_space<vmem_shared>>
      tpu.enqueue_dma source(%arg11 : memref<784x32xf32, #tpu.memory_space<vmem>>) target(%dma_start3A_87 : memref<784x32xf32, #tpu.memory_space<vmem_shared>>) target_semaphore(%run_scoped3A : memref<!tpu.dma_semaphore, #tpu.memory_space<semaphore_mem>>)
      %dma_wait3A_88 = arith.constant 0 : i32
      %dma_wait3A_89 = tpu.memref_slice %arg12[%add3A_13, %dma_wait3A_88] : memref<50176x32xf32, #tpu.memory_space<vmem_shared>> -> memref<784x32xf32, #tpu.memory_space<vmem_shared>>
      %dma_wait3A_90 = arith.constant 0 : i32
      %dma_wait3A_91 = tpu.memref_slice %arg12[%add3A_13, %dma_wait3A_90] : memref<50176x32xf32, #tpu.memory_space<vmem_shared>> -> memref<784x32xf32, #tpu.memory_space<vmem_shared>>
      tpu.wait_dma2 semaphore(%run_scoped3A : memref<!tpu.dma_semaphore, #tpu.memory_space<semaphore_mem>>) src(%arg11 : memref<784x32xf32, #tpu.memory_space<vmem>>) dst(%dma_wait3A_91 : memref<784x32xf32, #tpu.memory_space<vmem_shared>>)
      tpu.yield
    }) : () -> ()
    %barrier3A = arith.constant 0 : index
    tpu.barrier barrier_id(%barrier3A)
    %mul3A_14 = arith.constant 50176 : i32
    %mul3A_15 = arith.muli %arg0, %mul3A_14 : i32
    %mul3A_16 = arith.constant 50000 : i32
    %mul3A_17 = arith.muli %arg1, %mul3A_16 : i32
    %scan3A_18 = arith.constant 0 : i32
    %scan3A_19 = arith.constant 0 : i32
    %scan3A_20 = arith.constant 390 : i32
    %scan3A_21 = arith.addi %scan3A_19, %scan3A_20 : i32
    %scan3A_22 = arith.constant 1 : i32
    %scan3A_23 = scf.for %scan3A_84 = %scan3A_19 to %scan3A_21 step %scan3A_22 iter_args(%scan3A_85 = %scan3A_18) -> (i32)  : i32 {
      %mul3A_86 = arith.constant 128 : i32
      %mul3A_87 = arith.muli %scan3A_84, %mul3A_86 : i32
      %add3A_88 = arith.addi %mul3A_17, %mul3A_87 : i32
      "tpu.region"() ({
        %run_scoped3A = tpu.sem_alloc : memref<!tpu.dma_semaphore, #tpu.memory_space<semaphore_mem>>
        %dma_start3A_174 = tpu.memref_slice %arg3[%add3A_88] : memref<800000xi32, #tpu.memory_space<hbm>> -> memref<128xi32, #tpu.memory_space<hbm>>
        %dma_start3A_175 = tpu.memref_slice %arg3[%add3A_88] : memref<800000xi32, #tpu.memory_space<hbm>> -> memref<128xi32, #tpu.memory_space<hbm>>
        tpu.enqueue_dma source(%dma_start3A_175 : memref<128xi32, #tpu.memory_space<hbm>>) target(%arg6 : memref<128xi32, #tpu.memory_space<vmem>>) target_semaphore(%run_scoped3A : memref<!tpu.dma_semaphore, #tpu.memory_space<semaphore_mem>>)
        %dma_wait3A_176 = tpu.memref_slice %arg3[%add3A_88] : memref<800000xi32, #tpu.memory_space<hbm>> -> memref<128xi32, #tpu.memory_space<hbm>>
        %dma_wait3A_177 = tpu.memref_slice %arg3[%add3A_88] : memref<800000xi32, #tpu.memory_space<hbm>> -> memref<128xi32, #tpu.memory_space<hbm>>
        tpu.wait_dma2 semaphore(%run_scoped3A : memref<!tpu.dma_semaphore, #tpu.memory_space<semaphore_mem>>) src(%dma_wait3A_177 : memref<128xi32, #tpu.memory_space<hbm>>) dst(%arg6 : memref<128xi32, #tpu.memory_space<vmem>>)
        tpu.yield
      }) : () -> ()
      "tpu.region"() ({
        %run_scoped3A = tpu.sem_alloc : memref<!tpu.dma_semaphore, #tpu.memory_space<semaphore_mem>>
        %dma_start3A_174 = tpu.memref_slice %arg4[%add3A_88] : memref<800000xi32, #tpu.memory_space<hbm>> -> memref<128xi32, #tpu.memory_space<hbm>>
        %dma_start3A_175 = tpu.memref_slice %arg4[%add3A_88] : memref<800000xi32, #tpu.memory_space<hbm>> -> memref<128xi32, #tpu.memory_space<hbm>>
        tpu.enqueue_dma source(%dma_start3A_175 : memref<128xi32, #tpu.memory_space<hbm>>) target(%arg7 : memref<128xi32, #tpu.memory_space<vmem>>) target_semaphore(%run_scoped3A : memref<!tpu.dma_semaphore, #tpu.memory_space<semaphore_mem>>)
        %dma_wait3A_176 = tpu.memref_slice %arg4[%add3A_88] : memref<800000xi32, #tpu.memory_space<hbm>> -> memref<128xi32, #tpu.memory_space<hbm>>
        %dma_wait3A_177 = tpu.memref_slice %arg4[%add3A_88] : memref<800000xi32, #tpu.memory_space<hbm>> -> memref<128xi32, #tpu.memory_space<hbm>>
        tpu.wait_dma2 semaphore(%run_scoped3A : memref<!tpu.dma_semaphore, #tpu.memory_space<semaphore_mem>>) src(%dma_wait3A_177 : memref<128xi32, #tpu.memory_space<hbm>>) dst(%arg7 : memref<128xi32, #tpu.memory_space<vmem>>)
        tpu.yield
      }) : () -> ()
      %get3A_89 = arith.constant 0 : index
      %get3A_90 = tpu.vector_load %arg6[%get3A_89] {strides = array<i32>} : memref<128xi32, #tpu.memory_space<vmem>>, vector<16xi32>,
      %get3A_91 = vector.shape_cast %get3A_90 : vector<16xi32> to vector<16xi32>
      %add3A_92 = vector.broadcast %mul3A_15 : i32 to vector<16xi32>
      %add3A_93 = arith.addi %get3A_91, %add3A_92 : vector<16xi32>
      %swap3A_94 = arith.constant 0 : index
      %swap3A_95 = tpu.vector_load %arg6[%swap3A_94] {strides = array<i32>} : memref<128xi32, #tpu.memory_space<vmem>>, vector<16xi32>,
      %swap3A_96 = vector.shape_cast %swap3A_95 : vector<16xi32> to vector<16xi32>
      %swap3A_97 = vector.shape_cast %add3A_93 : vector<16xi32> to vector<16xi32>
      tpu.vector_store %arg6[%swap3A_94], %swap3A_97 {strides = array<i32>} : memref<128xi32, #tpu.memory_space<vmem>>, vector<16xi32>,
      %get3A_98 = arith.constant 16 : index
      %get3A_99 = tpu.vector_load %arg6[%get3A_98] {strides = array<i32>} : memref<128xi32, #tpu.memory_space<vmem>>, vector<16xi32>,
      %get3A_100 = vector.shape_cast %get3A_99 : vector<16xi32> to vector<16xi32>
      %add3A_101 = vector.broadcast %mul3A_15 : i32 to vector<16xi32>
      %add3A_102 = arith.addi %get3A_100, %add3A_101 : vector<16xi32>
      %swap3A_103 = arith.constant 16 : index
      %swap3A_104 = tpu.vector_load %arg6[%swap3A_103] {strides = array<i32>} : memref<128xi32, #tpu.memory_space<vmem>>, vector<16xi32>,
      %swap3A_105 = vector.shape_cast %swap3A_104 : vector<16xi32> to vector<16xi32>
      %swap3A_106 = vector.shape_cast %add3A_102 : vector<16xi32> to vector<16xi32>
      tpu.vector_store %arg6[%swap3A_103], %swap3A_106 {strides = array<i32>} : memref<128xi32, #tpu.memory_space<vmem>>, vector<16xi32>,
      %get3A_107 = arith.constant 32 : index
      %get3A_108 = tpu.vector_load %arg6[%get3A_107] {strides = array<i32>} : memref<128xi32, #tpu.memory_space<vmem>>, vector<16xi32>,
      %get3A_109 = vector.shape_cast %get3A_108 : vector<16xi32> to vector<16xi32>
      %add3A_110 = vector.broadcast %mul3A_15 : i32 to vector<16xi32>
      %add3A_111 = arith.addi %get3A_109, %add3A_110 : vector<16xi32>
      %swap3A_112 = arith.constant 32 : index
      %swap3A_113 = tpu.vector_load %arg6[%swap3A_112] {strides = array<i32>} : memref<128xi32, #tpu.memory_space<vmem>>, vector<16xi32>,
      %swap3A_114 = vector.shape_cast %swap3A_113 : vector<16xi32> to vector<16xi32>
      %swap3A_115 = vector.shape_cast %add3A_111 : vector<16xi32> to vector<16xi32>
      tpu.vector_store %arg6[%swap3A_112], %swap3A_115 {strides = array<i32>} : memref<128xi32, #tpu.memory_space<vmem>>, vector<16xi32>,
      %get3A_116 = arith.constant 48 : index
      %get3A_117 = tpu.vector_load %arg6[%get3A_116] {strides = array<i32>} : memref<128xi32, #tpu.memory_space<vmem>>, vector<16xi32>,
      %get3A_118 = vector.shape_cast %get3A_117 : vector<16xi32> to vector<16xi32>
      %add3A_119 = vector.broadcast %mul3A_15 : i32 to vector<16xi32>
      %add3A_120 = arith.addi %get3A_118, %add3A_119 : vector<16xi32>
      %swap3A_121 = arith.constant 48 : index
      %swap3A_122 = tpu.vector_load %arg6[%swap3A_121] {strides = array<i32>} : memref<128xi32, #tpu.memory_space<vmem>>, vector<16xi32>,
      %swap3A_123 = vector.shape_cast %swap3A_122 : vector<16xi32> to vector<16xi32>
      %swap3A_124 = vector.shape_cast %add3A_120 : vector<16xi32> to vector<16xi32>
      tpu.vector_store %arg6[%swap3A_121], %swap3A_124 {strides = array<i32>} : memref<128xi32, #tpu.memory_space<vmem>>, vector<16xi32>,
      %get3A_125 = arith.constant 64 : index
      %get3A_126 = tpu.vector_load %arg6[%get3A_125] {strides = array<i32>} : memref<128xi32, #tpu.memory_space<vmem>>, vector<16xi32>,
      %get3A_127 = vector.shape_cast %get3A_126 : vector<16xi32> to vector<16xi32>
      %add3A_128 = vector.broadcast %mul3A_15 : i32 to vector<16xi32>
      %add3A_129 = arith.addi %get3A_127, %add3A_128 : vector<16xi32>
      %swap3A_130 = arith.constant 64 : index
      %swap3A_131 = tpu.vector_load %arg6[%swap3A_130] {strides = array<i32>} : memref<128xi32, #tpu.memory_space<vmem>>, vector<16xi32>,
      %swap3A_132 = vector.shape_cast %swap3A_131 : vector<16xi32> to vector<16xi32>
      %swap3A_133 = vector.shape_cast %add3A_129 : vector<16xi32> to vector<16xi32>
      tpu.vector_store %arg6[%swap3A_130], %swap3A_133 {strides = array<i32>} : memref<128xi32, #tpu.memory_space<vmem>>, vector<16xi32>,
      %get3A_134 = arith.constant 80 : index
      %get3A_135 = tpu.vector_load %arg6[%get3A_134] {strides = array<i32>} : memref<128xi32, #tpu.memory_space<vmem>>, vector<16xi32>,
      %get3A_136 = vector.shape_cast %get3A_135 : vector<16xi32> to vector<16xi32>
      %add3A_137 = vector.broadcast %mul3A_15 : i32 to vector<16xi32>
      %add3A_138 = arith.addi %get3A_136, %add3A_137 : vector<16xi32>
      %swap3A_139 = arith.constant 80 : index
      %swap3A_140 = tpu.vector_load %arg6[%swap3A_139] {strides = array<i32>} : memref<128xi32, #tpu.memory_space<vmem>>, vector<16xi32>,
      %swap3A_141 = vector.shape_cast %swap3A_140 : vector<16xi32> to vector<16xi32>
      %swap3A_142 = vector.shape_cast %add3A_138 : vector<16xi32> to vector<16xi32>
      tpu.vector_store %arg6[%swap3A_139], %swap3A_142 {strides = array<i32>} : memref<128xi32, #tpu.memory_space<vmem>>, vector<16xi32>,
      %get3A_143 = arith.constant 96 : index
      %get3A_144 = tpu.vector_load %arg6[%get3A_143] {strides = array<i32>} : memref<128xi32, #tpu.memory_space<vmem>>, vector<16xi32>,
      %get3A_145 = vector.shape_cast %get3A_144 : vector<16xi32> to vector<16xi32>
      %add3A_146 = vector.broadcast %mul3A_15 : i32 to vector<16xi32>
      %add3A_147 = arith.addi %get3A_145, %add3A_146 : vector<16xi32>
      %swap3A_148 = arith.constant 96 : index
      %swap3A_149 = tpu.vector_load %arg6[%swap3A_148] {strides = array<i32>} : memref<128xi32, #tpu.memory_space<vmem>>, vector<16xi32>,
      %swap3A_150 = vector.shape_cast %swap3A_149 : vector<16xi32> to vector<16xi32>
      %swap3A_151 = vector.shape_cast %add3A_147 : vector<16xi32> to vector<16xi32>
      tpu.vector_store %arg6[%swap3A_148], %swap3A_151 {strides = array<i32>} : memref<128xi32, #tpu.memory_space<vmem>>, vector<16xi32>,
      %get3A_152 = arith.constant 112 : index
      %get3A_153 = tpu.vector_load %arg6[%get3A_152] {strides = array<i32>} : memref<128xi32, #tpu.memory_space<vmem>>, vector<16xi32>,
      %get3A_154 = vector.shape_cast %get3A_153 : vector<16xi32> to vector<16xi32>
      %add3A_155 = vector.broadcast %mul3A_15 : i32 to vector<16xi32>
      %add3A_156 = arith.addi %get3A_154, %add3A_155 : vector<16xi32>
      %swap3A_157 = arith.constant 112 : index
      %swap3A_158 = tpu.vector_load %arg6[%swap3A_157] {strides = array<i32>} : memref<128xi32, #tpu.memory_space<vmem>>, vector<16xi32>,
      %swap3A_159 = vector.shape_cast %swap3A_158 : vector<16xi32> to vector<16xi32>
      %swap3A_160 = vector.shape_cast %add3A_156 : vector<16xi32> to vector<16xi32>
      tpu.vector_store %arg6[%swap3A_157], %swap3A_160 {strides = array<i32>} : memref<128xi32, #tpu.memory_space<vmem>>, vector<16xi32>,
      %dma_start3A_161 = arith.constant 0 : i32
      %dma_start3A_162 = arith.constant 0 : i32
      %dma_start3A_163 = tpu.memref_slice %arg10[%dma_start3A_161, %dma_start3A_162] : memref<128x32xf32, #tpu.memory_space<vmem>> -> memref<128x32xf32, #tpu.memory_space<vmem>>
      %dma_start3A_164 = arith.constant 0 : i32
      %dma_start3A_165 = arith.constant 0 : i32
      %dma_start3A_166 = tpu.memref_slice %arg2[%dma_start3A_164, %dma_start3A_165] : memref<100352x32xf32, #tpu.memory_space<hbm>> -> memref<100352x32xf32, #tpu.memory_space<hbm>>
      tpu.enqueue_indirect_dma source(%dma_start3A_166 : memref<100352x32xf32, #tpu.memory_space<hbm>>) target(%dma_start3A_163 : memref<128x32xf32, #tpu.memory_space<vmem>>) offsets(%arg6 : memref<128xi32, #tpu.memory_space<vmem>>) semaphore(%arg13 : memref<!tpu.dma_semaphore, #tpu.memory_space<semaphore_mem>>)
      %dma_wait3A_167 = arith.constant 0 : i32
      %dma_wait3A_168 = arith.constant 0 : i32
      %dma_wait3A_169 = tpu.memref_slice %arg10[%dma_wait3A_167, %dma_wait3A_168] : memref<128x32xf32, #tpu.memory_space<vmem>> -> memref<128x32xf32, #tpu.memory_space<vmem>>
      %dma_wait3A_170 = arith.constant 0 : i32
      %dma_wait3A_171 = arith.constant 0 : i32
      %dma_wait3A_172 = tpu.memref_slice %arg2[%dma_wait3A_170, %dma_wait3A_171] : memref<100352x32xf32, #tpu.memory_space<hbm>> -> memref<100352x32xf32, #tpu.memory_space<hbm>>
      tpu.wait_indirect_dma semaphore(%arg13 : memref<!tpu.dma_semaphore, #tpu.memory_space<semaphore_mem>>) src(%dma_wait3A_172 : memref<100352x32xf32, #tpu.memory_space<hbm>>) dst(%dma_wait3A_169 : memref<128x32xf32, #tpu.memory_space<vmem>>)
      "tpu.region"() ({
        %run_scoped3A = tpu.sem_alloc : memref<!tpu.dma_semaphore, #tpu.memory_space<semaphore_mem>>
        %dma_start3A_174 = arith.constant 0 : i32
        %dma_start3A_175 = arith.constant 0 : i32
        %dma_start3A_176 = tpu.memref_slice %arg10[%dma_start3A_174, %dma_start3A_175] : memref<128x32xf32, #tpu.memory_space<vmem>> -> memref<128x32xf32, #tpu.memory_space<vmem>>
        %dma_start3A_177 = arith.constant 0 : i32
        %dma_start3A_178 = arith.constant 0 : i32
        %dma_start3A_179 = tpu.memref_slice %arg12[%dma_start3A_177, %dma_start3A_178] : memref<50176x32xf32, #tpu.memory_space<vmem_shared>> -> memref<50176x32xf32, #tpu.memory_space<vmem_shared>>
        tpu.enqueue_indirect_dma source(%dma_start3A_176 : memref<128x32xf32, #tpu.memory_space<vmem>>) target(%dma_start3A_179 : memref<50176x32xf32, #tpu.memory_space<vmem_shared>>) offsets(%arg7 : memref<128xi32, #tpu.memory_space<vmem>>) semaphore(%run_scoped3A : memref<!tpu.dma_semaphore, #tpu.memory_space<semaphore_mem>>) {add = true}
        %dma_wait3A_180 = arith.constant 0 : i32
        %dma_wait3A_181 = arith.constant 0 : i32
        %dma_wait3A_182 = tpu.memref_slice %arg10[%dma_wait3A_180, %dma_wait3A_181] : memref<128x32xf32, #tpu.memory_space<vmem>> -> memref<128x32xf32, #tpu.memory_space<vmem>>
        %dma_wait3A_183 = arith.constant 0 : i32
        %dma_wait3A_184 = arith.constant 0 : i32
        %dma_wait3A_185 = tpu.memref_slice %arg12[%dma_wait3A_183, %dma_wait3A_184] : memref<50176x32xf32, #tpu.memory_space<vmem_shared>> -> memref<50176x32xf32, #tpu.memory_space<vmem_shared>>
        tpu.wait_indirect_dma semaphore(%run_scoped3A : memref<!tpu.dma_semaphore, #tpu.memory_space<semaphore_mem>>) src(%dma_wait3A_182 : memref<128x32xf32, #tpu.memory_space<vmem>>) dst(%dma_wait3A_185 : memref<50176x32xf32, #tpu.memory_space<vmem_shared>>)
        tpu.yield
      }) : () -> ()
      %scan3A_173 = arith.constant 0 : i32
      scf.yield %scan3A_173 : i32
    }
    %scan3A_24 = arith.constant 390 : i32
    %add3A_25 = arith.constant 49920 : i32
    %add3A_26 = arith.addi %mul3A_17, %add3A_25 : i32
    "tpu.region"() ({
      %run_scoped3A = tpu.sem_alloc : memref<!tpu.dma_semaphore, #tpu.memory_space<semaphore_mem>>
      %dma_start3A_84 = tpu.memref_slice %arg3[%add3A_26] : memref<800000xi32, #tpu.memory_space<hbm>> -> memref<80xi32, #tpu.memory_space<hbm>>
      %dma_start3A_85 = tpu.memref_slice %arg3[%add3A_26] : memref<800000xi32, #tpu.memory_space<hbm>> -> memref<80xi32, #tpu.memory_space<hbm>>
      tpu.enqueue_dma source(%dma_start3A_85 : memref<80xi32, #tpu.memory_space<hbm>>) target(%arg8 : memref<80xi32, #tpu.memory_space<vmem>>) target_semaphore(%run_scoped3A : memref<!tpu.dma_semaphore, #tpu.memory_space<semaphore_mem>>)
      %dma_wait3A_86 = tpu.memref_slice %arg3[%add3A_26] : memref<800000xi32, #tpu.memory_space<hbm>> -> memref<80xi32, #tpu.memory_space<hbm>>
      %dma_wait3A_87 = tpu.memref_slice %arg3[%add3A_26] : memref<800000xi32, #tpu.memory_space<hbm>> -> memref<80xi32, #tpu.memory_space<hbm>>
      tpu.wait_dma2 semaphore(%run_scoped3A : memref<!tpu.dma_semaphore, #tpu.memory_space<semaphore_mem>>) src(%dma_wait3A_87 : memref<80xi32, #tpu.memory_space<hbm>>) dst(%arg8 : memref<80xi32, #tpu.memory_space<vmem>>)
      tpu.yield
    }) : () -> ()
    "tpu.region"() ({
      %run_scoped3A = tpu.sem_alloc : memref<!tpu.dma_semaphore, #tpu.memory_space<semaphore_mem>>
      %dma_start3A_84 = tpu.memref_slice %arg4[%add3A_26] : memref<800000xi32, #tpu.memory_space<hbm>> -> memref<80xi32, #tpu.memory_space<hbm>>
      %dma_start3A_85 = tpu.memref_slice %arg4[%add3A_26] : memref<800000xi32, #tpu.memory_space<hbm>> -> memref<80xi32, #tpu.memory_space<hbm>>
      tpu.enqueue_dma source(%dma_start3A_85 : memref<80xi32, #tpu.memory_space<hbm>>) target(%arg9 : memref<80xi32, #tpu.memory_space<vmem>>) target_semaphore(%run_scoped3A : memref<!tpu.dma_semaphore, #tpu.memory_space<semaphore_mem>>)
      %dma_wait3A_86 = tpu.memref_slice %arg4[%add3A_26] : memref<800000xi32, #tpu.memory_space<hbm>> -> memref<80xi32, #tpu.memory_space<hbm>>
      %dma_wait3A_87 = tpu.memref_slice %arg4[%add3A_26] : memref<800000xi32, #tpu.memory_space<hbm>> -> memref<80xi32, #tpu.memory_space<hbm>>
      tpu.wait_dma2 semaphore(%run_scoped3A : memref<!tpu.dma_semaphore, #tpu.memory_space<semaphore_mem>>) src(%dma_wait3A_87 : memref<80xi32, #tpu.memory_space<hbm>>) dst(%arg9 : memref<80xi32, #tpu.memory_space<vmem>>)
      tpu.yield
    }) : () -> ()
    %get3A = arith.constant 0 : index
    %get3A_27 = tpu.vector_load %arg8[%get3A] {strides = array<i32>} : memref<80xi32, #tpu.memory_space<vmem>>, vector<16xi32>,
    %get3A_28 = vector.shape_cast %get3A_27 : vector<16xi32> to vector<16xi32>
    %add3A_29 = vector.broadcast %mul3A_15 : i32 to vector<16xi32>
    %add3A_30 = arith.addi %get3A_28, %add3A_29 : vector<16xi32>
    %swap3A = arith.constant 0 : index
    %swap3A_31 = tpu.vector_load %arg8[%swap3A] {strides = array<i32>} : memref<80xi32, #tpu.memory_space<vmem>>, vector<16xi32>,
    %swap3A_32 = vector.shape_cast %swap3A_31 : vector<16xi32> to vector<16xi32>
    %swap3A_33 = vector.shape_cast %add3A_30 : vector<16xi32> to vector<16xi32>
    tpu.vector_store %arg8[%swap3A], %swap3A_33 {strides = array<i32>} : memref<80xi32, #tpu.memory_space<vmem>>, vector<16xi32>,
    %get3A_34 = arith.constant 16 : index
    %get3A_35 = tpu.vector_load %arg8[%get3A_34] {strides = array<i32>} : memref<80xi32, #tpu.memory_space<vmem>>, vector<16xi32>,
    %get3A_36 = vector.shape_cast %get3A_35 : vector<16xi32> to vector<16xi32>
    %add3A_37 = vector.broadcast %mul3A_15 : i32 to vector<16xi32>
    %add3A_38 = arith.addi %get3A_36, %add3A_37 : vector<16xi32>
    %swap3A_39 = arith.constant 16 : index
    %swap3A_40 = tpu.vector_load %arg8[%swap3A_39] {strides = array<i32>} : memref<80xi32, #tpu.memory_space<vmem>>, vector<16xi32>,
    %swap3A_41 = vector.shape_cast %swap3A_40 : vector<16xi32> to vector<16xi32>
    %swap3A_42 = vector.shape_cast %add3A_38 : vector<16xi32> to vector<16xi32>
    tpu.vector_store %arg8[%swap3A_39], %swap3A_42 {strides = array<i32>} : memref<80xi32, #tpu.memory_space<vmem>>, vector<16xi32>,
    %get3A_43 = arith.constant 32 : index
    %get3A_44 = tpu.vector_load %arg8[%get3A_43] {strides = array<i32>} : memref<80xi32, #tpu.memory_space<vmem>>, vector<16xi32>,
    %get3A_45 = vector.shape_cast %get3A_44 : vector<16xi32> to vector<16xi32>
    %add3A_46 = vector.broadcast %mul3A_15 : i32 to vector<16xi32>
    %add3A_47 = arith.addi %get3A_45, %add3A_46 : vector<16xi32>
    %swap3A_48 = arith.constant 32 : index
    %swap3A_49 = tpu.vector_load %arg8[%swap3A_48] {strides = array<i32>} : memref<80xi32, #tpu.memory_space<vmem>>, vector<16xi32>,
    %swap3A_50 = vector.shape_cast %swap3A_49 : vector<16xi32> to vector<16xi32>
    %swap3A_51 = vector.shape_cast %add3A_47 : vector<16xi32> to vector<16xi32>
    tpu.vector_store %arg8[%swap3A_48], %swap3A_51 {strides = array<i32>} : memref<80xi32, #tpu.memory_space<vmem>>, vector<16xi32>,
    %get3A_52 = arith.constant 48 : index
    %get3A_53 = tpu.vector_load %arg8[%get3A_52] {strides = array<i32>} : memref<80xi32, #tpu.memory_space<vmem>>, vector<16xi32>,
    %get3A_54 = vector.shape_cast %get3A_53 : vector<16xi32> to vector<16xi32>
    %add3A_55 = vector.broadcast %mul3A_15 : i32 to vector<16xi32>
    %add3A_56 = arith.addi %get3A_54, %add3A_55 : vector<16xi32>
    %swap3A_57 = arith.constant 48 : index
    %swap3A_58 = tpu.vector_load %arg8[%swap3A_57] {strides = array<i32>} : memref<80xi32, #tpu.memory_space<vmem>>, vector<16xi32>,
    %swap3A_59 = vector.shape_cast %swap3A_58 : vector<16xi32> to vector<16xi32>
    %swap3A_60 = vector.shape_cast %add3A_56 : vector<16xi32> to vector<16xi32>
    tpu.vector_store %arg8[%swap3A_57], %swap3A_60 {strides = array<i32>} : memref<80xi32, #tpu.memory_space<vmem>>, vector<16xi32>,
    %get3A_61 = arith.constant 64 : index
    %get3A_62 = tpu.vector_load %arg8[%get3A_61] {strides = array<i32>} : memref<80xi32, #tpu.memory_space<vmem>>, vector<16xi32>,
    %get3A_63 = vector.shape_cast %get3A_62 : vector<16xi32> to vector<16xi32>
    %add3A_64 = vector.broadcast %mul3A_15 : i32 to vector<16xi32>
    %add3A_65 = arith.addi %get3A_63, %add3A_64 : vector<16xi32>
    %swap3A_66 = arith.constant 64 : index
    %swap3A_67 = tpu.vector_load %arg8[%swap3A_66] {strides = array<i32>} : memref<80xi32, #tpu.memory_space<vmem>>, vector<16xi32>,
    %swap3A_68 = vector.shape_cast %swap3A_67 : vector<16xi32> to vector<16xi32>
    %swap3A_69 = vector.shape_cast %add3A_65 : vector<16xi32> to vector<16xi32>
    tpu.vector_store %arg8[%swap3A_66], %swap3A_69 {strides = array<i32>} : memref<80xi32, #tpu.memory_space<vmem>>, vector<16xi32>,
    %dma_start3A = arith.constant 0 : i32
    %dma_start3A_70 = arith.constant 0 : i32
    %dma_start3A_71 = tpu.memref_slice %arg10[%dma_start3A, %dma_start3A_70] : memref<128x32xf32, #tpu.memory_space<vmem>> -> memref<80x32xf32, #tpu.memory_space<vmem>>
    %dma_start3A_72 = arith.constant 0 : i32
    %dma_start3A_73 = arith.constant 0 : i32
    %dma_start3A_74 = tpu.memref_slice %arg2[%dma_start3A_72, %dma_start3A_73] : memref<100352x32xf32, #tpu.memory_space<hbm>> -> memref<100352x32xf32, #tpu.memory_space<hbm>>
    tpu.enqueue_indirect_dma source(%dma_start3A_74 : memref<100352x32xf32, #tpu.memory_space<hbm>>) target(%dma_start3A_71 : memref<80x32xf32, #tpu.memory_space<vmem>>) offsets(%arg8 : memref<80xi32, #tpu.memory_space<vmem>>) semaphore(%arg13 : memref<!tpu.dma_semaphore, #tpu.memory_space<semaphore_mem>>)
    %dma_wait3A = arith.constant 0 : i32
    %dma_wait3A_75 = arith.constant 0 : i32
    %dma_wait3A_76 = tpu.memref_slice %arg10[%dma_wait3A, %dma_wait3A_75] : memref<128x32xf32, #tpu.memory_space<vmem>> -> memref<80x32xf32, #tpu.memory_space<vmem>>
    %dma_wait3A_77 = arith.constant 0 : i32
    %dma_wait3A_78 = arith.constant 0 : i32
    %dma_wait3A_79 = tpu.memref_slice %arg2[%dma_wait3A_77, %dma_wait3A_78] : memref<100352x32xf32, #tpu.memory_space<hbm>> -> memref<100352x32xf32, #tpu.memory_space<hbm>>
    tpu.wait_indirect_dma semaphore(%arg13 : memref<!tpu.dma_semaphore, #tpu.memory_space<semaphore_mem>>) src(%dma_wait3A_79 : memref<100352x32xf32, #tpu.memory_space<hbm>>) dst(%dma_wait3A_76 : memref<80x32xf32, #tpu.memory_space<vmem>>)
    "tpu.region"() ({
      %run_scoped3A = tpu.sem_alloc : memref<!tpu.dma_semaphore, #tpu.memory_space<semaphore_mem>>
      %dma_start3A_84 = arith.constant 0 : i32
      %dma_start3A_85 = arith.constant 0 : i32
      %dma_start3A_86 = tpu.memref_slice %arg10[%dma_start3A_84, %dma_start3A_85] : memref<128x32xf32, #tpu.memory_space<vmem>> -> memref<80x32xf32, #tpu.memory_space<vmem>>
      %dma_start3A_87 = arith.constant 0 : i32
      %dma_start3A_88 = arith.constant 0 : i32
      %dma_start3A_89 = tpu.memref_slice %arg12[%dma_start3A_87, %dma_start3A_88] : memref<50176x32xf32, #tpu.memory_space<vmem_shared>> -> memref<50176x32xf32, #tpu.memory_space<vmem_shared>>
      tpu.enqueue_indirect_dma source(%dma_start3A_86 : memref<80x32xf32, #tpu.memory_space<vmem>>) target(%dma_start3A_89 : memref<50176x32xf32, #tpu.memory_space<vmem_shared>>) offsets(%arg9 : memref<80xi32, #tpu.memory_space<vmem>>) semaphore(%run_scoped3A : memref<!tpu.dma_semaphore, #tpu.memory_space<semaphore_mem>>) {add = true}
      %dma_wait3A_90 = arith.constant 0 : i32
      %dma_wait3A_91 = arith.constant 0 : i32
      %dma_wait3A_92 = tpu.memref_slice %arg10[%dma_wait3A_90, %dma_wait3A_91] : memref<128x32xf32, #tpu.memory_space<vmem>> -> memref<80x32xf32, #tpu.memory_space<vmem>>
      %dma_wait3A_93 = arith.constant 0 : i32
      %dma_wait3A_94 = arith.constant 0 : i32
      %dma_wait3A_95 = tpu.memref_slice %arg12[%dma_wait3A_93, %dma_wait3A_94] : memref<50176x32xf32, #tpu.memory_space<vmem_shared>> -> memref<50176x32xf32, #tpu.memory_space<vmem_shared>>
      tpu.wait_indirect_dma semaphore(%run_scoped3A : memref<!tpu.dma_semaphore, #tpu.memory_space<semaphore_mem>>) src(%dma_wait3A_92 : memref<80x32xf32, #tpu.memory_space<vmem>>) dst(%dma_wait3A_95 : memref<50176x32xf32, #tpu.memory_space<vmem_shared>>)
      tpu.yield
    }) : () -> ()
    %barrier3A_80 = arith.constant 0 : index
    tpu.barrier barrier_id(%barrier3A_80)
    %mul3A_81 = arith.constant 50176 : i32
    %mul3A_82 = arith.muli %arg0, %mul3A_81 : i32
    %add3A_83 = arith.addi %mul3A_82, %mul3A_6 : i32
    "tpu.region"() ({
      %run_scoped3A = tpu.sem_alloc : memref<!tpu.dma_semaphore, #tpu.memory_space<semaphore_mem>>
      %dma_start3A_84 = arith.constant 0 : i32
      %dma_start3A_85 = tpu.memref_slice %arg5[%add3A_83, %dma_start3A_84] : memref<100352x32xf32, #tpu.memory_space<hbm>> -> memref<3136x32xf32, #tpu.memory_space<hbm>>
      %dma_start3A_86 = arith.constant 0 : i32
      %dma_start3A_87 = tpu.memref_slice %arg12[%mul3A_6, %dma_start3A_86] : memref<50176x32xf32, #tpu.memory_space<vmem_shared>> -> memref<3136x32xf32, #tpu.memory_space<vmem_shared>>
      tpu.enqueue_dma source(%dma_start3A_87 : memref<3136x32xf32, #tpu.memory_space<vmem_shared>>) target(%dma_start3A_85 : memref<3136x32xf32, #tpu.memory_space<hbm>>) target_semaphore(%run_scoped3A : memref<!tpu.dma_semaphore, #tpu.memory_space<semaphore_mem>>)
      %dma_wait3A_88 = arith.constant 0 : i32
      %dma_wait3A_89 = tpu.memref_slice %arg5[%add3A_83, %dma_wait3A_88] : memref<100352x32xf32, #tpu.memory_space<hbm>> -> memref<3136x32xf32, #tpu.memory_space<hbm>>
      %dma_wait3A_90 = arith.constant 0 : i32
      %dma_wait3A_91 = tpu.memref_slice %arg12[%mul3A_6, %dma_wait3A_90] : memref<50176x32xf32, #tpu.memory_space<vmem_shared>> -> memref<3136x32xf32, #tpu.memory_space<vmem_shared>>
      tpu.wait_dma2 semaphore(%run_scoped3A : memref<!tpu.dma_semaphore, #tpu.memory_space<semaphore_mem>>) src(%dma_wait3A_91 : memref<3136x32xf32, #tpu.memory_space<vmem_shared>>) dst(%dma_wait3A_89 : memref<3136x32xf32, #tpu.memory_space<hbm>>)
      tpu.yield
    }) : () -> ()
    return
  }
}

#map = affine_map<(d0, d1) -> (0, 0)>
#map1 = affine_map<(d0, d1) -> (0)>
module attributes {stable_mosaic.version = 14 : i64} {
  func.func @_layer_body(%arg0: i32, %arg1: i32, %arg2: memref<100352x32xf32, #tpu.memory_space<hbm>>, %arg3: memref<800000xi32, #tpu.memory_space<hbm>>, %arg4: memref<800000xi32, #tpu.memory_space<hbm>>, %arg5: memref<100352x32xf32, #tpu.memory_space<hbm>>, %arg6: memref<128xi32, #tpu.memory_space<vmem>>, %arg7: memref<128xi32, #tpu.memory_space<vmem>>, %arg8: memref<80xi32, #tpu.memory_space<vmem>>, %arg9: memref<80xi32, #tpu.memory_space<vmem>>, %arg10: memref<128x32xf32, #tpu.memory_space<vmem>>, %arg11: memref<784x32xf32, #tpu.memory_space<vmem>>, %arg12: memref<50176x32xf32, #tpu.memory_space<vmem_shared>>, %arg13: memref<!tpu.dma_semaphore, #tpu.memory_space<semaphore_mem>>) attributes {dimension_semantics = [#tpu.dimension_semantics<core_parallel>, #tpu.dimension_semantics<subcore_parallel>], iteration_bounds = array<i64: 2, 16>, scalar_prefetch = 0 : i64, scratch_operands = 8 : i64, tpu.core_type = #tpu.core_type<sc_vector_subcore>, window_params = [{transform_indices = #map}, {transform_indices = #map1}, {transform_indices = #map1}, {transform_indices = #map}]} {
    %scan3A = arith.constant 0 : i32
    %scan3A_0 = arith.constant 0 : i32
    %scan3A_1 = arith.constant 784 : i32
    %scan3A_2 = arith.addi %scan3A_0, %scan3A_1 : i32
    %scan3A_3 = arith.constant 1 : i32
    %scan3A_4 = scf.for %scan3A_84 = %scan3A_0 to %scan3A_2 step %scan3A_3 iter_args(%scan3A_85 = %scan3A) -> (i32)  : i32 {
      %broadcast_in_dim3A = arith.constant 0.000000e+00 : f32
      %broadcast_in_dim3A_86 = vector.broadcast %broadcast_in_dim3A : f32 to vector<16xf32>
      %swap3A_87 = arith.index_cast %scan3A_84 : i32 to index
      %swap3A_88 = arith.constant 0 : index
      %swap3A_89 = tpu.vector_load %arg11[%swap3A_87, %swap3A_88] {strides = array<i32>} : memref<784x32xf32, #tpu.memory_space<vmem>>, vector<1x16xf32>,
      %swap3A_90 = vector.shape_cast %swap3A_89 : vector<1x16xf32> to vector<16xf32>
      %swap3A_91 = vector.shape_cast %broadcast_in_dim3A_86 : vector<16xf32> to vector<1x16xf32>
      tpu.vector_store %arg11[%swap3A_87, %swap3A_88], %swap3A_91 {strides = array<i32>} : memref<784x32xf32, #tpu.memory_space<vmem>>, vector<1x16xf32>,
      %broadcast_in_dim3A_92 = arith.constant 0.000000e+00 : f32
      %broadcast_in_dim3A_93 = vector.broadcast %broadcast_in_dim3A_92 : f32 to vector<16xf32>
      %swap3A_94 = arith.index_cast %scan3A_84 : i32 to index
      %swap3A_95 = arith.constant 16 : index
      %swap3A_96 = tpu.vector_load %arg11[%swap3A_94, %swap3A_95] {strides = array<i32>} : memref<784x32xf32, #tpu.memory_space<vmem>>, vector<1x16xf32>,
      %swap3A_97 = vector.shape_cast %swap3A_96 : vector<1x16xf32> to vector<16xf32>
      %swap3A_98 = vector.shape_cast %broadcast_in_dim3A_93 : vector<16xf32> to vector<1x16xf32>
      tpu.vector_store %arg11[%swap3A_94, %swap3A_95], %swap3A_98 {strides = array<i32>} : memref<784x32xf32, #tpu.memory_space<vmem>>, vector<1x16xf32>,
      %scan3A_99 = arith.constant 0 : i32
      scf.yield %scan3A_99 : i32
    }
    %scan3A_5 = arith.constant 784 : i32
    %mul3A = arith.constant 3136 : i32
    %mul3A_6 = arith.muli %arg1, %mul3A : i32
    %add3A = arith.constant 0 : i32
    %add3A_7 = arith.addi %mul3A_6, %add3A : i32
    "tpu.region"() ({
      %run_scoped3A = tpu.sem_alloc : memref<!tpu.dma_semaphore, #tpu.memory_space<semaphore_mem>>
      %dma_start3A_84 = arith.constant 0 : i32
      %dma_start3A_85 = tpu.memref_slice %arg12[%add3A_7, %dma_start3A_84] : memref<50176x32xf32, #tpu.memory_space<vmem_shared>> -> memref<784x32xf32, #tpu.memory_space<vmem_shared>>
      %dma_start3A_86 = arith.constant 0 : i32
      %dma_start3A_87 = tpu.memref_slice %arg12[%add3A_7, %dma_start3A_86] : memref<50176x32xf32, #tpu.memory_space<vmem_shared>> -> memref<784x32xf32, #tpu.memory_space<vmem_shared>>
      tpu.enqueue_dma source(%arg11 : memref<784x32xf32, #tpu.memory_space<vmem>>) target(%dma_start3A_87 : memref<784x32xf32, #tpu.memory_space<vmem_shared>>) target_semaphore(%run_scoped3A : memref<!tpu.dma_semaphore, #tpu.memory_space<semaphore_mem>>)
      %dma_wait3A_88 = arith.constant 0 : i32
      %dma_wait3A_89 = tpu.memref_slice %arg12[%add3A_7, %dma_wait3A_88] : memref<50176x32xf32, #tpu.memory_space<vmem_shared>> -> memref<784x32xf32, #tpu.memory_space<vmem_shared>>
      %dma_wait3A_90 = arith.constant 0 : i32
      %dma_wait3A_91 = tpu.memref_slice %arg12[%add3A_7, %dma_wait3A_90] : memref<50176x32xf32, #tpu.memory_space<vmem_shared>> -> memref<784x32xf32, #tpu.memory_space<vmem_shared>>
      tpu.wait_dma2 semaphore(%run_scoped3A : memref<!tpu.dma_semaphore, #tpu.memory_space<semaphore_mem>>) src(%arg11 : memref<784x32xf32, #tpu.memory_space<vmem>>) dst(%dma_wait3A_91 : memref<784x32xf32, #tpu.memory_space<vmem_shared>>)
      tpu.yield
    }) : () -> ()
    %add3A_8 = arith.constant 784 : i32
    %add3A_9 = arith.addi %mul3A_6, %add3A_8 : i32
    "tpu.region"() ({
      %run_scoped3A = tpu.sem_alloc : memref<!tpu.dma_semaphore, #tpu.memory_space<semaphore_mem>>
      %dma_start3A_84 = arith.constant 0 : i32
      %dma_start3A_85 = tpu.memref_slice %arg12[%add3A_9, %dma_start3A_84] : memref<50176x32xf32, #tpu.memory_space<vmem_shared>> -> memref<784x32xf32, #tpu.memory_space<vmem_shared>>
      %dma_start3A_86 = arith.constant 0 : i32
      %dma_start3A_87 = tpu.memref_slice %arg12[%add3A_9, %dma_start3A_86] : memref<50176x32xf32, #tpu.memory_space<vmem_shared>> -> memref<784x32xf32, #tpu.memory_space<vmem_shared>>
      tpu.enqueue_dma source(%arg11 : memref<784x32xf32, #tpu.memory_space<vmem>>) target(%dma_start3A_87 : memref<784x32xf32, #tpu.memory_space<vmem_shared>>) target_semaphore(%run_scoped3A : memref<!tpu.dma_semaphore, #tpu.memory_space<semaphore_mem>>)
      %dma_wait3A_88 = arith.constant 0 : i32
      %dma_wait3A_89 = tpu.memref_slice %arg12[%add3A_9, %dma_wait3A_88] : memref<50176x32xf32, #tpu.memory_space<vmem_shared>> -> memref<784x32xf32, #tpu.memory_space<vmem_shared>>
      %dma_wait3A_90 = arith.constant 0 : i32
      %dma_wait3A_91 = tpu.memref_slice %arg12[%add3A_9, %dma_wait3A_90] : memref<50176x32xf32, #tpu.memory_space<vmem_shared>> -> memref<784x32xf32, #tpu.memory_space<vmem_shared>>
      tpu.wait_dma2 semaphore(%run_scoped3A : memref<!tpu.dma_semaphore, #tpu.memory_space<semaphore_mem>>) src(%arg11 : memref<784x32xf32, #tpu.memory_space<vmem>>) dst(%dma_wait3A_91 : memref<784x32xf32, #tpu.memory_space<vmem_shared>>)
      tpu.yield
    }) : () -> ()
    %add3A_10 = arith.constant 1568 : i32
    %add3A_11 = arith.addi %mul3A_6, %add3A_10 : i32
    "tpu.region"() ({
      %run_scoped3A = tpu.sem_alloc : memref<!tpu.dma_semaphore, #tpu.memory_space<semaphore_mem>>
      %dma_start3A_84 = arith.constant 0 : i32
      %dma_start3A_85 = tpu.memref_slice %arg12[%add3A_11, %dma_start3A_84] : memref<50176x32xf32, #tpu.memory_space<vmem_shared>> -> memref<784x32xf32, #tpu.memory_space<vmem_shared>>
      %dma_start3A_86 = arith.constant 0 : i32
      %dma_start3A_87 = tpu.memref_slice %arg12[%add3A_11, %dma_start3A_86] : memref<50176x32xf32, #tpu.memory_space<vmem_shared>> -> memref<784x32xf32, #tpu.memory_space<vmem_shared>>
      tpu.enqueue_dma source(%arg11 : memref<784x32xf32, #tpu.memory_space<vmem>>) target(%dma_start3A_87 : memref<784x32xf32, #tpu.memory_space<vmem_shared>>) target_semaphore(%run_scoped3A : memref<!tpu.dma_semaphore, #tpu.memory_space<semaphore_mem>>)
      %dma_wait3A_88 = arith.constant 0 : i32
      %dma_wait3A_89 = tpu.memref_slice %arg12[%add3A_11, %dma_wait3A_88] : memref<50176x32xf32, #tpu.memory_space<vmem_shared>> -> memref<784x32xf32, #tpu.memory_space<vmem_shared>>
      %dma_wait3A_90 = arith.constant 0 : i32
      %dma_wait3A_91 = tpu.memref_slice %arg12[%add3A_11, %dma_wait3A_90] : memref<50176x32xf32, #tpu.memory_space<vmem_shared>> -> memref<784x32xf32, #tpu.memory_space<vmem_shared>>
      tpu.wait_dma2 semaphore(%run_scoped3A : memref<!tpu.dma_semaphore, #tpu.memory_space<semaphore_mem>>) src(%arg11 : memref<784x32xf32, #tpu.memory_space<vmem>>) dst(%dma_wait3A_91 : memref<784x32xf32, #tpu.memory_space<vmem_shared>>)
      tpu.yield
    }) : () -> ()
    %add3A_12 = arith.constant 2352 : i32
    %add3A_13 = arith.addi %mul3A_6, %add3A_12 : i32
    "tpu.region"() ({
      %run_scoped3A = tpu.sem_alloc : memref<!tpu.dma_semaphore, #tpu.memory_space<semaphore_mem>>
      %dma_start3A_84 = arith.constant 0 : i32
      %dma_start3A_85 = tpu.memref_slice %arg12[%add3A_13, %dma_start3A_84] : memref<50176x32xf32, #tpu.memory_space<vmem_shared>> -> memref<784x32xf32, #tpu.memory_space<vmem_shared>>
      %dma_start3A_86 = arith.constant 0 : i32
      %dma_start3A_87 = tpu.memref_slice %arg12[%add3A_13, %dma_start3A_86] : memref<50176x32xf32, #tpu.memory_space<vmem_shared>> -> memref<784x32xf32, #tpu.memory_space<vmem_shared>>
      tpu.enqueue_dma source(%arg11 : memref<784x32xf32, #tpu.memory_space<vmem>>) target(%dma_start3A_87 : memref<784x32xf32, #tpu.memory_space<vmem_shared>>) target_semaphore(%run_scoped3A : memref<!tpu.dma_semaphore, #tpu.memory_space<semaphore_mem>>)
      %dma_wait3A_88 = arith.constant 0 : i32
      %dma_wait3A_89 = tpu.memref_slice %arg12[%add3A_13, %dma_wait3A_88] : memref<50176x32xf32, #tpu.memory_space<vmem_shared>> -> memref<784x32xf32, #tpu.memory_space<vmem_shared>>
      %dma_wait3A_90 = arith.constant 0 : i32
      %dma_wait3A_91 = tpu.memref_slice %arg12[%add3A_13, %dma_wait3A_90] : memref<50176x32xf32, #tpu.memory_space<vmem_shared>> -> memref<784x32xf32, #tpu.memory_space<vmem_shared>>
      tpu.wait_dma2 semaphore(%run_scoped3A : memref<!tpu.dma_semaphore, #tpu.memory_space<semaphore_mem>>) src(%arg11 : memref<784x32xf32, #tpu.memory_space<vmem>>) dst(%dma_wait3A_91 : memref<784x32xf32, #tpu.memory_space<vmem_shared>>)
      tpu.yield
    }) : () -> ()
    %barrier3A = arith.constant 0 : index
    tpu.barrier barrier_id(%barrier3A)
    %mul3A_14 = arith.constant 50176 : i32
    %mul3A_15 = arith.muli %arg0, %mul3A_14 : i32
    %mul3A_16 = arith.constant 50000 : i32
    %mul3A_17 = arith.muli %arg1, %mul3A_16 : i32
    %scan3A_18 = arith.constant 0 : i32
    %scan3A_19 = arith.constant 0 : i32
    %scan3A_20 = arith.constant 390 : i32
    %scan3A_21 = arith.addi %scan3A_19, %scan3A_20 : i32
    %scan3A_22 = arith.constant 1 : i32
    %scan3A_23 = scf.for %scan3A_84 = %scan3A_19 to %scan3A_21 step %scan3A_22 iter_args(%scan3A_85 = %scan3A_18) -> (i32)  : i32 {
      %mul3A_86 = arith.constant 128 : i32
      %mul3A_87 = arith.muli %scan3A_84, %mul3A_86 : i32
      %add3A_88 = arith.addi %mul3A_17, %mul3A_87 : i32
      "tpu.region"() ({
        %run_scoped3A = tpu.sem_alloc : memref<!tpu.dma_semaphore, #tpu.memory_space<semaphore_mem>>
        %dma_start3A_174 = tpu.memref_slice %arg3[%add3A_88] : memref<800000xi32, #tpu.memory_space<hbm>> -> memref<128xi32, #tpu.memory_space<hbm>>
        %dma_start3A_175 = tpu.memref_slice %arg3[%add3A_88] : memref<800000xi32, #tpu.memory_space<hbm>> -> memref<128xi32, #tpu.memory_space<hbm>>
        tpu.enqueue_dma source(%dma_start3A_175 : memref<128xi32, #tpu.memory_space<hbm>>) target(%arg6 : memref<128xi32, #tpu.memory_space<vmem>>) target_semaphore(%run_scoped3A : memref<!tpu.dma_semaphore, #tpu.memory_space<semaphore_mem>>)
        %dma_wait3A_176 = tpu.memref_slice %arg3[%add3A_88] : memref<800000xi32, #tpu.memory_space<hbm>> -> memref<128xi32, #tpu.memory_space<hbm>>
        %dma_wait3A_177 = tpu.memref_slice %arg3[%add3A_88] : memref<800000xi32, #tpu.memory_space<hbm>> -> memref<128xi32, #tpu.memory_space<hbm>>
        tpu.wait_dma2 semaphore(%run_scoped3A : memref<!tpu.dma_semaphore, #tpu.memory_space<semaphore_mem>>) src(%dma_wait3A_177 : memref<128xi32, #tpu.memory_space<hbm>>) dst(%arg6 : memref<128xi32, #tpu.memory_space<vmem>>)
        tpu.yield
      }) : () -> ()
      "tpu.region"() ({
        %run_scoped3A = tpu.sem_alloc : memref<!tpu.dma_semaphore, #tpu.memory_space<semaphore_mem>>
        %dma_start3A_174 = tpu.memref_slice %arg4[%add3A_88] : memref<800000xi32, #tpu.memory_space<hbm>> -> memref<128xi32, #tpu.memory_space<hbm>>
        %dma_start3A_175 = tpu.memref_slice %arg4[%add3A_88] : memref<800000xi32, #tpu.memory_space<hbm>> -> memref<128xi32, #tpu.memory_space<hbm>>
        tpu.enqueue_dma source(%dma_start3A_175 : memref<128xi32, #tpu.memory_space<hbm>>) target(%arg7 : memref<128xi32, #tpu.memory_space<vmem>>) target_semaphore(%run_scoped3A : memref<!tpu.dma_semaphore, #tpu.memory_space<semaphore_mem>>)
        %dma_wait3A_176 = tpu.memref_slice %arg4[%add3A_88] : memref<800000xi32, #tpu.memory_space<hbm>> -> memref<128xi32, #tpu.memory_space<hbm>>
        %dma_wait3A_177 = tpu.memref_slice %arg4[%add3A_88] : memref<800000xi32, #tpu.memory_space<hbm>> -> memref<128xi32, #tpu.memory_space<hbm>>
        tpu.wait_dma2 semaphore(%run_scoped3A : memref<!tpu.dma_semaphore, #tpu.memory_space<semaphore_mem>>) src(%dma_wait3A_177 : memref<128xi32, #tpu.memory_space<hbm>>) dst(%arg7 : memref<128xi32, #tpu.memory_space<vmem>>)
        tpu.yield
      }) : () -> ()
      %get3A_89 = arith.constant 0 : index
      %get3A_90 = tpu.vector_load %arg6[%get3A_89] {strides = array<i32>} : memref<128xi32, #tpu.memory_space<vmem>>, vector<16xi32>,
      %get3A_91 = vector.shape_cast %get3A_90 : vector<16xi32> to vector<16xi32>
      %add3A_92 = vector.broadcast %mul3A_15 : i32 to vector<16xi32>
      %add3A_93 = arith.addi %get3A_91, %add3A_92 : vector<16xi32>
      %swap3A_94 = arith.constant 0 : index
      %swap3A_95 = tpu.vector_load %arg6[%swap3A_94] {strides = array<i32>} : memref<128xi32, #tpu.memory_space<vmem>>, vector<16xi32>,
      %swap3A_96 = vector.shape_cast %swap3A_95 : vector<16xi32> to vector<16xi32>
      %swap3A_97 = vector.shape_cast %add3A_93 : vector<16xi32> to vector<16xi32>
      tpu.vector_store %arg6[%swap3A_94], %swap3A_97 {strides = array<i32>} : memref<128xi32, #tpu.memory_space<vmem>>, vector<16xi32>,
      %get3A_98 = arith.constant 16 : index
      %get3A_99 = tpu.vector_load %arg6[%get3A_98] {strides = array<i32>} : memref<128xi32, #tpu.memory_space<vmem>>, vector<16xi32>,
      %get3A_100 = vector.shape_cast %get3A_99 : vector<16xi32> to vector<16xi32>
      %add3A_101 = vector.broadcast %mul3A_15 : i32 to vector<16xi32>
      %add3A_102 = arith.addi %get3A_100, %add3A_101 : vector<16xi32>
      %swap3A_103 = arith.constant 16 : index
      %swap3A_104 = tpu.vector_load %arg6[%swap3A_103] {strides = array<i32>} : memref<128xi32, #tpu.memory_space<vmem>>, vector<16xi32>,
      %swap3A_105 = vector.shape_cast %swap3A_104 : vector<16xi32> to vector<16xi32>
      %swap3A_106 = vector.shape_cast %add3A_102 : vector<16xi32> to vector<16xi32>
      tpu.vector_store %arg6[%swap3A_103], %swap3A_106 {strides = array<i32>} : memref<128xi32, #tpu.memory_space<vmem>>, vector<16xi32>,
      %get3A_107 = arith.constant 32 : index
      %get3A_108 = tpu.vector_load %arg6[%get3A_107] {strides = array<i32>} : memref<128xi32, #tpu.memory_space<vmem>>, vector<16xi32>,
      %get3A_109 = vector.shape_cast %get3A_108 : vector<16xi32> to vector<16xi32>
      %add3A_110 = vector.broadcast %mul3A_15 : i32 to vector<16xi32>
      %add3A_111 = arith.addi %get3A_109, %add3A_110 : vector<16xi32>
      %swap3A_112 = arith.constant 32 : index
      %swap3A_113 = tpu.vector_load %arg6[%swap3A_112] {strides = array<i32>} : memref<128xi32, #tpu.memory_space<vmem>>, vector<16xi32>,
      %swap3A_114 = vector.shape_cast %swap3A_113 : vector<16xi32> to vector<16xi32>
      %swap3A_115 = vector.shape_cast %add3A_111 : vector<16xi32> to vector<16xi32>
      tpu.vector_store %arg6[%swap3A_112], %swap3A_115 {strides = array<i32>} : memref<128xi32, #tpu.memory_space<vmem>>, vector<16xi32>,
      %get3A_116 = arith.constant 48 : index
      %get3A_117 = tpu.vector_load %arg6[%get3A_116] {strides = array<i32>} : memref<128xi32, #tpu.memory_space<vmem>>, vector<16xi32>,
      %get3A_118 = vector.shape_cast %get3A_117 : vector<16xi32> to vector<16xi32>
      %add3A_119 = vector.broadcast %mul3A_15 : i32 to vector<16xi32>
      %add3A_120 = arith.addi %get3A_118, %add3A_119 : vector<16xi32>
      %swap3A_121 = arith.constant 48 : index
      %swap3A_122 = tpu.vector_load %arg6[%swap3A_121] {strides = array<i32>} : memref<128xi32, #tpu.memory_space<vmem>>, vector<16xi32>,
      %swap3A_123 = vector.shape_cast %swap3A_122 : vector<16xi32> to vector<16xi32>
      %swap3A_124 = vector.shape_cast %add3A_120 : vector<16xi32> to vector<16xi32>
      tpu.vector_store %arg6[%swap3A_121], %swap3A_124 {strides = array<i32>} : memref<128xi32, #tpu.memory_space<vmem>>, vector<16xi32>,
      %get3A_125 = arith.constant 64 : index
      %get3A_126 = tpu.vector_load %arg6[%get3A_125] {strides = array<i32>} : memref<128xi32, #tpu.memory_space<vmem>>, vector<16xi32>,
      %get3A_127 = vector.shape_cast %get3A_126 : vector<16xi32> to vector<16xi32>
      %add3A_128 = vector.broadcast %mul3A_15 : i32 to vector<16xi32>
      %add3A_129 = arith.addi %get3A_127, %add3A_128 : vector<16xi32>
      %swap3A_130 = arith.constant 64 : index
      %swap3A_131 = tpu.vector_load %arg6[%swap3A_130] {strides = array<i32>} : memref<128xi32, #tpu.memory_space<vmem>>, vector<16xi32>,
      %swap3A_132 = vector.shape_cast %swap3A_131 : vector<16xi32> to vector<16xi32>
      %swap3A_133 = vector.shape_cast %add3A_129 : vector<16xi32> to vector<16xi32>
      tpu.vector_store %arg6[%swap3A_130], %swap3A_133 {strides = array<i32>} : memref<128xi32, #tpu.memory_space<vmem>>, vector<16xi32>,
      %get3A_134 = arith.constant 80 : index
      %get3A_135 = tpu.vector_load %arg6[%get3A_134] {strides = array<i32>} : memref<128xi32, #tpu.memory_space<vmem>>, vector<16xi32>,
      %get3A_136 = vector.shape_cast %get3A_135 : vector<16xi32> to vector<16xi32>
      %add3A_137 = vector.broadcast %mul3A_15 : i32 to vector<16xi32>
      %add3A_138 = arith.addi %get3A_136, %add3A_137 : vector<16xi32>
      %swap3A_139 = arith.constant 80 : index
      %swap3A_140 = tpu.vector_load %arg6[%swap3A_139] {strides = array<i32>} : memref<128xi32, #tpu.memory_space<vmem>>, vector<16xi32>,
      %swap3A_141 = vector.shape_cast %swap3A_140 : vector<16xi32> to vector<16xi32>
      %swap3A_142 = vector.shape_cast %add3A_138 : vector<16xi32> to vector<16xi32>
      tpu.vector_store %arg6[%swap3A_139], %swap3A_142 {strides = array<i32>} : memref<128xi32, #tpu.memory_space<vmem>>, vector<16xi32>,
      %get3A_143 = arith.constant 96 : index
      %get3A_144 = tpu.vector_load %arg6[%get3A_143] {strides = array<i32>} : memref<128xi32, #tpu.memory_space<vmem>>, vector<16xi32>,
      %get3A_145 = vector.shape_cast %get3A_144 : vector<16xi32> to vector<16xi32>
      %add3A_146 = vector.broadcast %mul3A_15 : i32 to vector<16xi32>
      %add3A_147 = arith.addi %get3A_145, %add3A_146 : vector<16xi32>
      %swap3A_148 = arith.constant 96 : index
      %swap3A_149 = tpu.vector_load %arg6[%swap3A_148] {strides = array<i32>} : memref<128xi32, #tpu.memory_space<vmem>>, vector<16xi32>,
      %swap3A_150 = vector.shape_cast %swap3A_149 : vector<16xi32> to vector<16xi32>
      %swap3A_151 = vector.shape_cast %add3A_147 : vector<16xi32> to vector<16xi32>
      tpu.vector_store %arg6[%swap3A_148], %swap3A_151 {strides = array<i32>} : memref<128xi32, #tpu.memory_space<vmem>>, vector<16xi32>,
      %get3A_152 = arith.constant 112 : index
      %get3A_153 = tpu.vector_load %arg6[%get3A_152] {strides = array<i32>} : memref<128xi32, #tpu.memory_space<vmem>>, vector<16xi32>,
      %get3A_154 = vector.shape_cast %get3A_153 : vector<16xi32> to vector<16xi32>
      %add3A_155 = vector.broadcast %mul3A_15 : i32 to vector<16xi32>
      %add3A_156 = arith.addi %get3A_154, %add3A_155 : vector<16xi32>
      %swap3A_157 = arith.constant 112 : index
      %swap3A_158 = tpu.vector_load %arg6[%swap3A_157] {strides = array<i32>} : memref<128xi32, #tpu.memory_space<vmem>>, vector<16xi32>,
      %swap3A_159 = vector.shape_cast %swap3A_158 : vector<16xi32> to vector<16xi32>
      %swap3A_160 = vector.shape_cast %add3A_156 : vector<16xi32> to vector<16xi32>
      tpu.vector_store %arg6[%swap3A_157], %swap3A_160 {strides = array<i32>} : memref<128xi32, #tpu.memory_space<vmem>>, vector<16xi32>,
      %dma_start3A_161 = arith.constant 0 : i32
      %dma_start3A_162 = arith.constant 0 : i32
      %dma_start3A_163 = tpu.memref_slice %arg10[%dma_start3A_161, %dma_start3A_162] : memref<128x32xf32, #tpu.memory_space<vmem>> -> memref<128x32xf32, #tpu.memory_space<vmem>>
      %dma_start3A_164 = arith.constant 0 : i32
      %dma_start3A_165 = arith.constant 0 : i32
      %dma_start3A_166 = tpu.memref_slice %arg2[%dma_start3A_164, %dma_start3A_165] : memref<100352x32xf32, #tpu.memory_space<hbm>> -> memref<100352x32xf32, #tpu.memory_space<hbm>>
      tpu.enqueue_indirect_dma source(%dma_start3A_166 : memref<100352x32xf32, #tpu.memory_space<hbm>>) target(%dma_start3A_163 : memref<128x32xf32, #tpu.memory_space<vmem>>) offsets(%arg6 : memref<128xi32, #tpu.memory_space<vmem>>) semaphore(%arg13 : memref<!tpu.dma_semaphore, #tpu.memory_space<semaphore_mem>>)
      %dma_wait3A_167 = arith.constant 0 : i32
      %dma_wait3A_168 = arith.constant 0 : i32
      %dma_wait3A_169 = tpu.memref_slice %arg10[%dma_wait3A_167, %dma_wait3A_168] : memref<128x32xf32, #tpu.memory_space<vmem>> -> memref<128x32xf32, #tpu.memory_space<vmem>>
      %dma_wait3A_170 = arith.constant 0 : i32
      %dma_wait3A_171 = arith.constant 0 : i32
      %dma_wait3A_172 = tpu.memref_slice %arg2[%dma_wait3A_170, %dma_wait3A_171] : memref<100352x32xf32, #tpu.memory_space<hbm>> -> memref<100352x32xf32, #tpu.memory_space<hbm>>
      tpu.wait_indirect_dma semaphore(%arg13 : memref<!tpu.dma_semaphore, #tpu.memory_space<semaphore_mem>>) src(%dma_wait3A_172 : memref<100352x32xf32, #tpu.memory_space<hbm>>) dst(%dma_wait3A_169 : memref<128x32xf32, #tpu.memory_space<vmem>>)
      "tpu.region"() ({
        %run_scoped3A = tpu.sem_alloc : memref<!tpu.dma_semaphore, #tpu.memory_space<semaphore_mem>>
        %dma_start3A_174 = arith.constant 0 : i32
        %dma_start3A_175 = arith.constant 0 : i32
        %dma_start3A_176 = tpu.memref_slice %arg10[%dma_start3A_174, %dma_start3A_175] : memref<128x32xf32, #tpu.memory_space<vmem>> -> memref<128x32xf32, #tpu.memory_space<vmem>>
        %dma_start3A_177 = arith.constant 0 : i32
        %dma_start3A_178 = arith.constant 0 : i32
        %dma_start3A_179 = tpu.memref_slice %arg12[%dma_start3A_177, %dma_start3A_178] : memref<50176x32xf32, #tpu.memory_space<vmem_shared>> -> memref<50176x32xf32, #tpu.memory_space<vmem_shared>>
        tpu.enqueue_indirect_dma source(%dma_start3A_176 : memref<128x32xf32, #tpu.memory_space<vmem>>) target(%dma_start3A_179 : memref<50176x32xf32, #tpu.memory_space<vmem_shared>>) offsets(%arg7 : memref<128xi32, #tpu.memory_space<vmem>>) semaphore(%run_scoped3A : memref<!tpu.dma_semaphore, #tpu.memory_space<semaphore_mem>>) {add = true}
        %dma_wait3A_180 = arith.constant 0 : i32
        %dma_wait3A_181 = arith.constant 0 : i32
        %dma_wait3A_182 = tpu.memref_slice %arg10[%dma_wait3A_180, %dma_wait3A_181] : memref<128x32xf32, #tpu.memory_space<vmem>> -> memref<128x32xf32, #tpu.memory_space<vmem>>
        %dma_wait3A_183 = arith.constant 0 : i32
        %dma_wait3A_184 = arith.constant 0 : i32
        %dma_wait3A_185 = tpu.memref_slice %arg12[%dma_wait3A_183, %dma_wait3A_184] : memref<50176x32xf32, #tpu.memory_space<vmem_shared>> -> memref<50176x32xf32, #tpu.memory_space<vmem_shared>>
        tpu.wait_indirect_dma semaphore(%run_scoped3A : memref<!tpu.dma_semaphore, #tpu.memory_space<semaphore_mem>>) src(%dma_wait3A_182 : memref<128x32xf32, #tpu.memory_space<vmem>>) dst(%dma_wait3A_185 : memref<50176x32xf32, #tpu.memory_space<vmem_shared>>)
        tpu.yield
      }) : () -> ()
      %scan3A_173 = arith.constant 0 : i32
      scf.yield %scan3A_173 : i32
    }
    %scan3A_24 = arith.constant 390 : i32
    %add3A_25 = arith.constant 49920 : i32
    %add3A_26 = arith.addi %mul3A_17, %add3A_25 : i32
    "tpu.region"() ({
      %run_scoped3A = tpu.sem_alloc : memref<!tpu.dma_semaphore, #tpu.memory_space<semaphore_mem>>
      %dma_start3A_84 = tpu.memref_slice %arg3[%add3A_26] : memref<800000xi32, #tpu.memory_space<hbm>> -> memref<80xi32, #tpu.memory_space<hbm>>
      %dma_start3A_85 = tpu.memref_slice %arg3[%add3A_26] : memref<800000xi32, #tpu.memory_space<hbm>> -> memref<80xi32, #tpu.memory_space<hbm>>
      tpu.enqueue_dma source(%dma_start3A_85 : memref<80xi32, #tpu.memory_space<hbm>>) target(%arg8 : memref<80xi32, #tpu.memory_space<vmem>>) target_semaphore(%run_scoped3A : memref<!tpu.dma_semaphore, #tpu.memory_space<semaphore_mem>>)
      %dma_wait3A_86 = tpu.memref_slice %arg3[%add3A_26] : memref<800000xi32, #tpu.memory_space<hbm>> -> memref<80xi32, #tpu.memory_space<hbm>>
      %dma_wait3A_87 = tpu.memref_slice %arg3[%add3A_26] : memref<800000xi32, #tpu.memory_space<hbm>> -> memref<80xi32, #tpu.memory_space<hbm>>
      tpu.wait_dma2 semaphore(%run_scoped3A : memref<!tpu.dma_semaphore, #tpu.memory_space<semaphore_mem>>) src(%dma_wait3A_87 : memref<80xi32, #tpu.memory_space<hbm>>) dst(%arg8 : memref<80xi32, #tpu.memory_space<vmem>>)
      tpu.yield
    }) : () -> ()
    "tpu.region"() ({
      %run_scoped3A = tpu.sem_alloc : memref<!tpu.dma_semaphore, #tpu.memory_space<semaphore_mem>>
      %dma_start3A_84 = tpu.memref_slice %arg4[%add3A_26] : memref<800000xi32, #tpu.memory_space<hbm>> -> memref<80xi32, #tpu.memory_space<hbm>>
      %dma_start3A_85 = tpu.memref_slice %arg4[%add3A_26] : memref<800000xi32, #tpu.memory_space<hbm>> -> memref<80xi32, #tpu.memory_space<hbm>>
      tpu.enqueue_dma source(%dma_start3A_85 : memref<80xi32, #tpu.memory_space<hbm>>) target(%arg9 : memref<80xi32, #tpu.memory_space<vmem>>) target_semaphore(%run_scoped3A : memref<!tpu.dma_semaphore, #tpu.memory_space<semaphore_mem>>)
      %dma_wait3A_86 = tpu.memref_slice %arg4[%add3A_26] : memref<800000xi32, #tpu.memory_space<hbm>> -> memref<80xi32, #tpu.memory_space<hbm>>
      %dma_wait3A_87 = tpu.memref_slice %arg4[%add3A_26] : memref<800000xi32, #tpu.memory_space<hbm>> -> memref<80xi32, #tpu.memory_space<hbm>>
      tpu.wait_dma2 semaphore(%run_scoped3A : memref<!tpu.dma_semaphore, #tpu.memory_space<semaphore_mem>>) src(%dma_wait3A_87 : memref<80xi32, #tpu.memory_space<hbm>>) dst(%arg9 : memref<80xi32, #tpu.memory_space<vmem>>)
      tpu.yield
    }) : () -> ()
    %get3A = arith.constant 0 : index
    %get3A_27 = tpu.vector_load %arg8[%get3A] {strides = array<i32>} : memref<80xi32, #tpu.memory_space<vmem>>, vector<16xi32>,
    %get3A_28 = vector.shape_cast %get3A_27 : vector<16xi32> to vector<16xi32>
    %add3A_29 = vector.broadcast %mul3A_15 : i32 to vector<16xi32>
    %add3A_30 = arith.addi %get3A_28, %add3A_29 : vector<16xi32>
    %swap3A = arith.constant 0 : index
    %swap3A_31 = tpu.vector_load %arg8[%swap3A] {strides = array<i32>} : memref<80xi32, #tpu.memory_space<vmem>>, vector<16xi32>,
    %swap3A_32 = vector.shape_cast %swap3A_31 : vector<16xi32> to vector<16xi32>
    %swap3A_33 = vector.shape_cast %add3A_30 : vector<16xi32> to vector<16xi32>
    tpu.vector_store %arg8[%swap3A], %swap3A_33 {strides = array<i32>} : memref<80xi32, #tpu.memory_space<vmem>>, vector<16xi32>,
    %get3A_34 = arith.constant 16 : index
    %get3A_35 = tpu.vector_load %arg8[%get3A_34] {strides = array<i32>} : memref<80xi32, #tpu.memory_space<vmem>>, vector<16xi32>,
    %get3A_36 = vector.shape_cast %get3A_35 : vector<16xi32> to vector<16xi32>
    %add3A_37 = vector.broadcast %mul3A_15 : i32 to vector<16xi32>
    %add3A_38 = arith.addi %get3A_36, %add3A_37 : vector<16xi32>
    %swap3A_39 = arith.constant 16 : index
    %swap3A_40 = tpu.vector_load %arg8[%swap3A_39] {strides = array<i32>} : memref<80xi32, #tpu.memory_space<vmem>>, vector<16xi32>,
    %swap3A_41 = vector.shape_cast %swap3A_40 : vector<16xi32> to vector<16xi32>
    %swap3A_42 = vector.shape_cast %add3A_38 : vector<16xi32> to vector<16xi32>
    tpu.vector_store %arg8[%swap3A_39], %swap3A_42 {strides = array<i32>} : memref<80xi32, #tpu.memory_space<vmem>>, vector<16xi32>,
    %get3A_43 = arith.constant 32 : index
    %get3A_44 = tpu.vector_load %arg8[%get3A_43] {strides = array<i32>} : memref<80xi32, #tpu.memory_space<vmem>>, vector<16xi32>,
    %get3A_45 = vector.shape_cast %get3A_44 : vector<16xi32> to vector<16xi32>
    %add3A_46 = vector.broadcast %mul3A_15 : i32 to vector<16xi32>
    %add3A_47 = arith.addi %get3A_45, %add3A_46 : vector<16xi32>
    %swap3A_48 = arith.constant 32 : index
    %swap3A_49 = tpu.vector_load %arg8[%swap3A_48] {strides = array<i32>} : memref<80xi32, #tpu.memory_space<vmem>>, vector<16xi32>,
    %swap3A_50 = vector.shape_cast %swap3A_49 : vector<16xi32> to vector<16xi32>
    %swap3A_51 = vector.shape_cast %add3A_47 : vector<16xi32> to vector<16xi32>
    tpu.vector_store %arg8[%swap3A_48], %swap3A_51 {strides = array<i32>} : memref<80xi32, #tpu.memory_space<vmem>>, vector<16xi32>,
    %get3A_52 = arith.constant 48 : index
    %get3A_53 = tpu.vector_load %arg8[%get3A_52] {strides = array<i32>} : memref<80xi32, #tpu.memory_space<vmem>>, vector<16xi32>,
    %get3A_54 = vector.shape_cast %get3A_53 : vector<16xi32> to vector<16xi32>
    %add3A_55 = vector.broadcast %mul3A_15 : i32 to vector<16xi32>
    %add3A_56 = arith.addi %get3A_54, %add3A_55 : vector<16xi32>
    %swap3A_57 = arith.constant 48 : index
    %swap3A_58 = tpu.vector_load %arg8[%swap3A_57] {strides = array<i32>} : memref<80xi32, #tpu.memory_space<vmem>>, vector<16xi32>,
    %swap3A_59 = vector.shape_cast %swap3A_58 : vector<16xi32> to vector<16xi32>
    %swap3A_60 = vector.shape_cast %add3A_56 : vector<16xi32> to vector<16xi32>
    tpu.vector_store %arg8[%swap3A_57], %swap3A_60 {strides = array<i32>} : memref<80xi32, #tpu.memory_space<vmem>>, vector<16xi32>,
    %get3A_61 = arith.constant 64 : index
    %get3A_62 = tpu.vector_load %arg8[%get3A_61] {strides = array<i32>} : memref<80xi32, #tpu.memory_space<vmem>>, vector<16xi32>,
    %get3A_63 = vector.shape_cast %get3A_62 : vector<16xi32> to vector<16xi32>
    %add3A_64 = vector.broadcast %mul3A_15 : i32 to vector<16xi32>
    %add3A_65 = arith.addi %get3A_63, %add3A_64 : vector<16xi32>
    %swap3A_66 = arith.constant 64 : index
    %swap3A_67 = tpu.vector_load %arg8[%swap3A_66] {strides = array<i32>} : memref<80xi32, #tpu.memory_space<vmem>>, vector<16xi32>,
    %swap3A_68 = vector.shape_cast %swap3A_67 : vector<16xi32> to vector<16xi32>
    %swap3A_69 = vector.shape_cast %add3A_65 : vector<16xi32> to vector<16xi32>
    tpu.vector_store %arg8[%swap3A_66], %swap3A_69 {strides = array<i32>} : memref<80xi32, #tpu.memory_space<vmem>>, vector<16xi32>,
    %dma_start3A = arith.constant 0 : i32
    %dma_start3A_70 = arith.constant 0 : i32
    %dma_start3A_71 = tpu.memref_slice %arg10[%dma_start3A, %dma_start3A_70] : memref<128x32xf32, #tpu.memory_space<vmem>> -> memref<80x32xf32, #tpu.memory_space<vmem>>
    %dma_start3A_72 = arith.constant 0 : i32
    %dma_start3A_73 = arith.constant 0 : i32
    %dma_start3A_74 = tpu.memref_slice %arg2[%dma_start3A_72, %dma_start3A_73] : memref<100352x32xf32, #tpu.memory_space<hbm>> -> memref<100352x32xf32, #tpu.memory_space<hbm>>
    tpu.enqueue_indirect_dma source(%dma_start3A_74 : memref<100352x32xf32, #tpu.memory_space<hbm>>) target(%dma_start3A_71 : memref<80x32xf32, #tpu.memory_space<vmem>>) offsets(%arg8 : memref<80xi32, #tpu.memory_space<vmem>>) semaphore(%arg13 : memref<!tpu.dma_semaphore, #tpu.memory_space<semaphore_mem>>)
    %dma_wait3A = arith.constant 0 : i32
    %dma_wait3A_75 = arith.constant 0 : i32
    %dma_wait3A_76 = tpu.memref_slice %arg10[%dma_wait3A, %dma_wait3A_75] : memref<128x32xf32, #tpu.memory_space<vmem>> -> memref<80x32xf32, #tpu.memory_space<vmem>>
    %dma_wait3A_77 = arith.constant 0 : i32
    %dma_wait3A_78 = arith.constant 0 : i32
    %dma_wait3A_79 = tpu.memref_slice %arg2[%dma_wait3A_77, %dma_wait3A_78] : memref<100352x32xf32, #tpu.memory_space<hbm>> -> memref<100352x32xf32, #tpu.memory_space<hbm>>
    tpu.wait_indirect_dma semaphore(%arg13 : memref<!tpu.dma_semaphore, #tpu.memory_space<semaphore_mem>>) src(%dma_wait3A_79 : memref<100352x32xf32, #tpu.memory_space<hbm>>) dst(%dma_wait3A_76 : memref<80x32xf32, #tpu.memory_space<vmem>>)
    "tpu.region"() ({
      %run_scoped3A = tpu.sem_alloc : memref<!tpu.dma_semaphore, #tpu.memory_space<semaphore_mem>>
      %dma_start3A_84 = arith.constant 0 : i32
      %dma_start3A_85 = arith.constant 0 : i32
      %dma_start3A_86 = tpu.memref_slice %arg10[%dma_start3A_84, %dma_start3A_85] : memref<128x32xf32, #tpu.memory_space<vmem>> -> memref<80x32xf32, #tpu.memory_space<vmem>>
      %dma_start3A_87 = arith.constant 0 : i32
      %dma_start3A_88 = arith.constant 0 : i32
      %dma_start3A_89 = tpu.memref_slice %arg12[%dma_start3A_87, %dma_start3A_88] : memref<50176x32xf32, #tpu.memory_space<vmem_shared>> -> memref<50176x32xf32, #tpu.memory_space<vmem_shared>>
      tpu.enqueue_indirect_dma source(%dma_start3A_86 : memref<80x32xf32, #tpu.memory_space<vmem>>) target(%dma_start3A_89 : memref<50176x32xf32, #tpu.memory_space<vmem_shared>>) offsets(%arg9 : memref<80xi32, #tpu.memory_space<vmem>>) semaphore(%run_scoped3A : memref<!tpu.dma_semaphore, #tpu.memory_space<semaphore_mem>>) {add = true}
      %dma_wait3A_90 = arith.constant 0 : i32
      %dma_wait3A_91 = arith.constant 0 : i32
      %dma_wait3A_92 = tpu.memref_slice %arg10[%dma_wait3A_90, %dma_wait3A_91] : memref<128x32xf32, #tpu.memory_space<vmem>> -> memref<80x32xf32, #tpu.memory_space<vmem>>
      %dma_wait3A_93 = arith.constant 0 : i32
      %dma_wait3A_94 = arith.constant 0 : i32
      %dma_wait3A_95 = tpu.memref_slice %arg12[%dma_wait3A_93, %dma_wait3A_94] : memref<50176x32xf32, #tpu.memory_space<vmem_shared>> -> memref<50176x32xf32, #tpu.memory_space<vmem_shared>>
      tpu.wait_indirect_dma semaphore(%run_scoped3A : memref<!tpu.dma_semaphore, #tpu.memory_space<semaphore_mem>>) src(%dma_wait3A_92 : memref<80x32xf32, #tpu.memory_space<vmem>>) dst(%dma_wait3A_95 : memref<50176x32xf32, #tpu.memory_space<vmem_shared>>)
      tpu.yield
    }) : () -> ()
    %barrier3A_80 = arith.constant 0 : index
    tpu.barrier barrier_id(%barrier3A_80)
    %mul3A_81 = arith.constant 50176 : i32
    %mul3A_82 = arith.muli %arg0, %mul3A_81 : i32
    %add3A_83 = arith.addi %mul3A_82, %mul3A_6 : i32
    "tpu.region"() ({
      %run_scoped3A = tpu.sem_alloc : memref<!tpu.dma_semaphore, #tpu.memory_space<semaphore_mem>>
      %dma_start3A_84 = arith.constant 0 : i32
      %dma_start3A_85 = tpu.memref_slice %arg5[%add3A_83, %dma_start3A_84] : memref<100352x32xf32, #tpu.memory_space<hbm>> -> memref<3136x32xf32, #tpu.memory_space<hbm>>
      %dma_start3A_86 = arith.constant 0 : i32
      %dma_start3A_87 = tpu.memref_slice %arg12[%mul3A_6, %dma_start3A_86] : memref<50176x32xf32, #tpu.memory_space<vmem_shared>> -> memref<3136x32xf32, #tpu.memory_space<vmem_shared>>
      tpu.enqueue_dma source(%dma_start3A_87 : memref<3136x32xf32, #tpu.memory_space<vmem_shared>>) target(%dma_start3A_85 : memref<3136x32xf32, #tpu.memory_space<hbm>>) target_semaphore(%run_scoped3A : memref<!tpu.dma_semaphore, #tpu.memory_space<semaphore_mem>>)
      %dma_wait3A_88 = arith.constant 0 : i32
      %dma_wait3A_89 = tpu.memref_slice %arg5[%add3A_83, %dma_wait3A_88] : memref<100352x32xf32, #tpu.memory_space<hbm>> -> memref<3136x32xf32, #tpu.memory_space<hbm>>
      %dma_wait3A_90 = arith.constant 0 : i32
      %dma_wait3A_91 = tpu.memref_slice %arg12[%mul3A_6, %dma_wait3A_90] : memref<50176x32xf32, #tpu.memory_space<vmem_shared>> -> memref<3136x32xf32, #tpu.memory_space<vmem_shared>>
      tpu.wait_dma2 semaphore(%run_scoped3A : memref<!tpu.dma_semaphore, #tpu.memory_space<semaphore_mem>>) src(%dma_wait3A_91 : memref<3136x32xf32, #tpu.memory_space<vmem_shared>>) dst(%dma_wait3A_89 : memref<3136x32xf32, #tpu.memory_space<hbm>>)
      tpu.yield
    }) : () -> ()
    return
  }
}

#map = affine_map<(d0, d1) -> (0, 0)>
#map1 = affine_map<(d0, d1) -> (0)>
module attributes {stable_mosaic.version = 14 : i64} {
  func.func @_layer_body(%arg0: i32, %arg1: i32, %arg2: memref<100352x32xf32, #tpu.memory_space<hbm>>, %arg3: memref<800000xi32, #tpu.memory_space<hbm>>, %arg4: memref<800000xi32, #tpu.memory_space<hbm>>, %arg5: memref<100352x32xf32, #tpu.memory_space<hbm>>, %arg6: memref<128xi32, #tpu.memory_space<vmem>>, %arg7: memref<128xi32, #tpu.memory_space<vmem>>, %arg8: memref<80xi32, #tpu.memory_space<vmem>>, %arg9: memref<80xi32, #tpu.memory_space<vmem>>, %arg10: memref<128x32xf32, #tpu.memory_space<vmem>>, %arg11: memref<784x32xf32, #tpu.memory_space<vmem>>, %arg12: memref<50176x32xf32, #tpu.memory_space<vmem_shared>>, %arg13: memref<!tpu.dma_semaphore, #tpu.memory_space<semaphore_mem>>) attributes {dimension_semantics = [#tpu.dimension_semantics<core_parallel>, #tpu.dimension_semantics<subcore_parallel>], iteration_bounds = array<i64: 2, 16>, scalar_prefetch = 0 : i64, scratch_operands = 8 : i64, tpu.core_type = #tpu.core_type<sc_vector_subcore>, window_params = [{transform_indices = #map}, {transform_indices = #map1}, {transform_indices = #map1}, {transform_indices = #map}]} {
    %scan3A = arith.constant 0 : i32
    %scan3A_0 = arith.constant 0 : i32
    %scan3A_1 = arith.constant 784 : i32
    %scan3A_2 = arith.addi %scan3A_0, %scan3A_1 : i32
    %scan3A_3 = arith.constant 1 : i32
    %scan3A_4 = scf.for %scan3A_84 = %scan3A_0 to %scan3A_2 step %scan3A_3 iter_args(%scan3A_85 = %scan3A) -> (i32)  : i32 {
      %broadcast_in_dim3A = arith.constant 0.000000e+00 : f32
      %broadcast_in_dim3A_86 = vector.broadcast %broadcast_in_dim3A : f32 to vector<16xf32>
      %swap3A_87 = arith.index_cast %scan3A_84 : i32 to index
      %swap3A_88 = arith.constant 0 : index
      %swap3A_89 = tpu.vector_load %arg11[%swap3A_87, %swap3A_88] {strides = array<i32>} : memref<784x32xf32, #tpu.memory_space<vmem>>, vector<1x16xf32>,
      %swap3A_90 = vector.shape_cast %swap3A_89 : vector<1x16xf32> to vector<16xf32>
      %swap3A_91 = vector.shape_cast %broadcast_in_dim3A_86 : vector<16xf32> to vector<1x16xf32>
      tpu.vector_store %arg11[%swap3A_87, %swap3A_88], %swap3A_91 {strides = array<i32>} : memref<784x32xf32, #tpu.memory_space<vmem>>, vector<1x16xf32>,
      %broadcast_in_dim3A_92 = arith.constant 0.000000e+00 : f32
      %broadcast_in_dim3A_93 = vector.broadcast %broadcast_in_dim3A_92 : f32 to vector<16xf32>
      %swap3A_94 = arith.index_cast %scan3A_84 : i32 to index
      %swap3A_95 = arith.constant 16 : index
      %swap3A_96 = tpu.vector_load %arg11[%swap3A_94, %swap3A_95] {strides = array<i32>} : memref<784x32xf32, #tpu.memory_space<vmem>>, vector<1x16xf32>,
      %swap3A_97 = vector.shape_cast %swap3A_96 : vector<1x16xf32> to vector<16xf32>
      %swap3A_98 = vector.shape_cast %broadcast_in_dim3A_93 : vector<16xf32> to vector<1x16xf32>
      tpu.vector_store %arg11[%swap3A_94, %swap3A_95], %swap3A_98 {strides = array<i32>} : memref<784x32xf32, #tpu.memory_space<vmem>>, vector<1x16xf32>,
      %scan3A_99 = arith.constant 0 : i32
      scf.yield %scan3A_99 : i32
    }
    %scan3A_5 = arith.constant 784 : i32
    %mul3A = arith.constant 3136 : i32
    %mul3A_6 = arith.muli %arg1, %mul3A : i32
    %add3A = arith.constant 0 : i32
    %add3A_7 = arith.addi %mul3A_6, %add3A : i32
    "tpu.region"() ({
      %run_scoped3A = tpu.sem_alloc : memref<!tpu.dma_semaphore, #tpu.memory_space<semaphore_mem>>
      %dma_start3A_84 = arith.constant 0 : i32
      %dma_start3A_85 = tpu.memref_slice %arg12[%add3A_7, %dma_start3A_84] : memref<50176x32xf32, #tpu.memory_space<vmem_shared>> -> memref<784x32xf32, #tpu.memory_space<vmem_shared>>
      %dma_start3A_86 = arith.constant 0 : i32
      %dma_start3A_87 = tpu.memref_slice %arg12[%add3A_7, %dma_start3A_86] : memref<50176x32xf32, #tpu.memory_space<vmem_shared>> -> memref<784x32xf32, #tpu.memory_space<vmem_shared>>
      tpu.enqueue_dma source(%arg11 : memref<784x32xf32, #tpu.memory_space<vmem>>) target(%dma_start3A_87 : memref<784x32xf32, #tpu.memory_space<vmem_shared>>) target_semaphore(%run_scoped3A : memref<!tpu.dma_semaphore, #tpu.memory_space<semaphore_mem>>)
      %dma_wait3A_88 = arith.constant 0 : i32
      %dma_wait3A_89 = tpu.memref_slice %arg12[%add3A_7, %dma_wait3A_88] : memref<50176x32xf32, #tpu.memory_space<vmem_shared>> -> memref<784x32xf32, #tpu.memory_space<vmem_shared>>
      %dma_wait3A_90 = arith.constant 0 : i32
      %dma_wait3A_91 = tpu.memref_slice %arg12[%add3A_7, %dma_wait3A_90] : memref<50176x32xf32, #tpu.memory_space<vmem_shared>> -> memref<784x32xf32, #tpu.memory_space<vmem_shared>>
      tpu.wait_dma2 semaphore(%run_scoped3A : memref<!tpu.dma_semaphore, #tpu.memory_space<semaphore_mem>>) src(%arg11 : memref<784x32xf32, #tpu.memory_space<vmem>>) dst(%dma_wait3A_91 : memref<784x32xf32, #tpu.memory_space<vmem_shared>>)
      tpu.yield
    }) : () -> ()
    %add3A_8 = arith.constant 784 : i32
    %add3A_9 = arith.addi %mul3A_6, %add3A_8 : i32
    "tpu.region"() ({
      %run_scoped3A = tpu.sem_alloc : memref<!tpu.dma_semaphore, #tpu.memory_space<semaphore_mem>>
      %dma_start3A_84 = arith.constant 0 : i32
      %dma_start3A_85 = tpu.memref_slice %arg12[%add3A_9, %dma_start3A_84] : memref<50176x32xf32, #tpu.memory_space<vmem_shared>> -> memref<784x32xf32, #tpu.memory_space<vmem_shared>>
      %dma_start3A_86 = arith.constant 0 : i32
      %dma_start3A_87 = tpu.memref_slice %arg12[%add3A_9, %dma_start3A_86] : memref<50176x32xf32, #tpu.memory_space<vmem_shared>> -> memref<784x32xf32, #tpu.memory_space<vmem_shared>>
      tpu.enqueue_dma source(%arg11 : memref<784x32xf32, #tpu.memory_space<vmem>>) target(%dma_start3A_87 : memref<784x32xf32, #tpu.memory_space<vmem_shared>>) target_semaphore(%run_scoped3A : memref<!tpu.dma_semaphore, #tpu.memory_space<semaphore_mem>>)
      %dma_wait3A_88 = arith.constant 0 : i32
      %dma_wait3A_89 = tpu.memref_slice %arg12[%add3A_9, %dma_wait3A_88] : memref<50176x32xf32, #tpu.memory_space<vmem_shared>> -> memref<784x32xf32, #tpu.memory_space<vmem_shared>>
      %dma_wait3A_90 = arith.constant 0 : i32
      %dma_wait3A_91 = tpu.memref_slice %arg12[%add3A_9, %dma_wait3A_90] : memref<50176x32xf32, #tpu.memory_space<vmem_shared>> -> memref<784x32xf32, #tpu.memory_space<vmem_shared>>
      tpu.wait_dma2 semaphore(%run_scoped3A : memref<!tpu.dma_semaphore, #tpu.memory_space<semaphore_mem>>) src(%arg11 : memref<784x32xf32, #tpu.memory_space<vmem>>) dst(%dma_wait3A_91 : memref<784x32xf32, #tpu.memory_space<vmem_shared>>)
      tpu.yield
    }) : () -> ()
    %add3A_10 = arith.constant 1568 : i32
    %add3A_11 = arith.addi %mul3A_6, %add3A_10 : i32
    "tpu.region"() ({
      %run_scoped3A = tpu.sem_alloc : memref<!tpu.dma_semaphore, #tpu.memory_space<semaphore_mem>>
      %dma_start3A_84 = arith.constant 0 : i32
      %dma_start3A_85 = tpu.memref_slice %arg12[%add3A_11, %dma_start3A_84] : memref<50176x32xf32, #tpu.memory_space<vmem_shared>> -> memref<784x32xf32, #tpu.memory_space<vmem_shared>>
      %dma_start3A_86 = arith.constant 0 : i32
      %dma_start3A_87 = tpu.memref_slice %arg12[%add3A_11, %dma_start3A_86] : memref<50176x32xf32, #tpu.memory_space<vmem_shared>> -> memref<784x32xf32, #tpu.memory_space<vmem_shared>>
      tpu.enqueue_dma source(%arg11 : memref<784x32xf32, #tpu.memory_space<vmem>>) target(%dma_start3A_87 : memref<784x32xf32, #tpu.memory_space<vmem_shared>>) target_semaphore(%run_scoped3A : memref<!tpu.dma_semaphore, #tpu.memory_space<semaphore_mem>>)
      %dma_wait3A_88 = arith.constant 0 : i32
      %dma_wait3A_89 = tpu.memref_slice %arg12[%add3A_11, %dma_wait3A_88] : memref<50176x32xf32, #tpu.memory_space<vmem_shared>> -> memref<784x32xf32, #tpu.memory_space<vmem_shared>>
      %dma_wait3A_90 = arith.constant 0 : i32
      %dma_wait3A_91 = tpu.memref_slice %arg12[%add3A_11, %dma_wait3A_90] : memref<50176x32xf32, #tpu.memory_space<vmem_shared>> -> memref<784x32xf32, #tpu.memory_space<vmem_shared>>
      tpu.wait_dma2 semaphore(%run_scoped3A : memref<!tpu.dma_semaphore, #tpu.memory_space<semaphore_mem>>) src(%arg11 : memref<784x32xf32, #tpu.memory_space<vmem>>) dst(%dma_wait3A_91 : memref<784x32xf32, #tpu.memory_space<vmem_shared>>)
      tpu.yield
    }) : () -> ()
    %add3A_12 = arith.constant 2352 : i32
    %add3A_13 = arith.addi %mul3A_6, %add3A_12 : i32
    "tpu.region"() ({
      %run_scoped3A = tpu.sem_alloc : memref<!tpu.dma_semaphore, #tpu.memory_space<semaphore_mem>>
      %dma_start3A_84 = arith.constant 0 : i32
      %dma_start3A_85 = tpu.memref_slice %arg12[%add3A_13, %dma_start3A_84] : memref<50176x32xf32, #tpu.memory_space<vmem_shared>> -> memref<784x32xf32, #tpu.memory_space<vmem_shared>>
      %dma_start3A_86 = arith.constant 0 : i32
      %dma_start3A_87 = tpu.memref_slice %arg12[%add3A_13, %dma_start3A_86] : memref<50176x32xf32, #tpu.memory_space<vmem_shared>> -> memref<784x32xf32, #tpu.memory_space<vmem_shared>>
      tpu.enqueue_dma source(%arg11 : memref<784x32xf32, #tpu.memory_space<vmem>>) target(%dma_start3A_87 : memref<784x32xf32, #tpu.memory_space<vmem_shared>>) target_semaphore(%run_scoped3A : memref<!tpu.dma_semaphore, #tpu.memory_space<semaphore_mem>>)
      %dma_wait3A_88 = arith.constant 0 : i32
      %dma_wait3A_89 = tpu.memref_slice %arg12[%add3A_13, %dma_wait3A_88] : memref<50176x32xf32, #tpu.memory_space<vmem_shared>> -> memref<784x32xf32, #tpu.memory_space<vmem_shared>>
      %dma_wait3A_90 = arith.constant 0 : i32
      %dma_wait3A_91 = tpu.memref_slice %arg12[%add3A_13, %dma_wait3A_90] : memref<50176x32xf32, #tpu.memory_space<vmem_shared>> -> memref<784x32xf32, #tpu.memory_space<vmem_shared>>
      tpu.wait_dma2 semaphore(%run_scoped3A : memref<!tpu.dma_semaphore, #tpu.memory_space<semaphore_mem>>) src(%arg11 : memref<784x32xf32, #tpu.memory_space<vmem>>) dst(%dma_wait3A_91 : memref<784x32xf32, #tpu.memory_space<vmem_shared>>)
      tpu.yield
    }) : () -> ()
    %barrier3A = arith.constant 0 : index
    tpu.barrier barrier_id(%barrier3A)
    %mul3A_14 = arith.constant 50176 : i32
    %mul3A_15 = arith.muli %arg0, %mul3A_14 : i32
    %mul3A_16 = arith.constant 50000 : i32
    %mul3A_17 = arith.muli %arg1, %mul3A_16 : i32
    %scan3A_18 = arith.constant 0 : i32
    %scan3A_19 = arith.constant 0 : i32
    %scan3A_20 = arith.constant 390 : i32
    %scan3A_21 = arith.addi %scan3A_19, %scan3A_20 : i32
    %scan3A_22 = arith.constant 1 : i32
    %scan3A_23 = scf.for %scan3A_84 = %scan3A_19 to %scan3A_21 step %scan3A_22 iter_args(%scan3A_85 = %scan3A_18) -> (i32)  : i32 {
      %mul3A_86 = arith.constant 128 : i32
      %mul3A_87 = arith.muli %scan3A_84, %mul3A_86 : i32
      %add3A_88 = arith.addi %mul3A_17, %mul3A_87 : i32
      "tpu.region"() ({
        %run_scoped3A = tpu.sem_alloc : memref<!tpu.dma_semaphore, #tpu.memory_space<semaphore_mem>>
        %dma_start3A_174 = tpu.memref_slice %arg3[%add3A_88] : memref<800000xi32, #tpu.memory_space<hbm>> -> memref<128xi32, #tpu.memory_space<hbm>>
        %dma_start3A_175 = tpu.memref_slice %arg3[%add3A_88] : memref<800000xi32, #tpu.memory_space<hbm>> -> memref<128xi32, #tpu.memory_space<hbm>>
        tpu.enqueue_dma source(%dma_start3A_175 : memref<128xi32, #tpu.memory_space<hbm>>) target(%arg6 : memref<128xi32, #tpu.memory_space<vmem>>) target_semaphore(%run_scoped3A : memref<!tpu.dma_semaphore, #tpu.memory_space<semaphore_mem>>)
        %dma_wait3A_176 = tpu.memref_slice %arg3[%add3A_88] : memref<800000xi32, #tpu.memory_space<hbm>> -> memref<128xi32, #tpu.memory_space<hbm>>
        %dma_wait3A_177 = tpu.memref_slice %arg3[%add3A_88] : memref<800000xi32, #tpu.memory_space<hbm>> -> memref<128xi32, #tpu.memory_space<hbm>>
        tpu.wait_dma2 semaphore(%run_scoped3A : memref<!tpu.dma_semaphore, #tpu.memory_space<semaphore_mem>>) src(%dma_wait3A_177 : memref<128xi32, #tpu.memory_space<hbm>>) dst(%arg6 : memref<128xi32, #tpu.memory_space<vmem>>)
        tpu.yield
      }) : () -> ()
      "tpu.region"() ({
        %run_scoped3A = tpu.sem_alloc : memref<!tpu.dma_semaphore, #tpu.memory_space<semaphore_mem>>
        %dma_start3A_174 = tpu.memref_slice %arg4[%add3A_88] : memref<800000xi32, #tpu.memory_space<hbm>> -> memref<128xi32, #tpu.memory_space<hbm>>
        %dma_start3A_175 = tpu.memref_slice %arg4[%add3A_88] : memref<800000xi32, #tpu.memory_space<hbm>> -> memref<128xi32, #tpu.memory_space<hbm>>
        tpu.enqueue_dma source(%dma_start3A_175 : memref<128xi32, #tpu.memory_space<hbm>>) target(%arg7 : memref<128xi32, #tpu.memory_space<vmem>>) target_semaphore(%run_scoped3A : memref<!tpu.dma_semaphore, #tpu.memory_space<semaphore_mem>>)
        %dma_wait3A_176 = tpu.memref_slice %arg4[%add3A_88] : memref<800000xi32, #tpu.memory_space<hbm>> -> memref<128xi32, #tpu.memory_space<hbm>>
        %dma_wait3A_177 = tpu.memref_slice %arg4[%add3A_88] : memref<800000xi32, #tpu.memory_space<hbm>> -> memref<128xi32, #tpu.memory_space<hbm>>
        tpu.wait_dma2 semaphore(%run_scoped3A : memref<!tpu.dma_semaphore, #tpu.memory_space<semaphore_mem>>) src(%dma_wait3A_177 : memref<128xi32, #tpu.memory_space<hbm>>) dst(%arg7 : memref<128xi32, #tpu.memory_space<vmem>>)
        tpu.yield
      }) : () -> ()
      %get3A_89 = arith.constant 0 : index
      %get3A_90 = tpu.vector_load %arg6[%get3A_89] {strides = array<i32>} : memref<128xi32, #tpu.memory_space<vmem>>, vector<16xi32>,
      %get3A_91 = vector.shape_cast %get3A_90 : vector<16xi32> to vector<16xi32>
      %add3A_92 = vector.broadcast %mul3A_15 : i32 to vector<16xi32>
      %add3A_93 = arith.addi %get3A_91, %add3A_92 : vector<16xi32>
      %swap3A_94 = arith.constant 0 : index
      %swap3A_95 = tpu.vector_load %arg6[%swap3A_94] {strides = array<i32>} : memref<128xi32, #tpu.memory_space<vmem>>, vector<16xi32>,
      %swap3A_96 = vector.shape_cast %swap3A_95 : vector<16xi32> to vector<16xi32>
      %swap3A_97 = vector.shape_cast %add3A_93 : vector<16xi32> to vector<16xi32>
      tpu.vector_store %arg6[%swap3A_94], %swap3A_97 {strides = array<i32>} : memref<128xi32, #tpu.memory_space<vmem>>, vector<16xi32>,
      %get3A_98 = arith.constant 16 : index
      %get3A_99 = tpu.vector_load %arg6[%get3A_98] {strides = array<i32>} : memref<128xi32, #tpu.memory_space<vmem>>, vector<16xi32>,
      %get3A_100 = vector.shape_cast %get3A_99 : vector<16xi32> to vector<16xi32>
      %add3A_101 = vector.broadcast %mul3A_15 : i32 to vector<16xi32>
      %add3A_102 = arith.addi %get3A_100, %add3A_101 : vector<16xi32>
      %swap3A_103 = arith.constant 16 : index
      %swap3A_104 = tpu.vector_load %arg6[%swap3A_103] {strides = array<i32>} : memref<128xi32, #tpu.memory_space<vmem>>, vector<16xi32>,
      %swap3A_105 = vector.shape_cast %swap3A_104 : vector<16xi32> to vector<16xi32>
      %swap3A_106 = vector.shape_cast %add3A_102 : vector<16xi32> to vector<16xi32>
      tpu.vector_store %arg6[%swap3A_103], %swap3A_106 {strides = array<i32>} : memref<128xi32, #tpu.memory_space<vmem>>, vector<16xi32>,
      %get3A_107 = arith.constant 32 : index
      %get3A_108 = tpu.vector_load %arg6[%get3A_107] {strides = array<i32>} : memref<128xi32, #tpu.memory_space<vmem>>, vector<16xi32>,
      %get3A_109 = vector.shape_cast %get3A_108 : vector<16xi32> to vector<16xi32>
      %add3A_110 = vector.broadcast %mul3A_15 : i32 to vector<16xi32>
      %add3A_111 = arith.addi %get3A_109, %add3A_110 : vector<16xi32>
      %swap3A_112 = arith.constant 32 : index
      %swap3A_113 = tpu.vector_load %arg6[%swap3A_112] {strides = array<i32>} : memref<128xi32, #tpu.memory_space<vmem>>, vector<16xi32>,
      %swap3A_114 = vector.shape_cast %swap3A_113 : vector<16xi32> to vector<16xi32>
      %swap3A_115 = vector.shape_cast %add3A_111 : vector<16xi32> to vector<16xi32>
      tpu.vector_store %arg6[%swap3A_112], %swap3A_115 {strides = array<i32>} : memref<128xi32, #tpu.memory_space<vmem>>, vector<16xi32>,
      %get3A_116 = arith.constant 48 : index
      %get3A_117 = tpu.vector_load %arg6[%get3A_116] {strides = array<i32>} : memref<128xi32, #tpu.memory_space<vmem>>, vector<16xi32>,
      %get3A_118 = vector.shape_cast %get3A_117 : vector<16xi32> to vector<16xi32>
      %add3A_119 = vector.broadcast %mul3A_15 : i32 to vector<16xi32>
      %add3A_120 = arith.addi %get3A_118, %add3A_119 : vector<16xi32>
      %swap3A_121 = arith.constant 48 : index
      %swap3A_122 = tpu.vector_load %arg6[%swap3A_121] {strides = array<i32>} : memref<128xi32, #tpu.memory_space<vmem>>, vector<16xi32>,
      %swap3A_123 = vector.shape_cast %swap3A_122 : vector<16xi32> to vector<16xi32>
      %swap3A_124 = vector.shape_cast %add3A_120 : vector<16xi32> to vector<16xi32>
      tpu.vector_store %arg6[%swap3A_121], %swap3A_124 {strides = array<i32>} : memref<128xi32, #tpu.memory_space<vmem>>, vector<16xi32>,
      %get3A_125 = arith.constant 64 : index
      %get3A_126 = tpu.vector_load %arg6[%get3A_125] {strides = array<i32>} : memref<128xi32, #tpu.memory_space<vmem>>, vector<16xi32>,
      %get3A_127 = vector.shape_cast %get3A_126 : vector<16xi32> to vector<16xi32>
      %add3A_128 = vector.broadcast %mul3A_15 : i32 to vector<16xi32>
      %add3A_129 = arith.addi %get3A_127, %add3A_128 : vector<16xi32>
      %swap3A_130 = arith.constant 64 : index
      %swap3A_131 = tpu.vector_load %arg6[%swap3A_130] {strides = array<i32>} : memref<128xi32, #tpu.memory_space<vmem>>, vector<16xi32>,
      %swap3A_132 = vector.shape_cast %swap3A_131 : vector<16xi32> to vector<16xi32>
      %swap3A_133 = vector.shape_cast %add3A_129 : vector<16xi32> to vector<16xi32>
      tpu.vector_store %arg6[%swap3A_130], %swap3A_133 {strides = array<i32>} : memref<128xi32, #tpu.memory_space<vmem>>, vector<16xi32>,
      %get3A_134 = arith.constant 80 : index
      %get3A_135 = tpu.vector_load %arg6[%get3A_134] {strides = array<i32>} : memref<128xi32, #tpu.memory_space<vmem>>, vector<16xi32>,
      %get3A_136 = vector.shape_cast %get3A_135 : vector<16xi32> to vector<16xi32>
      %add3A_137 = vector.broadcast %mul3A_15 : i32 to vector<16xi32>
      %add3A_138 = arith.addi %get3A_136, %add3A_137 : vector<16xi32>
      %swap3A_139 = arith.constant 80 : index
      %swap3A_140 = tpu.vector_load %arg6[%swap3A_139] {strides = array<i32>} : memref<128xi32, #tpu.memory_space<vmem>>, vector<16xi32>,
      %swap3A_141 = vector.shape_cast %swap3A_140 : vector<16xi32> to vector<16xi32>
      %swap3A_142 = vector.shape_cast %add3A_138 : vector<16xi32> to vector<16xi32>
      tpu.vector_store %arg6[%swap3A_139], %swap3A_142 {strides = array<i32>} : memref<128xi32, #tpu.memory_space<vmem>>, vector<16xi32>,
      %get3A_143 = arith.constant 96 : index
      %get3A_144 = tpu.vector_load %arg6[%get3A_143] {strides = array<i32>} : memref<128xi32, #tpu.memory_space<vmem>>, vector<16xi32>,
      %get3A_145 = vector.shape_cast %get3A_144 : vector<16xi32> to vector<16xi32>
      %add3A_146 = vector.broadcast %mul3A_15 : i32 to vector<16xi32>
      %add3A_147 = arith.addi %get3A_145, %add3A_146 : vector<16xi32>
      %swap3A_148 = arith.constant 96 : index
      %swap3A_149 = tpu.vector_load %arg6[%swap3A_148] {strides = array<i32>} : memref<128xi32, #tpu.memory_space<vmem>>, vector<16xi32>,
      %swap3A_150 = vector.shape_cast %swap3A_149 : vector<16xi32> to vector<16xi32>
      %swap3A_151 = vector.shape_cast %add3A_147 : vector<16xi32> to vector<16xi32>
      tpu.vector_store %arg6[%swap3A_148], %swap3A_151 {strides = array<i32>} : memref<128xi32, #tpu.memory_space<vmem>>, vector<16xi32>,
      %get3A_152 = arith.constant 112 : index
      %get3A_153 = tpu.vector_load %arg6[%get3A_152] {strides = array<i32>} : memref<128xi32, #tpu.memory_space<vmem>>, vector<16xi32>,
      %get3A_154 = vector.shape_cast %get3A_153 : vector<16xi32> to vector<16xi32>
      %add3A_155 = vector.broadcast %mul3A_15 : i32 to vector<16xi32>
      %add3A_156 = arith.addi %get3A_154, %add3A_155 : vector<16xi32>
      %swap3A_157 = arith.constant 112 : index
      %swap3A_158 = tpu.vector_load %arg6[%swap3A_157] {strides = array<i32>} : memref<128xi32, #tpu.memory_space<vmem>>, vector<16xi32>,
      %swap3A_159 = vector.shape_cast %swap3A_158 : vector<16xi32> to vector<16xi32>
      %swap3A_160 = vector.shape_cast %add3A_156 : vector<16xi32> to vector<16xi32>
      tpu.vector_store %arg6[%swap3A_157], %swap3A_160 {strides = array<i32>} : memref<128xi32, #tpu.memory_space<vmem>>, vector<16xi32>,
      %dma_start3A_161 = arith.constant 0 : i32
      %dma_start3A_162 = arith.constant 0 : i32
      %dma_start3A_163 = tpu.memref_slice %arg10[%dma_start3A_161, %dma_start3A_162] : memref<128x32xf32, #tpu.memory_space<vmem>> -> memref<128x32xf32, #tpu.memory_space<vmem>>
      %dma_start3A_164 = arith.constant 0 : i32
      %dma_start3A_165 = arith.constant 0 : i32
      %dma_start3A_166 = tpu.memref_slice %arg2[%dma_start3A_164, %dma_start3A_165] : memref<100352x32xf32, #tpu.memory_space<hbm>> -> memref<100352x32xf32, #tpu.memory_space<hbm>>
      tpu.enqueue_indirect_dma source(%dma_start3A_166 : memref<100352x32xf32, #tpu.memory_space<hbm>>) target(%dma_start3A_163 : memref<128x32xf32, #tpu.memory_space<vmem>>) offsets(%arg6 : memref<128xi32, #tpu.memory_space<vmem>>) semaphore(%arg13 : memref<!tpu.dma_semaphore, #tpu.memory_space<semaphore_mem>>)
      %dma_wait3A_167 = arith.constant 0 : i32
      %dma_wait3A_168 = arith.constant 0 : i32
      %dma_wait3A_169 = tpu.memref_slice %arg10[%dma_wait3A_167, %dma_wait3A_168] : memref<128x32xf32, #tpu.memory_space<vmem>> -> memref<128x32xf32, #tpu.memory_space<vmem>>
      %dma_wait3A_170 = arith.constant 0 : i32
      %dma_wait3A_171 = arith.constant 0 : i32
      %dma_wait3A_172 = tpu.memref_slice %arg2[%dma_wait3A_170, %dma_wait3A_171] : memref<100352x32xf32, #tpu.memory_space<hbm>> -> memref<100352x32xf32, #tpu.memory_space<hbm>>
      tpu.wait_indirect_dma semaphore(%arg13 : memref<!tpu.dma_semaphore, #tpu.memory_space<semaphore_mem>>) src(%dma_wait3A_172 : memref<100352x32xf32, #tpu.memory_space<hbm>>) dst(%dma_wait3A_169 : memref<128x32xf32, #tpu.memory_space<vmem>>)
      "tpu.region"() ({
        %run_scoped3A = tpu.sem_alloc : memref<!tpu.dma_semaphore, #tpu.memory_space<semaphore_mem>>
        %dma_start3A_174 = arith.constant 0 : i32
        %dma_start3A_175 = arith.constant 0 : i32
        %dma_start3A_176 = tpu.memref_slice %arg10[%dma_start3A_174, %dma_start3A_175] : memref<128x32xf32, #tpu.memory_space<vmem>> -> memref<128x32xf32, #tpu.memory_space<vmem>>
        %dma_start3A_177 = arith.constant 0 : i32
        %dma_start3A_178 = arith.constant 0 : i32
        %dma_start3A_179 = tpu.memref_slice %arg12[%dma_start3A_177, %dma_start3A_178] : memref<50176x32xf32, #tpu.memory_space<vmem_shared>> -> memref<50176x32xf32, #tpu.memory_space<vmem_shared>>
        tpu.enqueue_indirect_dma source(%dma_start3A_176 : memref<128x32xf32, #tpu.memory_space<vmem>>) target(%dma_start3A_179 : memref<50176x32xf32, #tpu.memory_space<vmem_shared>>) offsets(%arg7 : memref<128xi32, #tpu.memory_space<vmem>>) semaphore(%run_scoped3A : memref<!tpu.dma_semaphore, #tpu.memory_space<semaphore_mem>>) {add = true}
        %dma_wait3A_180 = arith.constant 0 : i32
        %dma_wait3A_181 = arith.constant 0 : i32
        %dma_wait3A_182 = tpu.memref_slice %arg10[%dma_wait3A_180, %dma_wait3A_181] : memref<128x32xf32, #tpu.memory_space<vmem>> -> memref<128x32xf32, #tpu.memory_space<vmem>>
        %dma_wait3A_183 = arith.constant 0 : i32
        %dma_wait3A_184 = arith.constant 0 : i32
        %dma_wait3A_185 = tpu.memref_slice %arg12[%dma_wait3A_183, %dma_wait3A_184] : memref<50176x32xf32, #tpu.memory_space<vmem_shared>> -> memref<50176x32xf32, #tpu.memory_space<vmem_shared>>
        tpu.wait_indirect_dma semaphore(%run_scoped3A : memref<!tpu.dma_semaphore, #tpu.memory_space<semaphore_mem>>) src(%dma_wait3A_182 : memref<128x32xf32, #tpu.memory_space<vmem>>) dst(%dma_wait3A_185 : memref<50176x32xf32, #tpu.memory_space<vmem_shared>>)
        tpu.yield
      }) : () -> ()
      %scan3A_173 = arith.constant 0 : i32
      scf.yield %scan3A_173 : i32
    }
    %scan3A_24 = arith.constant 390 : i32
    %add3A_25 = arith.constant 49920 : i32
    %add3A_26 = arith.addi %mul3A_17, %add3A_25 : i32
    "tpu.region"() ({
      %run_scoped3A = tpu.sem_alloc : memref<!tpu.dma_semaphore, #tpu.memory_space<semaphore_mem>>
      %dma_start3A_84 = tpu.memref_slice %arg3[%add3A_26] : memref<800000xi32, #tpu.memory_space<hbm>> -> memref<80xi32, #tpu.memory_space<hbm>>
      %dma_start3A_85 = tpu.memref_slice %arg3[%add3A_26] : memref<800000xi32, #tpu.memory_space<hbm>> -> memref<80xi32, #tpu.memory_space<hbm>>
      tpu.enqueue_dma source(%dma_start3A_85 : memref<80xi32, #tpu.memory_space<hbm>>) target(%arg8 : memref<80xi32, #tpu.memory_space<vmem>>) target_semaphore(%run_scoped3A : memref<!tpu.dma_semaphore, #tpu.memory_space<semaphore_mem>>)
      %dma_wait3A_86 = tpu.memref_slice %arg3[%add3A_26] : memref<800000xi32, #tpu.memory_space<hbm>> -> memref<80xi32, #tpu.memory_space<hbm>>
      %dma_wait3A_87 = tpu.memref_slice %arg3[%add3A_26] : memref<800000xi32, #tpu.memory_space<hbm>> -> memref<80xi32, #tpu.memory_space<hbm>>
      tpu.wait_dma2 semaphore(%run_scoped3A : memref<!tpu.dma_semaphore, #tpu.memory_space<semaphore_mem>>) src(%dma_wait3A_87 : memref<80xi32, #tpu.memory_space<hbm>>) dst(%arg8 : memref<80xi32, #tpu.memory_space<vmem>>)
      tpu.yield
    }) : () -> ()
    "tpu.region"() ({
      %run_scoped3A = tpu.sem_alloc : memref<!tpu.dma_semaphore, #tpu.memory_space<semaphore_mem>>
      %dma_start3A_84 = tpu.memref_slice %arg4[%add3A_26] : memref<800000xi32, #tpu.memory_space<hbm>> -> memref<80xi32, #tpu.memory_space<hbm>>
      %dma_start3A_85 = tpu.memref_slice %arg4[%add3A_26] : memref<800000xi32, #tpu.memory_space<hbm>> -> memref<80xi32, #tpu.memory_space<hbm>>
      tpu.enqueue_dma source(%dma_start3A_85 : memref<80xi32, #tpu.memory_space<hbm>>) target(%arg9 : memref<80xi32, #tpu.memory_space<vmem>>) target_semaphore(%run_scoped3A : memref<!tpu.dma_semaphore, #tpu.memory_space<semaphore_mem>>)
      %dma_wait3A_86 = tpu.memref_slice %arg4[%add3A_26] : memref<800000xi32, #tpu.memory_space<hbm>> -> memref<80xi32, #tpu.memory_space<hbm>>
      %dma_wait3A_87 = tpu.memref_slice %arg4[%add3A_26] : memref<800000xi32, #tpu.memory_space<hbm>> -> memref<80xi32, #tpu.memory_space<hbm>>
      tpu.wait_dma2 semaphore(%run_scoped3A : memref<!tpu.dma_semaphore, #tpu.memory_space<semaphore_mem>>) src(%dma_wait3A_87 : memref<80xi32, #tpu.memory_space<hbm>>) dst(%arg9 : memref<80xi32, #tpu.memory_space<vmem>>)
      tpu.yield
    }) : () -> ()
    %get3A = arith.constant 0 : index
    %get3A_27 = tpu.vector_load %arg8[%get3A] {strides = array<i32>} : memref<80xi32, #tpu.memory_space<vmem>>, vector<16xi32>,
    %get3A_28 = vector.shape_cast %get3A_27 : vector<16xi32> to vector<16xi32>
    %add3A_29 = vector.broadcast %mul3A_15 : i32 to vector<16xi32>
    %add3A_30 = arith.addi %get3A_28, %add3A_29 : vector<16xi32>
    %swap3A = arith.constant 0 : index
    %swap3A_31 = tpu.vector_load %arg8[%swap3A] {strides = array<i32>} : memref<80xi32, #tpu.memory_space<vmem>>, vector<16xi32>,
    %swap3A_32 = vector.shape_cast %swap3A_31 : vector<16xi32> to vector<16xi32>
    %swap3A_33 = vector.shape_cast %add3A_30 : vector<16xi32> to vector<16xi32>
    tpu.vector_store %arg8[%swap3A], %swap3A_33 {strides = array<i32>} : memref<80xi32, #tpu.memory_space<vmem>>, vector<16xi32>,
    %get3A_34 = arith.constant 16 : index
    %get3A_35 = tpu.vector_load %arg8[%get3A_34] {strides = array<i32>} : memref<80xi32, #tpu.memory_space<vmem>>, vector<16xi32>,
    %get3A_36 = vector.shape_cast %get3A_35 : vector<16xi32> to vector<16xi32>
    %add3A_37 = vector.broadcast %mul3A_15 : i32 to vector<16xi32>
    %add3A_38 = arith.addi %get3A_36, %add3A_37 : vector<16xi32>
    %swap3A_39 = arith.constant 16 : index
    %swap3A_40 = tpu.vector_load %arg8[%swap3A_39] {strides = array<i32>} : memref<80xi32, #tpu.memory_space<vmem>>, vector<16xi32>,
    %swap3A_41 = vector.shape_cast %swap3A_40 : vector<16xi32> to vector<16xi32>
    %swap3A_42 = vector.shape_cast %add3A_38 : vector<16xi32> to vector<16xi32>
    tpu.vector_store %arg8[%swap3A_39], %swap3A_42 {strides = array<i32>} : memref<80xi32, #tpu.memory_space<vmem>>, vector<16xi32>,
    %get3A_43 = arith.constant 32 : index
    %get3A_44 = tpu.vector_load %arg8[%get3A_43] {strides = array<i32>} : memref<80xi32, #tpu.memory_space<vmem>>, vector<16xi32>,
    %get3A_45 = vector.shape_cast %get3A_44 : vector<16xi32> to vector<16xi32>
    %add3A_46 = vector.broadcast %mul3A_15 : i32 to vector<16xi32>
    %add3A_47 = arith.addi %get3A_45, %add3A_46 : vector<16xi32>
    %swap3A_48 = arith.constant 32 : index
    %swap3A_49 = tpu.vector_load %arg8[%swap3A_48] {strides = array<i32>} : memref<80xi32, #tpu.memory_space<vmem>>, vector<16xi32>,
    %swap3A_50 = vector.shape_cast %swap3A_49 : vector<16xi32> to vector<16xi32>
    %swap3A_51 = vector.shape_cast %add3A_47 : vector<16xi32> to vector<16xi32>
    tpu.vector_store %arg8[%swap3A_48], %swap3A_51 {strides = array<i32>} : memref<80xi32, #tpu.memory_space<vmem>>, vector<16xi32>,
    %get3A_52 = arith.constant 48 : index
    %get3A_53 = tpu.vector_load %arg8[%get3A_52] {strides = array<i32>} : memref<80xi32, #tpu.memory_space<vmem>>, vector<16xi32>,
    %get3A_54 = vector.shape_cast %get3A_53 : vector<16xi32> to vector<16xi32>
    %add3A_55 = vector.broadcast %mul3A_15 : i32 to vector<16xi32>
    %add3A_56 = arith.addi %get3A_54, %add3A_55 : vector<16xi32>
    %swap3A_57 = arith.constant 48 : index
    %swap3A_58 = tpu.vector_load %arg8[%swap3A_57] {strides = array<i32>} : memref<80xi32, #tpu.memory_space<vmem>>, vector<16xi32>,
    %swap3A_59 = vector.shape_cast %swap3A_58 : vector<16xi32> to vector<16xi32>
    %swap3A_60 = vector.shape_cast %add3A_56 : vector<16xi32> to vector<16xi32>
    tpu.vector_store %arg8[%swap3A_57], %swap3A_60 {strides = array<i32>} : memref<80xi32, #tpu.memory_space<vmem>>, vector<16xi32>,
    %get3A_61 = arith.constant 64 : index
    %get3A_62 = tpu.vector_load %arg8[%get3A_61] {strides = array<i32>} : memref<80xi32, #tpu.memory_space<vmem>>, vector<16xi32>,
    %get3A_63 = vector.shape_cast %get3A_62 : vector<16xi32> to vector<16xi32>
    %add3A_64 = vector.broadcast %mul3A_15 : i32 to vector<16xi32>
    %add3A_65 = arith.addi %get3A_63, %add3A_64 : vector<16xi32>
    %swap3A_66 = arith.constant 64 : index
    %swap3A_67 = tpu.vector_load %arg8[%swap3A_66] {strides = array<i32>} : memref<80xi32, #tpu.memory_space<vmem>>, vector<16xi32>,
    %swap3A_68 = vector.shape_cast %swap3A_67 : vector<16xi32> to vector<16xi32>
    %swap3A_69 = vector.shape_cast %add3A_65 : vector<16xi32> to vector<16xi32>
    tpu.vector_store %arg8[%swap3A_66], %swap3A_69 {strides = array<i32>} : memref<80xi32, #tpu.memory_space<vmem>>, vector<16xi32>,
    %dma_start3A = arith.constant 0 : i32
    %dma_start3A_70 = arith.constant 0 : i32
    %dma_start3A_71 = tpu.memref_slice %arg10[%dma_start3A, %dma_start3A_70] : memref<128x32xf32, #tpu.memory_space<vmem>> -> memref<80x32xf32, #tpu.memory_space<vmem>>
    %dma_start3A_72 = arith.constant 0 : i32
    %dma_start3A_73 = arith.constant 0 : i32
    %dma_start3A_74 = tpu.memref_slice %arg2[%dma_start3A_72, %dma_start3A_73] : memref<100352x32xf32, #tpu.memory_space<hbm>> -> memref<100352x32xf32, #tpu.memory_space<hbm>>
    tpu.enqueue_indirect_dma source(%dma_start3A_74 : memref<100352x32xf32, #tpu.memory_space<hbm>>) target(%dma_start3A_71 : memref<80x32xf32, #tpu.memory_space<vmem>>) offsets(%arg8 : memref<80xi32, #tpu.memory_space<vmem>>) semaphore(%arg13 : memref<!tpu.dma_semaphore, #tpu.memory_space<semaphore_mem>>)
    %dma_wait3A = arith.constant 0 : i32
    %dma_wait3A_75 = arith.constant 0 : i32
    %dma_wait3A_76 = tpu.memref_slice %arg10[%dma_wait3A, %dma_wait3A_75] : memref<128x32xf32, #tpu.memory_space<vmem>> -> memref<80x32xf32, #tpu.memory_space<vmem>>
    %dma_wait3A_77 = arith.constant 0 : i32
    %dma_wait3A_78 = arith.constant 0 : i32
    %dma_wait3A_79 = tpu.memref_slice %arg2[%dma_wait3A_77, %dma_wait3A_78] : memref<100352x32xf32, #tpu.memory_space<hbm>> -> memref<100352x32xf32, #tpu.memory_space<hbm>>
    tpu.wait_indirect_dma semaphore(%arg13 : memref<!tpu.dma_semaphore, #tpu.memory_space<semaphore_mem>>) src(%dma_wait3A_79 : memref<100352x32xf32, #tpu.memory_space<hbm>>) dst(%dma_wait3A_76 : memref<80x32xf32, #tpu.memory_space<vmem>>)
    "tpu.region"() ({
      %run_scoped3A = tpu.sem_alloc : memref<!tpu.dma_semaphore, #tpu.memory_space<semaphore_mem>>
      %dma_start3A_84 = arith.constant 0 : i32
      %dma_start3A_85 = arith.constant 0 : i32
      %dma_start3A_86 = tpu.memref_slice %arg10[%dma_start3A_84, %dma_start3A_85] : memref<128x32xf32, #tpu.memory_space<vmem>> -> memref<80x32xf32, #tpu.memory_space<vmem>>
      %dma_start3A_87 = arith.constant 0 : i32
      %dma_start3A_88 = arith.constant 0 : i32
      %dma_start3A_89 = tpu.memref_slice %arg12[%dma_start3A_87, %dma_start3A_88] : memref<50176x32xf32, #tpu.memory_space<vmem_shared>> -> memref<50176x32xf32, #tpu.memory_space<vmem_shared>>
      tpu.enqueue_indirect_dma source(%dma_start3A_86 : memref<80x32xf32, #tpu.memory_space<vmem>>) target(%dma_start3A_89 : memref<50176x32xf32, #tpu.memory_space<vmem_shared>>) offsets(%arg9 : memref<80xi32, #tpu.memory_space<vmem>>) semaphore(%run_scoped3A : memref<!tpu.dma_semaphore, #tpu.memory_space<semaphore_mem>>) {add = true}
      %dma_wait3A_90 = arith.constant 0 : i32
      %dma_wait3A_91 = arith.constant 0 : i32
      %dma_wait3A_92 = tpu.memref_slice %arg10[%dma_wait3A_90, %dma_wait3A_91] : memref<128x32xf32, #tpu.memory_space<vmem>> -> memref<80x32xf32, #tpu.memory_space<vmem>>
      %dma_wait3A_93 = arith.constant 0 : i32
      %dma_wait3A_94 = arith.constant 0 : i32
      %dma_wait3A_95 = tpu.memref_slice %arg12[%dma_wait3A_93, %dma_wait3A_94] : memref<50176x32xf32, #tpu.memory_space<vmem_shared>> -> memref<50176x32xf32, #tpu.memory_space<vmem_shared>>
      tpu.wait_indirect_dma semaphore(%run_scoped3A : memref<!tpu.dma_semaphore, #tpu.memory_space<semaphore_mem>>) src(%dma_wait3A_92 : memref<80x32xf32, #tpu.memory_space<vmem>>) dst(%dma_wait3A_95 : memref<50176x32xf32, #tpu.memory_space<vmem_shared>>)
      tpu.yield
    }) : () -> ()
    %barrier3A_80 = arith.constant 0 : index
    tpu.barrier barrier_id(%barrier3A_80)
    %mul3A_81 = arith.constant 50176 : i32
    %mul3A_82 = arith.muli %arg0, %mul3A_81 : i32
    %add3A_83 = arith.addi %mul3A_82, %mul3A_6 : i32
    "tpu.region"() ({
      %run_scoped3A = tpu.sem_alloc : memref<!tpu.dma_semaphore, #tpu.memory_space<semaphore_mem>>
      %dma_start3A_84 = arith.constant 0 : i32
      %dma_start3A_85 = tpu.memref_slice %arg5[%add3A_83, %dma_start3A_84] : memref<100352x32xf32, #tpu.memory_space<hbm>> -> memref<3136x32xf32, #tpu.memory_space<hbm>>
      %dma_start3A_86 = arith.constant 0 : i32
      %dma_start3A_87 = tpu.memref_slice %arg12[%mul3A_6, %dma_start3A_86] : memref<50176x32xf32, #tpu.memory_space<vmem_shared>> -> memref<3136x32xf32, #tpu.memory_space<vmem_shared>>
      tpu.enqueue_dma source(%dma_start3A_87 : memref<3136x32xf32, #tpu.memory_space<vmem_shared>>) target(%dma_start3A_85 : memref<3136x32xf32, #tpu.memory_space<hbm>>) target_semaphore(%run_scoped3A : memref<!tpu.dma_semaphore, #tpu.memory_space<semaphore_mem>>)
      %dma_wait3A_88 = arith.constant 0 : i32
      %dma_wait3A_89 = tpu.memref_slice %arg5[%add3A_83, %dma_wait3A_88] : memref<100352x32xf32, #tpu.memory_space<hbm>> -> memref<3136x32xf32, #tpu.memory_space<hbm>>
      %dma_wait3A_90 = arith.constant 0 : i32
      %dma_wait3A_91 = tpu.memref_slice %arg12[%mul3A_6, %dma_wait3A_90] : memref<50176x32xf32, #tpu.memory_space<vmem_shared>> -> memref<3136x32xf32, #tpu.memory_space<vmem_shared>>
      tpu.wait_dma2 semaphore(%run_scoped3A : memref<!tpu.dma_semaphore, #tpu.memory_space<semaphore_mem>>) src(%dma_wait3A_91 : memref<3136x32xf32, #tpu.memory_space<vmem_shared>>) dst(%dma_wait3A_89 : memref<3136x32xf32, #tpu.memory_space<hbm>>)
      tpu.yield
    }) : () -> ()
    return
  }
}

</mosaic_0001>

<sc_bundles>
// kernel: kernel.10.cloned.1.call-start
scs
__scs_entry_jumppad:
0x0: {  	(pc) =	sbr.rel $0x88, $3  }
0x1: {  	(tag) =	ssettag $0x0;
	lr =	simm.s32 $0x1  }
0x2: {  	[smem:$0x3F9C] =	sst lr;
	_ =	strace $0xD0000000  }
0x3: {  	_ = 	snop  }
0x4: {  	_ = 	snop  }
0x5: {  	_ = 	snop  }
0x6: {  	_ = 	snop  }
0x7: {  	_ = 	snop  }
__scs_overlays_trampoline_lowered:
0x8: {  	[smem:$0x3FAB] =	sst s0  }
0x9: {  	[smem:$0x3FAC] =	sst s1  }
0xa: {  	[smem:$0x3FAD] =	sst s2  }
0xb: {  	[smem:$0x3FAE] =	sst s3  }
0xc: {  	[smem:$0x3FAF] =	sst s4  }
0xd: {  	[smem:$0x3FB0] =	sst s5  }
0xe: {  	[smem:$0x3FB1] =	sst s6  }
0xf: {  	[smem:$0x3FB2] =	sst s7  }
0x10: {  	[smem:$0x3FB3] =	sst s8  }
0x11: {  	[smem:$0x3FB4] =	sst s9;
	s0 =	simm.s32 @!p0 $0x0  }
0x12: {  	s1 =	sld [smem:$0x3F9A];
	s0 =	simm.s32 @p0 $0x1  }
0x13: {  	[smem:$0x3FB5] =	sst s0;
	s0 =	simm.s32 @!p1 $0x0  }
0x14: {  	s2 =	sld [smem:$0x3F99];
	s0 =	simm.s32 @p1 $0x1  }
0x15: {  	[smem:$0x3FB6] =	sst s0;
	s0 =	simm.s32 @!p2 $0x0  }
0x16: {  	s3 =	sld [smem:$0x3FDB];
	s0 =	simm.s32 @p2 $0x1  }
0x17: {  	s4 =	simm.s32 $0x1BF5;
	[smem:$0x3FB8] =	sst s0  }
0x18: {  	s0 =	sld [smem:$0x3F9B];
	_ =	swait.ge [sflag:s4], $0x0  }
0x19: {  	s7 =	sld [smem:$0x3F9C]  }
0x1a: {  	s8 =	sadd.s32 $0xFFFFE003, lr  }
0x1b: {  	s9 =	sadd.s32 $0xFFFFFEF7, lr;
	s5 =	simm.s32 $0xFFFFFFFF;
	p2 =	slt.u32 s8, $0xFFFFF086  }
0x1c: {  	p1 =	slt.u32 s9, $0xF7A;
	s5 =	simm.s32 @!p2 $0x0  }
0x1d: {  	s5 =	simm.s32 @p1 $0x1;
	p0 =	seq.s32 s7, s2  }
0x1e: {  	s7 =	smul.u32 @!p0 $0xF7A, s2;
	p2 =	seq.s32 @!p0 s5, $0x0  }
0x1f: {  	s9 =	smul.u32 $0xF7A, s1;
	s8 =	simm.s32 @!p0 $0x1BF5;
	p2 =	por !p2, p0  }
0x20: {  	[sflag:s8] =	ssyncset.s32 @!p0 $0xFFFFF086;
	s6 =	sadd.s32 @!p0 s3, s7;
	s7 =	simm.s32 @!p0 $0x108  }
0x21: {  	s3 =	sadd.s32 s3, s9;
	s6 =	sadd.s32 @!p0 $0x88, s6;
	s7 =	simm.s32 @p2 $0x1082  }
0x22: {  	[simem:s7], [sflag:s8] =	dma.local @!p0 [hbm:s6], $0xF7A  }
0x23: {  	s9 =	sor.u32 $0xD0000000, s2;
	s6 =	simm.s32 $0x108;
	_ =	swait.ge @!p0 [sflag:s8], $0x0  }
0x24: {  	s3 =	sadd.s32 $0x88, s3;
	s6 =	simm.s32 @!p1 $0x1082;
	[sflag:s4] =	ssyncset.s32 $0xFFFFF086  }
0x25: {  	[simem:s6], [sflag:s4] =	dma.local [hbm:s3], $0xF7A  }
0x26: {  	[smem:$0x3F9C] =	sst s1;
	(tag) =	ssettag s2;
	_ =	strace s9  }
0x27: {  	s1 =	sld [smem:$0x3FAC]  }
0x28: {  	s2 =	sld [smem:$0x3FAD]  }
0x29: {  	s4 =	sld [smem:$0x3FAF]  }
0x2a: {  	p0 =	seq.s32 s5, $0x0;
	s5 =	sld [smem:$0x3FB0]  }
0x2b: {  	s6 =	sld [smem:$0x3FB1]  }
0x2c: {  	s7 =	sld [smem:$0x3FB2]  }
0x2d: {  	s3 =	simm.s32 $0x108;
	s8 =	sld [smem:$0x3FB3]  }
0x2e: {  	s3 =	simm.s32 @!p0 $0x1082;
	s9 =	sld [smem:$0x3FB4]  }
0x2f: {  	lr =	sadd.s32 s0, s3;
	s0 =	sld [smem:$0x3FAB]  }
0x30: {  	s3 =	sld [smem:$0x3FAE]  }
0x31: {  	[smem:$0x3FB7] =	sst s10  }
0x32: {  	s10 =	sld [smem:$0x3FB5];
	_ =	sdelay $0x3  }
0x33: {  	p0 =	seq.s32 s10, $0x1;
	s10 =	sld [smem:$0x3FB7];
	_ =	sdelay $0x3  }
0x34: {  	[smem:$0x3FB7] =	sst s10  }
0x35: {  	s10 =	sld [smem:$0x3FB6];
	_ =	sdelay $0x3  }
0x36: {  	p1 =	seq.s32 s10, $0x1;
	s10 =	sld [smem:$0x3FB7];
	_ =	sdelay $0x3  }
0x37: {  	[smem:$0x3FB7] =	sst s10  }
0x38: {  	s10 =	sld [smem:$0x3FB8]  }
0x39: {  	_ = 	snop;
	(pc) =	sbr.ind lr, $3  }
0x3a: {  	_ = 	snop  }
0x3b: {  	_ = 	snop  }
0x3c: {  	p2 =	seq.s32 s10, $0x1;
	s10 =	sld [smem:$0x3FB7]  }
0x3d: {  	_ =	shalt  }
0x3e: {  	_ =	shalt  }
0x3f: {  	_ =	shalt  }
0x40: {  	_ =	shalt  }
0x41: {  	_ =	shalt  }
0x42: {  	_ =	shalt  }
0x43: {  	_ =	shalt  }
0x44: {  	_ =	shalt  }
0x45: {  	_ =	shalt  }
0x46: {  	_ =	shalt  }
0x47: {  	_ =	shalt  }
0x48: {  	_ =	shalt  }
0x49: {  	_ =	shalt  }
0x4a: {  	_ =	shalt  }
0x4b: {  	_ =	shalt  }
0x4c: {  	_ =	shalt  }
0x4d: {  	_ =	shalt  }
0x4e: {  	_ =	shalt  }
0x4f: {  	_ =	shalt  }
0x50: {  	_ =	shalt  }
0x51: {  	_ =	shalt  }
0x52: {  	_ =	shalt  }
0x53: {  	_ =	shalt  }
0x54: {  	_ =	shalt  }
0x55: {  	_ =	shalt  }
0x56: {  	_ =	shalt  }
0x57: {  	_ =	shalt  }
0x58: {  	_ =	shalt  }
0x59: {  	_ =	shalt  }
0x5a: {  	_ =	shalt  }
0x5b: {  	_ =	shalt  }
0x5c: {  	_ =	shalt  }
0x5d: {  	_ =	shalt  }
0x5e: {  	_ =	shalt  }
0x5f: {  	_ =	shalt  }
0x60: {  	_ =	shalt  }
0x61: {  	_ =	shalt  }
0x62: {  	_ =	shalt  }
0x63: {  	_ =	shalt  }
0x64: {  	_ =	shalt  }
0x65: {  	_ =	shalt  }
0x66: {  	_ =	shalt  }
0x67: {  	_ =	shalt  }
0x68: {  	_ =	shalt  }
0x69: {  	_ =	shalt  }
0x6a: {  	_ =	shalt  }
0x6b: {  	_ =	shalt  }
0x6c: {  	_ =	shalt  }
0x6d: {  	_ =	shalt  }
0x6e: {  	_ =	shalt  }
0x6f: {  	_ =	shalt  }
0x70: {  	_ =	shalt  }
0x71: {  	_ =	shalt  }
0x72: {  	_ =	shalt  }
0x73: {  	_ =	shalt  }
0x74: {  	_ =	shalt  }
0x75: {  	_ =	shalt  }
0x76: {  	_ =	shalt  }
0x77: {  	_ =	shalt  }
0x78: {  	_ =	shalt  }
0x79: {  	_ =	shalt  }
0x7a: {  	_ =	shalt  }
0x7b: {  	_ =	shalt  }
0x7c: {  	_ =	shalt  }
0x7d: {  	_ =	shalt  }
0x7e: {  	_ =	shalt  }
0x7f: {  	_ =	shalt  }
0x80: {  	_ =	shalt  }
0x81: {  	_ =	shalt  }
0x82: {  	_ =	shalt  }
0x83: {  	_ =	shalt  }
0x84: {  	_ =	shalt  }
0x85: {  	_ =	shalt  }
0x86: {  	_ =	shalt  }
0x87: {  	_ =	shalt  }
.Lfunc_end0:
.L_simem_size_0:
called_computation.1_lowered:
.L_overlay_start_0:
0x88: {  	s2 =	sld [smem:$0x3FD9]  }
0x89: {  	s3 =	sld [smem:$0x3FFE];
	_ =	sdelay $0x1  }
0x8a: {  	s1 =	srdreg.scid  }
0x8b: {  	s0 =	sand.u32 $0x1, s1  }
0x8c: {  	s17 =	sshll.u32 s0, $0xA;
	s2 =	sadd.s32 s3, s2  }
0x8d: {  	s2 =	sadd.s32 s2, s17  }
0x8e: {  	[smem:$0x3FC3] =	sst s2  }
0x8f: {  	_ = 	snop  }
0x90: {  	s2 =	sld [smem:$0x3FD0];
	(tm) =	ssettm $0x1  }
0x91: {  	s18 =	sld [smem:$0x3FFB];
	_ =	sdelay $0x3  }
0x92: {  	_ =	strace s18  }
0x93: {  	s3 =	sld [smem:$0x3FFC];
	_ =	sdelay $0x3  }
0x94: {  	_ =	strace s3  }
0x95: {  	s3 =	sld [smem:$0x3FFD];
	_ =	sdelay $0x3  }
0x96: {  	_ =	strace s3  }
0x97: {  	_ =	strace $0x8FFFFFFF  }
0x98: {  	s19 =	sld [smem:$0x3FDB];
	_ =	sdelay $0x1  }
0x99: {  	s4 =	simm.s32 $_scs_section_size  }
0x9a: {  	s5 =	simm.s32 $_size__tile_overlayer_lowered;
	s6 =	simm.s32 $_tile_overlayer_lowered  }
0x9b: {  	s22 =	simm.s32 $0x1BFF;
	s21 =	sshll.u32 s6, $0x1;
	s3 =	sadd.s32 s4, s19  }
0x9c: {  	s7 =	simm.s32 $0x0;
	s20 =	sshll.u32 s5, $0x1;
	s5 =	sadd.s32 s21, s3  }
0x9d: {  	[timem:s7], [sflag:s22] =	dma.local [hbm:s5], s20  }
0x9e: {  	_ =	swait.ge [sflag:s22], s20  }
0x9f: {  	s4 =	ssub.s32 $0x0, s20;
	[sflag:s22] =	ssyncset.done $0x0  }
0xa0: {  	[sflag:s22] =	ssyncadd.s32 s4;
	_ =	sdelay $0x1  }
0xa1: {  	s23 =	simm.s32 $0x1B8B  }
0xa2: {  	_ =	swait.ge [sflag:s23], $0x1  }
0xa3: {  	[sflag:s23] =	ssyncset.done $0x0  }
0xa4: {  	s25 =	simm.s32 $0x1B8E;
	s24 =	sld [smem:$0x3FFE];
	[sflag:s23] =	ssyncadd.s32 $0xFFFFFFFF  }
0xa5: {  	s26 =	simm.s32 $execute0_lowered;
	[smem:$0x3FD2] =	sst s25  }
0xa6: {  	s5 =	sshll.u32 s26, $0x1;
	_ =	strace $0x80000046;
	[dreg:$0x1] =	wrdreg $0xFFFFFFFF  }
0xa7: {  	s28 =	simm.s32 $_size_execute0_lowered;
	s3 =	sadd.s32 s3, s5;
	[dreg:$0x0] =	wrdreg $0x0  }
0xa8: {  	s5 =	sshll.u32 s28, $0x1;
	[dreg:$0x2] =	wrdreg s3  }
0xa9: {  	[dreg:$0x3] =	wrdreg s5  }
0xaa: {  	[dreg:$0x4] =	wrdreg $0xC0  }
0xab: {  	_ =	task [dreg:s7], $0x5FFFF  }
0xac: {  	[dreg:$0x1] =	wrdreg $0xFFFFFFFF  }
0xad: {  	[dreg:$0x0] =	wrdreg $0x60  }
0xae: {  	[dreg:$0x2] =	wrdreg s24  }
0xaf: {  	[dreg:$0x3] =	wrdreg s2  }
0xb0: {  	[dreg:$0x4] =	wrdreg $0x73A00  }
0xb1: {  	[dreg:$0x5] =	wrdreg $0xA  }
0xb2: {  	_ =	task.clear_ibuf [dreg:s7], $0x6FFFF;
	_ =	strace $0x90000046  }
0xb3: {  	s29 =	simm.s32 $0xA;
	_ =	strace $0x80000048  }
0xb4: {  	_ =	swait.ge [sflag:s29], $0x1  }
0xb5: {  	[sflag:s29] =	ssyncadd.s32 $0xFFFFFFFF  }
0xb6: {  	_ =	strace $0x90000048  }
0xb7: {  	_ =	sfence  }
0xb8: {  	s30 =	sld [smem:$0x0];
	_ =	sdelay $0x2  }
0xb9: {  	s31 =	sshll.u32 s1, $0xD;
	s1 =	sshrl.u32 s1, $0x2  }
0xba: {  	s3 =	sand.u32 $0x4000, s31;
	s1 =	sadd.s32 s1, s30  }
0xbb: {  	s0 =	sor.u32 s3, s0;
	s1 =	sshll.u32 s1, $0x11  }
0xbc: {  	s0 =	sor.u32 s1, s0  }
0xbd: {  	s0 =	sadd.s32 $0x8F2B, s0  }
0xbe: {  	[sflag:s0] =	ssyncadd.remote.s32 $0x1  }
0xbf: {  	_ =	sfence.sel $0xFFFF  }
0xc0: {  	[dreg:$0x0] =	wrdreg $0xFFFFFFFF;
	(pc) =	sbr.abs _section_cstart, $3  }
0xc1: {  	[dreg:$0x1] =	wrdreg $0xFFFFFFFF  }
0xc2: {  	_ =	task.clear_ibuf [dreg:s7], $0x2FFFF;
	_ =	strace $0x9FFFFFFF  }
0xc3: {  	(tm) =	ssettm $0x7FFFFFFF  }
tec
execute0_lowered:
.L_overlay_start_1:
0x0: {  	(tag) =	ssettag $0x1  }
0x1: {  	s5 =	rddreg [dreg:$0x0]  }
0x2: {  	s13 =	rddreg [dreg:$0x1]  }
0x3: {  	s2 =	rddreg [dreg:$0x2]  }
0x4: {  	s0 =	rddreg [dreg:$0x3]  }
0x5: {  	s4 =	srdreg.scid;
	s1 =	stileid.u32  }
0x6: {  	s3 =	simm.s32 $0x0;
	s16 =	simm.s32 $0x2;
	s17 =	simm.s32 $0x80  }
0x7: {  	s18 =	simm.s32 $0x1A0;
	s19 =	simm.s32 $0x1;
	s7 =	smul.u32 $0xC40, s1  }
0x8: {  	s20 =	simm.s32 $0x100;
	s22 =	simm.s32 $0x50;
	s8 =	smul.u32 $0x62000, s1  }
0x9: {  	s23 =	simm.s32 $0x0;
	s6 =	sand.u32 $0x1, s4;
	s10 =	smul.u32 $0xC350, s1  }
0xa: {  	[smem:$0x7FF] =	sst s3;
	s4 =	sadd.s32 $0x1AC00, s5;
	s15 =	smul.u32 $0x186A, s1  }
0xb: {  	s14 =	sadd.s32 $0x2400, s5;
	s21 =	smul.u32 $0xC400, s6;
	s6 =	ssub.s32 $0x2, s6  }
0xc: {  	_ =	strace $0x80000047;
	s9 =	sshrl.u32 s6, $0x1;
	s8 =	sshrl.u32 s8, $0x2  }
0xd: {  	s31 =	sshrl.u32 s10, $0x3;
	s7 =	sadd.s32 s7, s21;
	s12 =	ssub.s32 s6, s9  }
0xe: {  	s10 =	sadd.s32 $0x1860, s31;
	v0 =	vmov s21;
	s21 =	simm.s32 $0x150;
	s7 =	sshll.u32 s7, $0x2  }
0xf: {  	s9 =	sadd.s32 s14, s10;
	s10 =	sadd.s32 s13, s10;
	s12 =	smax.u32 s12, $0x1  }
0x10: {  	s13 =	sadd.s32 s15, s13;
	s11 =	sadd.s32 s7, s5;
	s5 =	sadd.s32 s8, s2  }
0x11: {  	s14 =	sadd.s32 s15, s14;
	s15 =	simm.s32 $0x11A0;
	s6 =	sadd.s32 $0x6200, s5  }
0x12: {  	v1 =	vimm.f32 $0.0e+00;
	s7 =	sadd.s32 $0xC400, s5;
	s8 =	sadd.s32 $0x12600, s5;
	s11 =	sadd.s32 $0x7CC00, s11  }
.LBB2_1:
0x13: {  	s24 =	simm.s32 $0x80;
	s25 =	simm.s32 $0x0  }
.LBB2_2:
0x14: {  	p0 =	sne.s32 s24, $0x18780;
	[tilespmem:s25+$0x11A0] =	vst v1;
	s26 =	smov.u32 s24;
	s24 =	sadd.s32 $0x80, s24  }
.Ltmp0:
0x15: {  	[tilespmem:s25+$0x11B0] =	vst v1;
	(pc) =	sbr.rel @p0 .LBB2_2-.Ltmp0, $2  }
0x16: {  	_ =	sdelay $0x2  }
0x17: {  	s25 =	sshra.s32 s26, $0x2  }
0x18: {  	[tilespmem:s25+$0x11A0] =	vst v1  }
0x19: {  	[tilespmem:s25+$0x11B0] =	vst v1  }
0x1a: {  	[spmem:s5] =	stream.linear.scatter [tilespmem:s15], [sflag:$0x2], $0x6200, $0x38;
	[tilespmem:$0x1FBA0] =	vst v63  }
0x1b: {  	_ =	swait.ge [sflag:s16], $0x6200  }
0x1c: {  	[sflag:s16] =	ssyncset.done $0x0  }
0x1d: {  	[sflag:s16] =	ssyncadd.s32 $0xFFFF9E00  }
0x1e: {  	[spmem:s6] =	stream.linear.scatter [tilespmem:s15], [sflag:$0x2], $0x6200, $0x38;
	[tilespmem:$0x1FBA0] =	vst v63  }
0x1f: {  	_ =	swait.ge [sflag:s16], $0x6200  }
0x20: {  	[sflag:s16] =	ssyncset.done $0x0  }
0x21: {  	[sflag:s16] =	ssyncadd.s32 $0xFFFF9E00  }
0x22: {  	[spmem:s7] =	stream.linear.scatter [tilespmem:s15], [sflag:$0x2], $0x6200, $0x38;
	[tilespmem:$0x1FBA0] =	vst v63  }
0x23: {  	_ =	swait.ge [sflag:s16], $0x6200  }
0x24: {  	[sflag:s16] =	ssyncset.done $0x0  }
0x25: {  	[sflag:s16] =	ssyncadd.s32 $0xFFFF9E00  }
0x26: {  	[spmem:s8] =	stream.linear.scatter [tilespmem:s15], [sflag:$0x2], $0x6200, $0x38;
	[tilespmem:$0x1FBA0] =	vst v63  }
0x27: {  	_ =	swait.ge [sflag:s16], $0x6200  }
0x28: {  	[sflag:s16] =	ssyncset.done $0x0  }
0x29: {  	[sflag:s16] =	ssyncadd.s32 $0xFFFF9E00  }
0x2a: {  	s24 =	sadd.s32 $0x0, s14;
	[bflag:$0x0] =	sbarrier.arrive $0xFFFF  }
0x2b: {  	[tilespmem:s3], [sflag:$0x2] =	stream.linear.gather [hbm4b:s24+s3], $0x80, $0x38;
	[tilespmem:$0x1FBA0] =	vst v63  }
0x2c: {  	_ =	swait.ge [sflag:s16], $0x80  }
0x2d: {  	[sflag:s16] =	ssyncset.done $0x0  }
0x2e: {  	s31 =	sadd.s32 $0x0, s13;
	[sflag:s16] =	ssyncadd.s32 $0xFFFFFF80  }
0x2f: {  	[tilespmem:s17], [sflag:$0x2] =	stream.linear.gather [hbm4b:s31+s3], $0x80, $0x38;
	[tilespmem:$0x1FBA0] =	vst v63  }
0x30: {  	_ =	swait.ge [sflag:s16], $0x80  }
0x31: {  	[sflag:s16] =	ssyncset.done $0x0  }
0x32: {  	[sflag:s16] =	ssyncadd.s32 $0xFFFFFF80  }
0x33: {  	v2 =	vld [tilespmem:$0x70]  }
0x34: {  	v3 =	vld [tilespmem:$0x30]  }
0x35: {  	v6 =	vld [tilespmem:$0x20]  }
0x36: {  	v4 =	vld [tilespmem:$0x50]  }
0x37: {  	v5 =	vld [tilespmem:$0x60]  }
0x38: {  	v7 =	vld [tilespmem:$0x10];
	v2 =	vadd.s32 v0, v2  }
0x39: {  	v8 =	vld [tilespmem:$0x40];
	v3 =	vadd.s32 v0, v3;
	[tilespmem:$0x70] =	vst v2  }
0x3a: {  	v63 =	vadd.s32 v0, v6;
	v2 =	vld [tilespmem:$0x0];
	[tilespmem:$0x30] =	vst v3  }
0x3b: {  	v3 =	vadd.s32 v0, v4;
	[tilespmem:$0x20] =	vst v63  }
0x3c: {  	[tilespmem:$0x50] =	vst v3;
	v3 =	vadd.s32 v0, v5  }
0x3d: {  	[tilespmem:$0x60] =	vst v3;
	v3 =	vadd.s32 v0, v7  }
0x3e: {  	[tilespmem:$0x10] =	vst v3;
	v3 =	vadd.s32 v0, v8  }
0x3f: {  	[tilespmem:$0x40] =	vst v3;
	v2 =	vadd.s32 v0, v2  }
0x40: {  	s24 =	simm.s32 $0x10;
	[tilespmem:$0x0] =	vst v2  }
.LBB2_4:
0x41: {  	[tilespmem:s18], [sflag:$0x1] =	stream.indirect.gather [hbm4b:s4+s17], $0x20, s3, s17, $0xb8;
	[tilespmem:$0x1FBA0] =	vst v63  }
0x42: {  	s25 =	smov.u32 s24  }
0x43: {  	p0 =	sne.s32 s24, $0x1850;
	s24 =	sadd.s32 $0x10, s24;
	_ =	swait.ge [sflag:s19], $0x1000  }
0x44: {  	[sflag:s19] =	ssyncset.done $0x0  }
0x45: {  	[sflag:s19] =	ssyncadd.s32 $0xFFFFF000  }
0x46: {  	[spmem:s2] =	stream.indirect.scatter.add.f32 [tilespmem:s18], [sflag:$0x2], $0x20, s17, s17, $0xb8;
	[tilespmem:$0x1FBA0] =	vst v63  }
0x47: {  	_ =	swait.ge [sflag:s16], $0x1000  }
0x48: {  	[sflag:s16] =	ssyncset.done $0x0  }
0x49: {  	s26 =	sadd.s32 s25, s14;
	[sflag:s16] =	ssyncadd.s32 $0xFFFFF000  }
0x4a: {  	[tilespmem:s3], [sflag:$0x2] =	stream.linear.gather [hbm4b:s26+s3], $0x80, $0x38;
	[tilespmem:$0x1FBA0] =	vst v63  }
0x4b: {  	_ =	swait.ge [sflag:s16], $0x80  }
0x4c: {  	[sflag:s16] =	ssyncset.done $0x0  }
0x4d: {  	s25 =	sadd.s32 s25, s13;
	[sflag:s16] =	ssyncadd.s32 $0xFFFFFF80  }
0x4e: {  	[tilespmem:s17], [sflag:$0x2] =	stream.linear.gather [hbm4b:s25+s3], $0x80, $0x38;
	[tilespmem:$0x1FBA0] =	vst v63  }
0x4f: {  	_ =	swait.ge [sflag:s16], $0x80  }
0x50: {  	[sflag:s16] =	ssyncset.done $0x0  }
0x51: {  	[sflag:s16] =	ssyncadd.s32 $0xFFFFFF80  }
0x52: {  	v2 =	vld [tilespmem:$0x70]  }
0x53: {  	v3 =	vld [tilespmem:$0x30]  }
0x54: {  	v4 =	vld [tilespmem:$0x50]  }
0x55: {  	v5 =	vld [tilespmem:$0x60]  }
0x56: {  	v6 =	vld [tilespmem:$0x20]  }
0x57: {  	v7 =	vld [tilespmem:$0x10];
	v2 =	vadd.s32 v0, v2  }
0x58: {  	v3 =	vadd.s32 v0, v3;
	v8 =	vld [tilespmem:$0x40];
	[tilespmem:$0x70] =	vst v2  }
0x59: {  	v2 =	vld [tilespmem:$0x0];
	[tilespmem:$0x30] =	vst v3;
	v3 =	vadd.s32 v0, v4  }
0x5a: {  	[tilespmem:$0x50] =	vst v3;
	v3 =	vadd.s32 v0, v5  }
.Ltmp1:
0x5b: {  	v4 =	vadd.s32 v0, v6;
	[tilespmem:$0x60] =	vst v3;
	(pc) =	sbr.rel @p0 .LBB2_4-.Ltmp1, $4  }
0x5c: {  	v3 =	vadd.s32 v0, v7;
	[tilespmem:$0x20] =	vst v4  }
0x5d: {  	[tilespmem:$0x10] =	vst v3;
	v3 =	vadd.s32 v0, v8  }
0x5e: {  	v2 =	vadd.s32 v0, v2;
	[tilespmem:$0x40] =	vst v3  }
0x5f: {  	[tilespmem:$0x0] =	vst v2  }
0x60: {  	[tilespmem:s18], [sflag:$0x1] =	stream.indirect.gather [hbm4b:s4+s17], $0x20, s3, s17, $0xb8;
	[tilespmem:$0x1FBA0] =	vst v63  }
0x61: {  	_ =	swait.ge [sflag:s19], $0x1000  }
0x62: {  	[sflag:s19] =	ssyncset.done $0x0  }
0x63: {  	[sflag:s19] =	ssyncadd.s32 $0xFFFFF000  }
0x64: {  	[spmem:s2] =	stream.indirect.scatter.add.f32 [tilespmem:s18], [sflag:$0x2], $0x20, s17, s17, $0xb8;
	[tilespmem:$0x1FBA0] =	vst v63  }
0x65: {  	_ =	swait.ge [sflag:s16], $0x1000  }
0x66: {  	[sflag:s16] =	ssyncset.done $0x0  }
0x67: {  	[sflag:s16] =	ssyncadd.s32 $0xFFFFF000  }
0x68: {  	[tilespmem:s20], [sflag:$0x2] =	stream.linear.gather [hbm4b:s9+s3], $0x50, $0x38;
	[tilespmem:$0x1FBA0] =	vst v63  }
0x69: {  	_ =	swait.ge [sflag:s16], $0x50  }
0x6a: {  	[sflag:s16] =	ssyncset.done $0x0  }
0x6b: {  	[sflag:s16] =	ssyncadd.s32 $0xFFFFFFB0  }
0x6c: {  	[tilespmem:s21], [sflag:$0x2] =	stream.linear.gather [hbm4b:s10+s3], $0x50, $0x38;
	[tilespmem:$0x1FBA0] =	vst v63  }
0x6d: {  	_ =	swait.ge [sflag:s16], $0x50  }
0x6e: {  	[sflag:s16] =	ssyncset.done $0x0  }
0x6f: {  	[sflag:s16] =	ssyncadd.s32 $0xFFFFFFB0  }
0x70: {  	v2 =	vld [tilespmem:$0x100]  }
0x71: {  	v3 =	vld [tilespmem:$0x110]  }
0x72: {  	v4 =	vld [tilespmem:$0x120]  }
0x73: {  	v5 =	vld [tilespmem:$0x130]  }
0x74: {  	v6 =	vld [tilespmem:$0x140]  }
0x75: {  	v2 =	vadd.s32 v0, v2  }
0x76: {  	[tilespmem:$0x100] =	vst v2;
	v2 =	vadd.s32 v0, v3  }
0x77: {  	[tilespmem:$0x110] =	vst v2;
	v2 =	vadd.s32 v0, v4  }
0x78: {  	[tilespmem:$0x120] =	vst v2;
	v2 =	vadd.s32 v0, v5  }
0x79: {  	[tilespmem:$0x130] =	vst v2;
	v2 =	vadd.s32 v0, v6  }
0x7a: {  	[tilespmem:$0x140] =	vst v2  }
0x7b: {  	[tilespmem:s18], [sflag:$0x1] =	stream.indirect.gather [hbm4b:s4+s22], $0x20, s20, s22, $0xb8;
	[tilespmem:$0x1FBA0] =	vst v63  }
0x7c: {  	_ =	swait.ge [sflag:s19], $0xA00  }
0x7d: {  	[sflag:s19] =	ssyncset.done $0x0  }
0x7e: {  	[sflag:s19] =	ssyncadd.s32 $0xFFFFF600  }
0x7f: {  	[spmem:s2] =	stream.indirect.scatter.add.f32 [tilespmem:s18], [sflag:$0x2], $0x20, s21, s22, $0xb8;
	[tilespmem:$0x1FBA0] =	vst v63  }
0x80: {  	_ =	swait.ge [sflag:s16], $0xA00  }
0x81: {  	s24 =	sshll.u32 s1, $0x6;
	s23 =	sadd.s32 $0x1, s23;
	[sflag:s16] =	ssyncset.done $0x0  }
0x82: {  	s25 =	sshrl.u32 s5, $0x3;
	p0 =	sne.s32 s23, s12;
	[sflag:s16] =	ssyncadd.s32 $0xFFFFF600  }
.Ltmp2:
0x83: {  	s24 =	sor.u32 $0x1C02, s24;
	[bflag:$0x0] =	sbarrier.arrive $0xFFFF;
	(pc) =	sbr.rel @p0 .LBB2_1-.Ltmp2, $4  }
0x84: {  	[hbm:s11], [sflag:s24] =	dma.local [spmem:s25], $0x3100  }
0x85: {  	_ =	swait.ge [sflag:s16], $0x3100  }
0x86: {  	[sflag:s16] =	ssyncset.done $0x0  }
0x87: {  	[sflag:s16] =	ssyncadd.s32 $0xFFFFCF00  }
0x88: {  	_ =	sfence.sel $0x180000  }
0x89: {  	[bflag:$0x0] =	sbarrier.arrive $0xFFFF  }
0x8a: {  	p0 =	sne.s32 s1, $0x0;
	_ =	strace $0x90000047  }
0x8b: {  	s0 =	sadd.s32 @!p0 $0x100000, s0;
	[bflag:$0x2] =	sbarrier.arrive $0xFFFF  }
0x8c: {  	[sflag:s0] =	ssyncadd.tile.s32 @!p0 $0x1;
	_ =	shalt  }
.Lfunc_end2:
_tile_overlayer_lowered:
.L_overlay_start_2:
0x8d: {  	(tag) =	ssettag $0x2  }
0x8e: {  	s0 =	rddreg [dreg:$0x0];
	s2 =	stileid.u32  }
0x8f: {  	s1 =	rddreg [dreg:$0x1];
	p0 =	sne.s32 s2, $0x0  }
0x90: {  	s3 =	rddreg [dreg:$0x2];
	[bflag:$0x3] =	sbarrier.arrive $0xFFFF;
	s2 =	simm.s32 @!p0 $0x1C02  }
0x91: {  	[timem:s3], [sflag:s2] =	dma.local @!p0 [hbm:s0], s1  }
0x92: {  	s0 =	simm.s32 @!p0 $0x2  }
0x93: {  	_ =	swait.ge @!p0 [sflag:s0], s1  }
0x94: {  	s1 =	ssub.s32 @!p0 $0x0, s1;
	[sflag:s0] =	ssyncset.done @!p0 $0x0  }
0x95: {  	[sflag:s0] =	ssyncadd.s32 @!p0 s1  }
0x96: {  	[bflag:$0x3] =	sbarrier.arrive $0xFFFF  }
0x97: {  	_ =	shalt  }

// kernel: kernel.13.cloned.1.call-start
scs
__scs_entry_jumppad:
0x0: {  	(pc) =	sbr.rel $0x88, $3  }
0x1: {  	(tag) =	ssettag $0x0;
	lr =	simm.s32 $0x1  }
0x2: {  	[smem:$0x3F9C] =	sst lr;
	_ =	strace $0xD0000000  }
0x3: {  	_ = 	snop  }
0x4: {  	_ = 	snop  }
0x5: {  	_ = 	snop  }
0x6: {  	_ = 	snop  }
0x7: {  	_ = 	snop  }
__scs_overlays_trampoline_lowered:
0x8: {  	[smem:$0x3FAB] =	sst s0  }
0x9: {  	[smem:$0x3FAC] =	sst s1  }
0xa: {  	[smem:$0x3FAD] =	sst s2  }
0xb: {  	[smem:$0x3FAE] =	sst s3  }
0xc: {  	[smem:$0x3FAF] =	sst s4  }
0xd: {  	[smem:$0x3FB0] =	sst s5  }
0xe: {  	[smem:$0x3FB1] =	sst s6  }
0xf: {  	[smem:$0x3FB2] =	sst s7  }
0x10: {  	[smem:$0x3FB3] =	sst s8  }
0x11: {  	[smem:$0x3FB4] =	sst s9;
	s0 =	simm.s32 @!p0 $0x0  }
0x12: {  	s1 =	sld [smem:$0x3F9A];
	s0 =	simm.s32 @p0 $0x1  }
0x13: {  	[smem:$0x3FB5] =	sst s0;
	s0 =	simm.s32 @!p1 $0x0  }
0x14: {  	s2 =	sld [smem:$0x3F99];
	s0 =	simm.s32 @p1 $0x1  }
0x15: {  	[smem:$0x3FB6] =	sst s0;
	s0 =	simm.s32 @!p2 $0x0  }
0x16: {  	s3 =	sld [smem:$0x3FDB];
	s0 =	simm.s32 @p2 $0x1  }
0x17: {  	s4 =	simm.s32 $0x1BF5;
	[smem:$0x3FB8] =	sst s0  }
0x18: {  	s0 =	sld [smem:$0x3F9B];
	_ =	swait.ge [sflag:s4], $0x0  }
0x19: {  	s7 =	sld [smem:$0x3F9C]  }
0x1a: {  	s8 =	sadd.s32 $0xFFFFE003, lr  }
0x1b: {  	s9 =	sadd.s32 $0xFFFFFEF7, lr;
	s5 =	simm.s32 $0xFFFFFFFF;
	p2 =	slt.u32 s8, $0xFFFFF086  }
0x1c: {  	p1 =	slt.u32 s9, $0xF7A;
	s5 =	simm.s32 @!p2 $0x0  }
0x1d: {  	s5 =	simm.s32 @p1 $0x1;
	p0 =	seq.s32 s7, s2  }
0x1e: {  	s7 =	smul.u32 @!p0 $0xF7A, s2;
	p2 =	seq.s32 @!p0 s5, $0x0  }
0x1f: {  	s9 =	smul.u32 $0xF7A, s1;
	s8 =	simm.s32 @!p0 $0x1BF5;
	p2 =	por !p2, p0  }
0x20: {  	[sflag:s8] =	ssyncset.s32 @!p0 $0xFFFFF086;
	s6 =	sadd.s32 @!p0 s3, s7;
	s7 =	simm.s32 @!p0 $0x108  }
0x21: {  	s3 =	sadd.s32 s3, s9;
	s6 =	sadd.s32 @!p0 $0x88, s6;
	s7 =	simm.s32 @p2 $0x1082  }
0x22: {  	[simem:s7], [sflag:s8] =	dma.local @!p0 [hbm:s6], $0xF7A  }
0x23: {  	s9 =	sor.u32 $0xD0000000, s2;
	s6 =	simm.s32 $0x108;
	_ =	swait.ge @!p0 [sflag:s8], $0x0  }
0x24: {  	s3 =	sadd.s32 $0x88, s3;
	s6 =	simm.s32 @!p1 $0x1082;
	[sflag:s4] =	ssyncset.s32 $0xFFFFF086  }
0x25: {  	[simem:s6], [sflag:s4] =	dma.local [hbm:s3], $0xF7A  }
0x26: {  	[smem:$0x3F9C] =	sst s1;
	(tag) =	ssettag s2;
	_ =	strace s9  }
0x27: {  	s1 =	sld [smem:$0x3FAC]  }
0x28: {  	s2 =	sld [smem:$0x3FAD]  }
0x29: {  	s4 =	sld [smem:$0x3FAF]  }
0x2a: {  	p0 =	seq.s32 s5, $0x0;
	s5 =	sld [smem:$0x3FB0]  }
0x2b: {  	s6 =	sld [smem:$0x3FB1]  }
0x2c: {  	s7 =	sld [smem:$0x3FB2]  }
0x2d: {  	s3 =	simm.s32 $0x108;
	s8 =	sld [smem:$0x3FB3]  }
0x2e: {  	s3 =	simm.s32 @!p0 $0x1082;
	s9 =	sld [smem:$0x3FB4]  }
0x2f: {  	lr =	sadd.s32 s0, s3;
	s0 =	sld [smem:$0x3FAB]  }
0x30: {  	s3 =	sld [smem:$0x3FAE]  }
0x31: {  	[smem:$0x3FB7] =	sst s10  }
0x32: {  	s10 =	sld [smem:$0x3FB5];
	_ =	sdelay $0x3  }
0x33: {  	p0 =	seq.s32 s10, $0x1;
	s10 =	sld [smem:$0x3FB7];
	_ =	sdelay $0x3  }
0x34: {  	[smem:$0x3FB7] =	sst s10  }
0x35: {  	s10 =	sld [smem:$0x3FB6];
	_ =	sdelay $0x3  }
0x36: {  	p1 =	seq.s32 s10, $0x1;
	s10 =	sld [smem:$0x3FB7];
	_ =	sdelay $0x3  }
0x37: {  	[smem:$0x3FB7] =	sst s10  }
0x38: {  	s10 =	sld [smem:$0x3FB8]  }
0x39: {  	_ = 	snop;
	(pc) =	sbr.ind lr, $3  }
0x3a: {  	_ = 	snop  }
0x3b: {  	_ = 	snop  }
0x3c: {  	p2 =	seq.s32 s10, $0x1;
	s10 =	sld [smem:$0x3FB7]  }
0x3d: {  	_ =	shalt  }
0x3e: {  	_ =	shalt  }
0x3f: {  	_ =	shalt  }
0x40: {  	_ =	shalt  }
0x41: {  	_ =	shalt  }
0x42: {  	_ =	shalt  }
0x43: {  	_ =	shalt  }
0x44: {  	_ =	shalt  }
0x45: {  	_ =	shalt  }
0x46: {  	_ =	shalt  }
0x47: {  	_ =	shalt  }
0x48: {  	_ =	shalt  }
0x49: {  	_ =	shalt  }
0x4a: {  	_ =	shalt  }
0x4b: {  	_ =	shalt  }
0x4c: {  	_ =	shalt  }
0x4d: {  	_ =	shalt  }
0x4e: {  	_ =	shalt  }
0x4f: {  	_ =	shalt  }
0x50: {  	_ =	shalt  }
0x51: {  	_ =	shalt  }
0x52: {  	_ =	shalt  }
0x53: {  	_ =	shalt  }
0x54: {  	_ =	shalt  }
0x55: {  	_ =	shalt  }
0x56: {  	_ =	shalt  }
0x57: {  	_ =	shalt  }
0x58: {  	_ =	shalt  }
0x59: {  	_ =	shalt  }
0x5a: {  	_ =	shalt  }
0x5b: {  	_ =	shalt  }
0x5c: {  	_ =	shalt  }
0x5d: {  	_ =	shalt  }
0x5e: {  	_ =	shalt  }
0x5f: {  	_ =	shalt  }
0x60: {  	_ =	shalt  }
0x61: {  	_ =	shalt  }
0x62: {  	_ =	shalt  }
0x63: {  	_ =	shalt  }
0x64: {  	_ =	shalt  }
0x65: {  	_ =	shalt  }
0x66: {  	_ =	shalt  }
0x67: {  	_ =	shalt  }
0x68: {  	_ =	shalt  }
0x69: {  	_ =	shalt  }
0x6a: {  	_ =	shalt  }
0x6b: {  	_ =	shalt  }
0x6c: {  	_ =	shalt  }
0x6d: {  	_ =	shalt  }
0x6e: {  	_ =	shalt  }
0x6f: {  	_ =	shalt  }
0x70: {  	_ =	shalt  }
0x71: {  	_ =	shalt  }
0x72: {  	_ =	shalt  }
0x73: {  	_ =	shalt  }
0x74: {  	_ =	shalt  }
0x75: {  	_ =	shalt  }
0x76: {  	_ =	shalt  }
0x77: {  	_ =	shalt  }
0x78: {  	_ =	shalt  }
0x79: {  	_ =	shalt  }
0x7a: {  	_ =	shalt  }
0x7b: {  	_ =	shalt  }
0x7c: {  	_ =	shalt  }
0x7d: {  	_ =	shalt  }
0x7e: {  	_ =	shalt  }
0x7f: {  	_ =	shalt  }
0x80: {  	_ =	shalt  }
0x81: {  	_ =	shalt  }
0x82: {  	_ =	shalt  }
0x83: {  	_ =	shalt  }
0x84: {  	_ =	shalt  }
0x85: {  	_ =	shalt  }
0x86: {  	_ =	shalt  }
0x87: {  	_ =	shalt  }
.Lfunc_end0:
.L_simem_size_0:
called_computation.2_lowered:
.L_overlay_start_0:
0x88: {  	s2 =	sld [smem:$0x3FD9]  }
0x89: {  	s3 =	sld [smem:$0x3FFE];
	_ =	sdelay $0x1  }
0x8a: {  	s1 =	srdreg.scid  }
0x8b: {  	s0 =	sand.u32 $0x1, s1  }
0x8c: {  	s17 =	sshll.u32 s0, $0xA;
	s2 =	sadd.s32 s3, s2  }
0x8d: {  	s2 =	sadd.s32 s2, s17  }
0x8e: {  	[smem:$0x3FC3] =	sst s2  }
0x8f: {  	_ = 	snop  }
0x90: {  	s18 =	sld [smem:$0x3FD0];
	(tm) =	ssettm $0x1  }
0x91: {  	s19 =	sld [smem:$0x3FFB];
	_ =	sdelay $0x3  }
0x92: {  	_ =	strace s19  }
0x93: {  	s2 =	sld [smem:$0x3FFC];
	_ =	sdelay $0x3  }
0x94: {  	_ =	strace s2  }
0x95: {  	s2 =	sld [smem:$0x3FFD];
	_ =	sdelay $0x3  }
0x96: {  	_ =	strace s2  }
0x97: {  	_ =	strace $0x8FFFFFFF  }
0x98: {  	s20 =	sld [smem:$0x3FDB];
	_ =	sdelay $0x1  }
0x99: {  	s4 =	simm.s32 $_scs_section_size  }
0x9a: {  	s5 =	simm.s32 $_size__tile_overlayer_lowered;
	s6 =	simm.s32 $_tile_overlayer_lowered  }
0x9b: {  	s7 =	simm.s32 $0x1BFF;
	s21 =	sshll.u32 s6, $0x1;
	s4 =	sadd.s32 s4, s20  }
0x9c: {  	s22 =	simm.s32 $0x0;
	s5 =	sshll.u32 s5, $0x1;
	s6 =	sadd.s32 s21, s4  }
0x9d: {  	[timem:s22], [sflag:s7] =	dma.local [hbm:s6], s5  }
0x9e: {  	_ =	swait.ge [sflag:s7], s5  }
0x9f: {  	s5 =	ssub.s32 $0x0, s5;
	[sflag:s7] =	ssyncset.done $0x0  }
0xa0: {  	[sflag:s7] =	ssyncadd.s32 s5;
	_ =	sdelay $0x1  }
0xa1: {  	s23 =	simm.s32 $0x1B8B  }
0xa2: {  	_ =	swait.ge [sflag:s23], $0x1  }
0xa3: {  	[sflag:s23] =	ssyncset.done $0x0  }
0xa4: {  	[sflag:s23] =	ssyncadd.s32 $0xFFFFFFFF  }
0xa5: {  	s5 =	sld [smem:$0x0]  }
0xa6: {  	s6 =	sand.u32 $0xFFFFFFFE, s1  }
0xa7: {  	p0 =	sne.s32 s1, s6  }
0xa8: {  	s6 =	sshll.u32 @p0 s6, $0xE  }
0xa9: {  	s6 =	sadd.s32 @p0 $0x11B8D, s6;
	s7 =	sshll.u32 @p0 s5, $0x11  }
0xaa: {  	s6 =	sor.u32 @p0 s7, s6  }
0xab: {  	[sflag:s6] =	ssyncadd.remote.s32 @p0 $0x1;
	_ =	sdelay $0x1  }
0xac: {  	s6 =	simm.s32 @p0 $0x1B8D  }
0xad: {  	_ =	swait.eq @p0 [sflag:s6], $0x1  }
0xae: {  	[sflag:s6] =	ssyncadd.s32 @p0 $0xFFFFFFFF  }
0xaf: {  	s7 =	sshll.u32 @!p0 s1, $0xE  }
0xb0: {  	s7 =	sor.u32 @!p0 $0x4000, s7;
	s6 =	simm.s32 @!p0 $0x1B8D  }
0xb1: {  	s5 =	sshll.u32 @!p0 s5, $0x11;
	s7 =	sadd.s32 @!p0 $0x11B8D, s7;
	_ =	swait.eq @!p0 [sflag:s6], $0x1  }
0xb2: {  	s5 =	sor.u32 @!p0 s5, s7;
	[sflag:s6] =	ssyncadd.s32 @!p0 $0xFFFFFFFF  }
0xb3: {  	s25 =	simm.s32 $0x1B8E;
	s24 =	sld [smem:$0x3FFE];
	[sflag:s5] =	ssyncadd.remote.s32 @!p0 $0x1  }
0xb4: {  	s26 =	simm.s32 $execute0_lowered;
	[smem:$0x3FD2] =	sst s25  }
0xb5: {  	s6 =	sshll.u32 s26, $0x1;
	_ =	strace $0x8000004C;
	[dreg:$0x1] =	wrdreg $0xFFFFFFFF  }
0xb6: {  	s28 =	simm.s32 $_size_execute0_lowered;
	s4 =	sadd.s32 s4, s6;
	[dreg:$0x0] =	wrdreg $0x0  }
0xb7: {  	s6 =	sshll.u32 s28, $0x1;
	[dreg:$0x2] =	wrdreg s4  }
0xb8: {  	[dreg:$0x3] =	wrdreg s6  }
0xb9: {  	[dreg:$0x4] =	wrdreg $0xC0  }
0xba: {  	_ =	task [dreg:s22], $0x5FFFF  }
0xbb: {  	[dreg:$0x1] =	wrdreg $0xFFFFFFFF  }
0xbc: {  	[dreg:$0x0] =	wrdreg $0x60  }
0xbd: {  	[dreg:$0x2] =	wrdreg s24  }
0xbe: {  	[dreg:$0x3] =	wrdreg s18  }
0xbf: {  	[dreg:$0x4] =	wrdreg $0x73A00  }
0xc0: {  	[dreg:$0x5] =	wrdreg $0xA  }
0xc1: {  	_ =	task.clear_ibuf [dreg:s22], $0x6FFFF;
	_ =	strace $0x9000004C  }
0xc2: {  	s29 =	simm.s32 $0xA;
	_ =	strace $0x8000004E  }
0xc3: {  	_ =	swait.ge [sflag:s29], $0x1  }
0xc4: {  	[sflag:s29] =	ssyncadd.s32 $0xFFFFFFFF  }
0xc5: {  	_ =	strace $0x9000004E  }
0xc6: {  	_ =	sfence  }
0xc7: {  	s30 =	sld [smem:$0x0];
	_ =	sdelay $0x2  }
0xc8: {  	s31 =	sshll.u32 s1, $0xD;
	s1 =	sshrl.u32 s1, $0x2  }
0xc9: {  	s4 =	sand.u32 $0x4000, s31;
	s1 =	sadd.s32 s1, s30  }
0xca: {  	s0 =	sor.u32 s4, s0;
	s1 =	sshll.u32 s1, $0x11  }
0xcb: {  	s0 =	sor.u32 s1, s0  }
0xcc: {  	s0 =	sadd.s32 $0x8F2B, s0  }
0xcd: {  	[sflag:s0] =	ssyncadd.remote.s32 $0x1  }
0xce: {  	_ =	sfence.sel $0xFFFF  }
0xcf: {  	[dreg:$0x0] =	wrdreg $0xFFFFFFFF;
	(pc) =	sbr.abs _section_cstart, $3  }
0xd0: {  	[dreg:$0x1] =	wrdreg $0xFFFFFFFF  }
0xd1: {  	_ =	task.clear_ibuf [dreg:s22], $0x2FFFF;
	_ =	strace $0x9FFFFFFF  }
0xd2: {  	(tm) =	ssettm $0x7FFFFFFF  }
0xd3: {  	_ =	shalt  }
tec
execute0_lowered:
.L_overlay_start_1:
0x0: {  	(tag) =	ssettag $0x1  }
0x1: {  	s5 =	rddreg [dreg:$0x0]  }
0x2: {  	s14 =	rddreg [dreg:$0x1]  }
0x3: {  	s2 =	rddreg [dreg:$0x2]  }
0x4: {  	s0 =	rddreg [dreg:$0x3]  }
0x5: {  	s4 =	srdreg.scid;
	s1 =	stileid.u32  }
0x6: {  	s3 =	simm.s32 $0x0;
	s16 =	simm.s32 $0x2;
	s17 =	simm.s32 $0x80  }
0x7: {  	s18 =	simm.s32 $0x1A0;
	s19 =	simm.s32 $0x1;
	s7 =	smul.u32 $0xC40, s1  }
0x8: {  	s20 =	simm.s32 $0x100;
	s22 =	simm.s32 $0x50;
	s8 =	smul.u32 $0x62000, s1  }
0x9: {  	s23 =	simm.s32 $0x0;
	s6 =	sand.u32 $0x1, s4;
	s10 =	smul.u32 $0xC350, s1  }
0xa: {  	[smem:$0x7FF] =	sst s3;
	s4 =	sadd.s32 $0x7CC00, s5;
	s15 =	smul.u32 $0x186A, s1  }
0xb: {  	s13 =	sadd.s32 $0x2400, s5;
	s21 =	smul.u32 $0xC400, s6;
	s6 =	ssub.s32 $0x2, s6  }
0xc: {  	_ =	strace $0x8000004D;
	s9 =	sshrl.u32 s6, $0x1;
	s8 =	sshrl.u32 s8, $0x2  }
0xd: {  	s31 =	sshrl.u32 s10, $0x3;
	s7 =	sadd.s32 s7, s21;
	s12 =	ssub.s32 s6, s9  }
0xe: {  	s10 =	sadd.s32 $0x1860, s31;
	v0 =	vmov s21;
	s21 =	simm.s32 $0x150;
	s7 =	sshll.u32 s7, $0x2  }
0xf: {  	s9 =	sadd.s32 s14, s10;
	s10 =	sadd.s32 s13, s10;
	s12 =	smax.u32 s12, $0x1  }
0x10: {  	s13 =	sadd.s32 s15, s13;
	s11 =	sadd.s32 s7, s5;
	s5 =	sadd.s32 s8, s2  }
0x11: {  	s14 =	sadd.s32 s15, s14;
	s15 =	simm.s32 $0x11A0;
	s6 =	sadd.s32 $0x6200, s5  }
0x12: {  	v1 =	vimm.f32 $0.0e+00;
	s7 =	sadd.s32 $0xC400, s5;
	s8 =	sadd.s32 $0x12600, s5;
	s11 =	sadd.s32 $0x140C00, s11  }
.LBB2_1:
0x13: {  	s24 =	simm.s32 $0x80;
	s25 =	simm.s32 $0x0  }
.LBB2_2:
0x14: {  	p0 =	sne.s32 s24, $0x18780;
	[tilespmem:s25+$0x11A0] =	vst v1;
	s26 =	smov.u32 s24;
	s24 =	sadd.s32 $0x80, s24  }
.Ltmp0:
0x15: {  	[tilespmem:s25+$0x11B0] =	vst v1;
	(pc) =	sbr.rel @p0 .LBB2_2-.Ltmp0, $2  }
0x16: {  	_ =	sdelay $0x2  }
0x17: {  	s25 =	sshra.s32 s26, $0x2  }
0x18: {  	[tilespmem:s25+$0x11A0] =	vst v1  }
0x19: {  	[tilespmem:s25+$0x11B0] =	vst v1  }
0x1a: {  	[spmem:s5] =	stream.linear.scatter [tilespmem:s15], [sflag:$0x2], $0x6200, $0x38;
	[tilespmem:$0x1FBA0] =	vst v63  }
0x1b: {  	_ =	swait.ge [sflag:s16], $0x6200  }
0x1c: {  	[sflag:s16] =	ssyncset.done $0x0  }
0x1d: {  	[sflag:s16] =	ssyncadd.s32 $0xFFFF9E00  }
0x1e: {  	[spmem:s6] =	stream.linear.scatter [tilespmem:s15], [sflag:$0x2], $0x6200, $0x38;
	[tilespmem:$0x1FBA0] =	vst v63  }
0x1f: {  	_ =	swait.ge [sflag:s16], $0x6200  }
0x20: {  	[sflag:s16] =	ssyncset.done $0x0  }
0x21: {  	[sflag:s16] =	ssyncadd.s32 $0xFFFF9E00  }
0x22: {  	[spmem:s7] =	stream.linear.scatter [tilespmem:s15], [sflag:$0x2], $0x6200, $0x38;
	[tilespmem:$0x1FBA0] =	vst v63  }
0x23: {  	_ =	swait.ge [sflag:s16], $0x6200  }
0x24: {  	[sflag:s16] =	ssyncset.done $0x0  }
0x25: {  	[sflag:s16] =	ssyncadd.s32 $0xFFFF9E00  }
0x26: {  	[spmem:s8] =	stream.linear.scatter [tilespmem:s15], [sflag:$0x2], $0x6200, $0x38;
	[tilespmem:$0x1FBA0] =	vst v63  }
0x27: {  	_ =	swait.ge [sflag:s16], $0x6200  }
0x28: {  	[sflag:s16] =	ssyncset.done $0x0  }
0x29: {  	[sflag:s16] =	ssyncadd.s32 $0xFFFF9E00  }
0x2a: {  	s24 =	sadd.s32 $0x0, s14;
	[bflag:$0x0] =	sbarrier.arrive $0xFFFF  }
0x2b: {  	[tilespmem:s3], [sflag:$0x2] =	stream.linear.gather [hbm4b:s24+s3], $0x80, $0x38;
	[tilespmem:$0x1FBA0] =	vst v63  }
0x2c: {  	_ =	swait.ge [sflag:s16], $0x80  }
0x2d: {  	[sflag:s16] =	ssyncset.done $0x0  }
0x2e: {  	s31 =	sadd.s32 $0x0, s13;
	[sflag:s16] =	ssyncadd.s32 $0xFFFFFF80  }
0x2f: {  	[tilespmem:s17], [sflag:$0x2] =	stream.linear.gather [hbm4b:s31+s3], $0x80, $0x38;
	[tilespmem:$0x1FBA0] =	vst v63  }
0x30: {  	_ =	swait.ge [sflag:s16], $0x80  }
0x31: {  	[sflag:s16] =	ssyncset.done $0x0  }
0x32: {  	[sflag:s16] =	ssyncadd.s32 $0xFFFFFF80  }
0x33: {  	v2 =	vld [tilespmem:$0x70]  }
0x34: {  	v3 =	vld [tilespmem:$0x30]  }
0x35: {  	v6 =	vld [tilespmem:$0x20]  }
0x36: {  	v4 =	vld [tilespmem:$0x50]  }
0x37: {  	v5 =	vld [tilespmem:$0x60]  }
0x38: {  	v7 =	vld [tilespmem:$0x10];
	v2 =	vadd.s32 v0, v2  }
0x39: {  	v8 =	vld [tilespmem:$0x40];
	v3 =	vadd.s32 v0, v3;
	[tilespmem:$0x70] =	vst v2  }
0x3a: {  	v63 =	vadd.s32 v0, v6;
	v2 =	vld [tilespmem:$0x0];
	[tilespmem:$0x30] =	vst v3  }
0x3b: {  	v3 =	vadd.s32 v0, v4;
	[tilespmem:$0x20] =	vst v63  }
0x3c: {  	[tilespmem:$0x50] =	vst v3;
	v3 =	vadd.s32 v0, v5  }
0x3d: {  	[tilespmem:$0x60] =	vst v3;
	v3 =	vadd.s32 v0, v7  }
0x3e: {  	[tilespmem:$0x10] =	vst v3;
	v3 =	vadd.s32 v0, v8  }
0x3f: {  	[tilespmem:$0x40] =	vst v3;
	v2 =	vadd.s32 v0, v2  }
0x40: {  	s24 =	simm.s32 $0x10;
	[tilespmem:$0x0] =	vst v2  }
.LBB2_4:
0x41: {  	[tilespmem:s18], [sflag:$0x1] =	stream.indirect.gather [hbm4b:s4+s17], $0x20, s3, s17, $0xb8;
	[tilespmem:$0x1FBA0] =	vst v63  }
0x42: {  	s25 =	smov.u32 s24  }
0x43: {  	p0 =	sne.s32 s24, $0x1850;
	s24 =	sadd.s32 $0x10, s24;
	_ =	swait.ge [sflag:s19], $0x1000  }
0x44: {  	[sflag:s19] =	ssyncset.done $0x0  }
0x45: {  	[sflag:s19] =	ssyncadd.s32 $0xFFFFF000  }
0x46: {  	[spmem:s2] =	stream.indirect.scatter.add.f32 [tilespmem:s18], [sflag:$0x2], $0x20, s17, s17, $0xb8;
	[tilespmem:$0x1FBA0] =	vst v63  }
0x47: {  	_ =	swait.ge [sflag:s16], $0x1000  }
0x48: {  	[sflag:s16] =	ssyncset.done $0x0  }
0x49: {  	s26 =	sadd.s32 s25, s14;
	[sflag:s16] =	ssyncadd.s32 $0xFFFFF000  }
0x4a: {  	[tilespmem:s3], [sflag:$0x2] =	stream.linear.gather [hbm4b:s26+s3], $0x80, $0x38;
	[tilespmem:$0x1FBA0] =	vst v63  }
0x4b: {  	_ =	swait.ge [sflag:s16], $0x80  }
0x4c: {  	[sflag:s16] =	ssyncset.done $0x0  }
0x4d: {  	s25 =	sadd.s32 s25, s13;
	[sflag:s16] =	ssyncadd.s32 $0xFFFFFF80  }
0x4e: {  	[tilespmem:s17], [sflag:$0x2] =	stream.linear.gather [hbm4b:s25+s3], $0x80, $0x38;
	[tilespmem:$0x1FBA0] =	vst v63  }
0x4f: {  	_ =	swait.ge [sflag:s16], $0x80  }
0x50: {  	[sflag:s16] =	ssyncset.done $0x0  }
0x51: {  	[sflag:s16] =	ssyncadd.s32 $0xFFFFFF80  }
0x52: {  	v2 =	vld [tilespmem:$0x70]  }
0x53: {  	v3 =	vld [tilespmem:$0x30]  }
0x54: {  	v4 =	vld [tilespmem:$0x50]  }
0x55: {  	v5 =	vld [tilespmem:$0x60]  }
0x56: {  	v6 =	vld [tilespmem:$0x20]  }
0x57: {  	v7 =	vld [tilespmem:$0x10];
	v2 =	vadd.s32 v0, v2  }
0x58: {  	v3 =	vadd.s32 v0, v3;
	v8 =	vld [tilespmem:$0x40];
	[tilespmem:$0x70] =	vst v2  }
0x59: {  	v2 =	vld [tilespmem:$0x0];
	[tilespmem:$0x30] =	vst v3;
	v3 =	vadd.s32 v0, v4  }
0x5a: {  	[tilespmem:$0x50] =	vst v3;
	v3 =	vadd.s32 v0, v5  }
.Ltmp1:
0x5b: {  	v4 =	vadd.s32 v0, v6;
	[tilespmem:$0x60] =	vst v3;
	(pc) =	sbr.rel @p0 .LBB2_4-.Ltmp1, $4  }
0x5c: {  	v3 =	vadd.s32 v0, v7;
	[tilespmem:$0x20] =	vst v4  }
0x5d: {  	[tilespmem:$0x10] =	vst v3;
	v3 =	vadd.s32 v0, v8  }
0x5e: {  	v2 =	vadd.s32 v0, v2;
	[tilespmem:$0x40] =	vst v3  }
0x5f: {  	[tilespmem:$0x0] =	vst v2  }
0x60: {  	[tilespmem:s18], [sflag:$0x1] =	stream.indirect.gather [hbm4b:s4+s17], $0x20, s3, s17, $0xb8;
	[tilespmem:$0x1FBA0] =	vst v63  }
0x61: {  	_ =	swait.ge [sflag:s19], $0x1000  }
0x62: {  	[sflag:s19] =	ssyncset.done $0x0  }
0x63: {  	[sflag:s19] =	ssyncadd.s32 $0xFFFFF000  }
0x64: {  	[spmem:s2] =	stream.indirect.scatter.add.f32 [tilespmem:s18], [sflag:$0x2], $0x20, s17, s17, $0xb8;
	[tilespmem:$0x1FBA0] =	vst v63  }
0x65: {  	_ =	swait.ge [sflag:s16], $0x1000  }
0x66: {  	[sflag:s16] =	ssyncset.done $0x0  }
0x67: {  	[sflag:s16] =	ssyncadd.s32 $0xFFFFF000  }
0x68: {  	[tilespmem:s20], [sflag:$0x2] =	stream.linear.gather [hbm4b:s9+s3], $0x50, $0x38;
	[tilespmem:$0x1FBA0] =	vst v63  }
0x69: {  	_ =	swait.ge [sflag:s16], $0x50  }
0x6a: {  	[sflag:s16] =	ssyncset.done $0x0  }
0x6b: {  	[sflag:s16] =	ssyncadd.s32 $0xFFFFFFB0  }
0x6c: {  	[tilespmem:s21], [sflag:$0x2] =	stream.linear.gather [hbm4b:s10+s3], $0x50, $0x38;
	[tilespmem:$0x1FBA0] =	vst v63  }
0x6d: {  	_ =	swait.ge [sflag:s16], $0x50  }
0x6e: {  	[sflag:s16] =	ssyncset.done $0x0  }
0x6f: {  	[sflag:s16] =	ssyncadd.s32 $0xFFFFFFB0  }
0x70: {  	v2 =	vld [tilespmem:$0x100]  }
0x71: {  	v3 =	vld [tilespmem:$0x110]  }
0x72: {  	v4 =	vld [tilespmem:$0x120]  }
0x73: {  	v5 =	vld [tilespmem:$0x130]  }
0x74: {  	v6 =	vld [tilespmem:$0x140]  }
0x75: {  	v2 =	vadd.s32 v0, v2  }
0x76: {  	[tilespmem:$0x100] =	vst v2;
	v2 =	vadd.s32 v0, v3  }
0x77: {  	[tilespmem:$0x110] =	vst v2;
	v2 =	vadd.s32 v0, v4  }
0x78: {  	[tilespmem:$0x120] =	vst v2;
	v2 =	vadd.s32 v0, v5  }
0x79: {  	[tilespmem:$0x130] =	vst v2;
	v2 =	vadd.s32 v0, v6  }
0x7a: {  	[tilespmem:$0x140] =	vst v2  }
0x7b: {  	[tilespmem:s18], [sflag:$0x1] =	stream.indirect.gather [hbm4b:s4+s22], $0x20, s20, s22, $0xb8;
	[tilespmem:$0x1FBA0] =	vst v63  }
0x7c: {  	_ =	swait.ge [sflag:s19], $0xA00  }
0x7d: {  	[sflag:s19] =	ssyncset.done $0x0  }
0x7e: {  	[sflag:s19] =	ssyncadd.s32 $0xFFFFF600  }
0x7f: {  	[spmem:s2] =	stream.indirect.scatter.add.f32 [tilespmem:s18], [sflag:$0x2], $0x20, s21, s22, $0xb8;
	[tilespmem:$0x1FBA0] =	vst v63  }
0x80: {  	_ =	swait.ge [sflag:s16], $0xA00  }
0x81: {  	s24 =	sshll.u32 s1, $0x6;
	s23 =	sadd.s32 $0x1, s23;
	[sflag:s16] =	ssyncset.done $0x0  }
0x82: {  	s25 =	sshrl.u32 s5, $0x3;
	p0 =	sne.s32 s23, s12;
	[sflag:s16] =	ssyncadd.s32 $0xFFFFF600  }
.Ltmp2:
0x83: {  	s24 =	sor.u32 $0x1C02, s24;
	[bflag:$0x0] =	sbarrier.arrive $0xFFFF;
	(pc) =	sbr.rel @p0 .LBB2_1-.Ltmp2, $4  }
0x84: {  	[hbm:s11], [sflag:s24] =	dma.local [spmem:s25], $0x3100  }
0x85: {  	_ =	swait.ge [sflag:s16], $0x3100  }
0x86: {  	[sflag:s16] =	ssyncset.done $0x0  }
0x87: {  	[sflag:s16] =	ssyncadd.s32 $0xFFFFCF00  }
0x88: {  	_ =	sfence.sel $0x180000  }
0x89: {  	[bflag:$0x0] =	sbarrier.arrive $0xFFFF  }
0x8a: {  	p0 =	sne.s32 s1, $0x0;
	_ =	strace $0x9000004D  }
0x8b: {  	s0 =	sadd.s32 @!p0 $0x100000, s0;
	[bflag:$0x2] =	sbarrier.arrive $0xFFFF  }
0x8c: {  	[sflag:s0] =	ssyncadd.tile.s32 @!p0 $0x1;
	_ =	shalt  }
.Lfunc_end2:
_tile_overlayer_lowered:
.L_overlay_start_2:
0x8d: {  	(tag) =	ssettag $0x2  }
0x8e: {  	s0 =	rddreg [dreg:$0x0];
	s2 =	stileid.u32  }
0x8f: {  	s1 =	rddreg [dreg:$0x1];
	p0 =	sne.s32 s2, $0x0  }
0x90: {  	s3 =	rddreg [dreg:$0x2];
	[bflag:$0x3] =	sbarrier.arrive $0xFFFF;
	s2 =	simm.s32 @!p0 $0x1C02  }
0x91: {  	[timem:s3], [sflag:s2] =	dma.local @!p0 [hbm:s0], s1  }
0x92: {  	s0 =	simm.s32 @!p0 $0x2  }
0x93: {  	_ =	swait.ge @!p0 [sflag:s0], s1  }
0x94: {  	s1 =	ssub.s32 @!p0 $0x0, s1;
	[sflag:s0] =	ssyncset.done @!p0 $0x0  }
0x95: {  	[sflag:s0] =	ssyncadd.s32 @!p0 s1  }
0x96: {  	[bflag:$0x3] =	sbarrier.arrive $0xFFFF  }
0x97: {  	_ =	shalt  }

// kernel: kernel.16.cloned.1.call-start
scs
__scs_entry_jumppad:
0x0: {  	(pc) =	sbr.rel $0x88, $3  }
0x1: {  	(tag) =	ssettag $0x0;
	lr =	simm.s32 $0x1  }
0x2: {  	[smem:$0x3F9C] =	sst lr;
	_ =	strace $0xD0000000  }
0x3: {  	_ = 	snop  }
0x4: {  	_ = 	snop  }
0x5: {  	_ = 	snop  }
0x6: {  	_ = 	snop  }
0x7: {  	_ = 	snop  }
__scs_overlays_trampoline_lowered:
0x8: {  	[smem:$0x3FAB] =	sst s0  }
0x9: {  	[smem:$0x3FAC] =	sst s1  }
0xa: {  	[smem:$0x3FAD] =	sst s2  }
0xb: {  	[smem:$0x3FAE] =	sst s3  }
0xc: {  	[smem:$0x3FAF] =	sst s4  }
0xd: {  	[smem:$0x3FB0] =	sst s5  }
0xe: {  	[smem:$0x3FB1] =	sst s6  }
0xf: {  	[smem:$0x3FB2] =	sst s7  }
0x10: {  	[smem:$0x3FB3] =	sst s8  }
0x11: {  	[smem:$0x3FB4] =	sst s9;
	s0 =	simm.s32 @!p0 $0x0  }
0x12: {  	s1 =	sld [smem:$0x3F9A];
	s0 =	simm.s32 @p0 $0x1  }
0x13: {  	[smem:$0x3FB5] =	sst s0;
	s0 =	simm.s32 @!p1 $0x0  }
0x14: {  	s2 =	sld [smem:$0x3F99];
	s0 =	simm.s32 @p1 $0x1  }
0x15: {  	[smem:$0x3FB6] =	sst s0;
	s0 =	simm.s32 @!p2 $0x0  }
0x16: {  	s3 =	sld [smem:$0x3FDB];
	s0 =	simm.s32 @p2 $0x1  }
0x17: {  	s4 =	simm.s32 $0x1BF5;
	[smem:$0x3FB8] =	sst s0  }
0x18: {  	s0 =	sld [smem:$0x3F9B];
	_ =	swait.ge [sflag:s4], $0x0  }
0x19: {  	s7 =	sld [smem:$0x3F9C]  }
0x1a: {  	s8 =	sadd.s32 $0xFFFFE003, lr  }
0x1b: {  	s9 =	sadd.s32 $0xFFFFFEF7, lr;
	s5 =	simm.s32 $0xFFFFFFFF;
	p2 =	slt.u32 s8, $0xFFFFF086  }
0x1c: {  	p1 =	slt.u32 s9, $0xF7A;
	s5 =	simm.s32 @!p2 $0x0  }
0x1d: {  	s5 =	simm.s32 @p1 $0x1;
	p0 =	seq.s32 s7, s2  }
0x1e: {  	s7 =	smul.u32 @!p0 $0xF7A, s2;
	p2 =	seq.s32 @!p0 s5, $0x0  }
0x1f: {  	s9 =	smul.u32 $0xF7A, s1;
	s8 =	simm.s32 @!p0 $0x1BF5;
	p2 =	por !p2, p0  }
0x20: {  	[sflag:s8] =	ssyncset.s32 @!p0 $0xFFFFF086;
	s6 =	sadd.s32 @!p0 s3, s7;
	s7 =	simm.s32 @!p0 $0x108  }
0x21: {  	s3 =	sadd.s32 s3, s9;
	s6 =	sadd.s32 @!p0 $0x88, s6;
	s7 =	simm.s32 @p2 $0x1082  }
0x22: {  	[simem:s7], [sflag:s8] =	dma.local @!p0 [hbm:s6], $0xF7A  }
0x23: {  	s9 =	sor.u32 $0xD0000000, s2;
	s6 =	simm.s32 $0x108;
	_ =	swait.ge @!p0 [sflag:s8], $0x0  }
0x24: {  	s3 =	sadd.s32 $0x88, s3;
	s6 =	simm.s32 @!p1 $0x1082;
	[sflag:s4] =	ssyncset.s32 $0xFFFFF086  }
0x25: {  	[simem:s6], [sflag:s4] =	dma.local [hbm:s3], $0xF7A  }
0x26: {  	[smem:$0x3F9C] =	sst s1;
	(tag) =	ssettag s2;
	_ =	strace s9  }
0x27: {  	s1 =	sld [smem:$0x3FAC]  }
0x28: {  	s2 =	sld [smem:$0x3FAD]  }
0x29: {  	s4 =	sld [smem:$0x3FAF]  }
0x2a: {  	p0 =	seq.s32 s5, $0x0;
	s5 =	sld [smem:$0x3FB0]  }
0x2b: {  	s6 =	sld [smem:$0x3FB1]  }
0x2c: {  	s7 =	sld [smem:$0x3FB2]  }
0x2d: {  	s3 =	simm.s32 $0x108;
	s8 =	sld [smem:$0x3FB3]  }
0x2e: {  	s3 =	simm.s32 @!p0 $0x1082;
	s9 =	sld [smem:$0x3FB4]  }
0x2f: {  	lr =	sadd.s32 s0, s3;
	s0 =	sld [smem:$0x3FAB]  }
0x30: {  	s3 =	sld [smem:$0x3FAE]  }
0x31: {  	[smem:$0x3FB7] =	sst s10  }
0x32: {  	s10 =	sld [smem:$0x3FB5];
	_ =	sdelay $0x3  }
0x33: {  	p0 =	seq.s32 s10, $0x1;
	s10 =	sld [smem:$0x3FB7];
	_ =	sdelay $0x3  }
0x34: {  	[smem:$0x3FB7] =	sst s10  }
0x35: {  	s10 =	sld [smem:$0x3FB6];
	_ =	sdelay $0x3  }
0x36: {  	p1 =	seq.s32 s10, $0x1;
	s10 =	sld [smem:$0x3FB7];
	_ =	sdelay $0x3  }
0x37: {  	[smem:$0x3FB7] =	sst s10  }
0x38: {  	s10 =	sld [smem:$0x3FB8]  }
0x39: {  	_ = 	snop;
	(pc) =	sbr.ind lr, $3  }
0x3a: {  	_ = 	snop  }
0x3b: {  	_ = 	snop  }
0x3c: {  	p2 =	seq.s32 s10, $0x1;
	s10 =	sld [smem:$0x3FB7]  }
0x3d: {  	_ =	shalt  }
0x3e: {  	_ =	shalt  }
0x3f: {  	_ =	shalt  }
0x40: {  	_ =	shalt  }
0x41: {  	_ =	shalt  }
0x42: {  	_ =	shalt  }
0x43: {  	_ =	shalt  }
0x44: {  	_ =	shalt  }
0x45: {  	_ =	shalt  }
0x46: {  	_ =	shalt  }
0x47: {  	_ =	shalt  }
0x48: {  	_ =	shalt  }
0x49: {  	_ =	shalt  }
0x4a: {  	_ =	shalt  }
0x4b: {  	_ =	shalt  }
0x4c: {  	_ =	shalt  }
0x4d: {  	_ =	shalt  }
0x4e: {  	_ =	shalt  }
0x4f: {  	_ =	shalt  }
0x50: {  	_ =	shalt  }
0x51: {  	_ =	shalt  }
0x52: {  	_ =	shalt  }
0x53: {  	_ =	shalt  }
0x54: {  	_ =	shalt  }
0x55: {  	_ =	shalt  }
0x56: {  	_ =	shalt  }
0x57: {  	_ =	shalt  }
0x58: {  	_ =	shalt  }
0x59: {  	_ =	shalt  }
0x5a: {  	_ =	shalt  }
0x5b: {  	_ =	shalt  }
0x5c: {  	_ =	shalt  }
0x5d: {  	_ =	shalt  }
0x5e: {  	_ =	shalt  }
0x5f: {  	_ =	shalt  }
0x60: {  	_ =	shalt  }
0x61: {  	_ =	shalt  }
0x62: {  	_ =	shalt  }
0x63: {  	_ =	shalt  }
0x64: {  	_ =	shalt  }
0x65: {  	_ =	shalt  }
0x66: {  	_ =	shalt  }
0x67: {  	_ =	shalt  }
0x68: {  	_ =	shalt  }
0x69: {  	_ =	shalt  }
0x6a: {  	_ =	shalt  }
0x6b: {  	_ =	shalt  }
0x6c: {  	_ =	shalt  }
0x6d: {  	_ =	shalt  }
0x6e: {  	_ =	shalt  }
0x6f: {  	_ =	shalt  }
0x70: {  	_ =	shalt  }
0x71: {  	_ =	shalt  }
0x72: {  	_ =	shalt  }
0x73: {  	_ =	shalt  }
0x74: {  	_ =	shalt  }
0x75: {  	_ =	shalt  }
0x76: {  	_ =	shalt  }
0x77: {  	_ =	shalt  }
0x78: {  	_ =	shalt  }
0x79: {  	_ =	shalt  }
0x7a: {  	_ =	shalt  }
0x7b: {  	_ =	shalt  }
0x7c: {  	_ =	shalt  }
0x7d: {  	_ =	shalt  }
0x7e: {  	_ =	shalt  }
0x7f: {  	_ =	shalt  }
0x80: {  	_ =	shalt  }
0x81: {  	_ =	shalt  }
0x82: {  	_ =	shalt  }
0x83: {  	_ =	shalt  }
0x84: {  	_ =	shalt  }
0x85: {  	_ =	shalt  }
0x86: {  	_ =	shalt  }
0x87: {  	_ =	shalt  }
.Lfunc_end0:
.L_simem_size_0:
called_computation.3_lowered:
.L_overlay_start_0:
0x88: {  	s2 =	sld [smem:$0x3FD9]  }
0x89: {  	s3 =	sld [smem:$0x3FFE];
	_ =	sdelay $0x1  }
0x8a: {  	s1 =	srdreg.scid  }
0x8b: {  	s0 =	sand.u32 $0x1, s1  }
0x8c: {  	s17 =	sshll.u32 s0, $0xA;
	s2 =	sadd.s32 s3, s2  }
0x8d: {  	s2 =	sadd.s32 s2, s17  }
0x8e: {  	[smem:$0x3FC3] =	sst s2  }
0x8f: {  	_ = 	snop  }
0x90: {  	s2 =	sld [smem:$0x3FD0];
	(tm) =	ssettm $0x1  }
0x91: {  	s18 =	sld [smem:$0x3FFB];
	_ =	sdelay $0x3  }
0x92: {  	_ =	strace s18  }
0x93: {  	s3 =	sld [smem:$0x3FFC];
	_ =	sdelay $0x3  }
0x94: {  	_ =	strace s3  }
0x95: {  	s3 =	sld [smem:$0x3FFD];
	_ =	sdelay $0x3  }
0x96: {  	_ =	strace s3  }
0x97: {  	_ =	strace $0x8FFFFFFF  }
0x98: {  	s19 =	sld [smem:$0x3FDB];
	_ =	sdelay $0x1  }
0x99: {  	s4 =	simm.s32 $_scs_section_size  }
0x9a: {  	s5 =	simm.s32 $_size__tile_overlayer_lowered;
	s6 =	simm.s32 $_tile_overlayer_lowered  }
0x9b: {  	s22 =	simm.s32 $0x1BFF;
	s21 =	sshll.u32 s6, $0x1;
	s3 =	sadd.s32 s4, s19  }
0x9c: {  	s7 =	simm.s32 $0x0;
	s20 =	sshll.u32 s5, $0x1;
	s5 =	sadd.s32 s21, s3  }
0x9d: {  	[timem:s7], [sflag:s22] =	dma.local [hbm:s5], s20  }
0x9e: {  	_ =	swait.ge [sflag:s22], s20  }
0x9f: {  	s4 =	ssub.s32 $0x0, s20;
	[sflag:s22] =	ssyncset.done $0x0  }
0xa0: {  	[sflag:s22] =	ssyncadd.s32 s4;
	_ =	sdelay $0x1  }
0xa1: {  	s23 =	simm.s32 $0x1B8B  }
0xa2: {  	_ =	swait.ge [sflag:s23], $0x1  }
0xa3: {  	[sflag:s23] =	ssyncset.done $0x0  }
0xa4: {  	s25 =	simm.s32 $0x1B8E;
	s24 =	sld [smem:$0x3FFE];
	[sflag:s23] =	ssyncadd.s32 $0xFFFFFFFF  }
0xa5: {  	s26 =	simm.s32 $execute0_lowered;
	[smem:$0x3FD2] =	sst s25  }
0xa6: {  	s5 =	sshll.u32 s26, $0x1;
	_ =	strace $0x8000004F;
	[dreg:$0x1] =	wrdreg $0xFFFFFFFF  }
0xa7: {  	s28 =	simm.s32 $_size_execute0_lowered;
	s3 =	sadd.s32 s3, s5;
	[dreg:$0x0] =	wrdreg $0x0  }
0xa8: {  	s5 =	sshll.u32 s28, $0x1;
	[dreg:$0x2] =	wrdreg s3  }
0xa9: {  	[dreg:$0x3] =	wrdreg s5  }
0xaa: {  	[dreg:$0x4] =	wrdreg $0xC0  }
0xab: {  	_ =	task [dreg:s7], $0x5FFFF  }
0xac: {  	[dreg:$0x1] =	wrdreg $0xFFFFFFFF  }
0xad: {  	[dreg:$0x0] =	wrdreg $0x60  }
0xae: {  	[dreg:$0x2] =	wrdreg s24  }
0xaf: {  	[dreg:$0x3] =	wrdreg s2  }
0xb0: {  	[dreg:$0x4] =	wrdreg $0x73A00  }
0xb1: {  	[dreg:$0x5] =	wrdreg $0x9  }
0xb2: {  	_ =	task.clear_ibuf [dreg:s7], $0x6FFFF;
	_ =	strace $0x9000004F  }
0xb3: {  	s29 =	simm.s32 $0x9;
	_ =	strace $0x80000051  }
0xb4: {  	_ =	swait.ge [sflag:s29], $0x1  }
0xb5: {  	[sflag:s29] =	ssyncadd.s32 $0xFFFFFFFF  }
0xb6: {  	_ =	strace $0x90000051  }
0xb7: {  	_ =	sfence  }
0xb8: {  	s30 =	sld [smem:$0x0];
	_ =	sdelay $0x2  }
0xb9: {  	s31 =	sshll.u32 s1, $0xD;
	s1 =	sshrl.u32 s1, $0x2  }
0xba: {  	s3 =	sand.u32 $0x4000, s31;
	s1 =	sadd.s32 s1, s30  }
0xbb: {  	s0 =	sor.u32 s3, s0;
	s1 =	sshll.u32 s1, $0x11  }
0xbc: {  	s0 =	sor.u32 s1, s0  }
0xbd: {  	s0 =	sadd.s32 $0x8F2B, s0  }
0xbe: {  	[sflag:s0] =	ssyncadd.remote.s32 $0x1  }
0xbf: {  	_ =	sfence.sel $0xFFFF  }
0xc0: {  	[dreg:$0x0] =	wrdreg $0xFFFFFFFF;
	(pc) =	sbr.abs _section_cstart, $3  }
0xc1: {  	[dreg:$0x1] =	wrdreg $0xFFFFFFFF  }
0xc2: {  	_ =	task.clear_ibuf [dreg:s7], $0x2FFFF;
	_ =	strace $0x9FFFFFFF  }
0xc3: {  	(tm) =	ssettm $0x7FFFFFFF  }
tec
execute0_lowered:
.L_overlay_start_1:
0x0: {  	(tag) =	ssettag $0x1  }
0x1: {  	s5 =	rddreg [dreg:$0x0]  }
0x2: {  	s14 =	rddreg [dreg:$0x1]  }
0x3: {  	s2 =	rddreg [dreg:$0x2]  }
0x4: {  	s0 =	rddreg [dreg:$0x3]  }
0x5: {  	s4 =	srdreg.scid;
	s1 =	stileid.u32  }
0x6: {  	s3 =	simm.s32 $0x0;
	s16 =	simm.s32 $0x2;
	s17 =	simm.s32 $0x80  }
0x7: {  	s18 =	simm.s32 $0x1A0;
	s19 =	simm.s32 $0x1;
	s7 =	smul.u32 $0xC40, s1  }
0x8: {  	s20 =	simm.s32 $0x100;
	s22 =	simm.s32 $0x50;
	s8 =	smul.u32 $0x62000, s1  }
0x9: {  	s23 =	simm.s32 $0x0;
	s6 =	sand.u32 $0x1, s4;
	s10 =	smul.u32 $0xC350, s1  }
0xa: {  	[smem:$0x7FF] =	sst s3;
	s4 =	sadd.s32 $0x1A2C00, s5;
	s15 =	smul.u32 $0x186A, s1  }
0xb: {  	s13 =	sadd.s32 $0x2400, s5;
	s21 =	smul.u32 $0xC400, s6;
	s6 =	ssub.s32 $0x2, s6  }
0xc: {  	_ =	strace $0x80000050;
	s9 =	sshrl.u32 s6, $0x1;
	s8 =	sshrl.u32 s8, $0x2  }
0xd: {  	s31 =	sshrl.u32 s10, $0x3;
	s7 =	sadd.s32 s7, s21;
	s12 =	ssub.s32 s6, s9  }
0xe: {  	s10 =	sadd.s32 $0x1860, s31;
	v0 =	vmov s21;
	s21 =	simm.s32 $0x150;
	s7 =	sshll.u32 s7, $0x2  }
0xf: {  	s9 =	sadd.s32 s14, s10;
	s10 =	sadd.s32 s13, s10;
	s12 =	smax.u32 s12, $0x1  }
0x10: {  	s13 =	sadd.s32 s15, s13;
	s11 =	sadd.s32 s7, s5;
	s5 =	sadd.s32 s8, s2  }
0x11: {  	s14 =	sadd.s32 s15, s14;
	s15 =	simm.s32 $0x11A0;
	s6 =	sadd.s32 $0x6200, s5  }
0x12: {  	v1 =	vimm.f32 $0.0e+00;
	s7 =	sadd.s32 $0xC400, s5;
	s8 =	sadd.s32 $0x12600, s5;
	s11 =	sadd.s32 $0x204C00, s11  }
.LBB2_1:
0x13: {  	s24 =	simm.s32 $0x80;
	s25 =	simm.s32 $0x0  }
.LBB2_2:
0x14: {  	p0 =	sne.s32 s24, $0x18780;
	[tilespmem:s25+$0x11A0] =	vst v1;
	s26 =	smov.u32 s24;
	s24 =	sadd.s32 $0x80, s24  }
.Ltmp0:
0x15: {  	[tilespmem:s25+$0x11B0] =	vst v1;
	(pc) =	sbr.rel @p0 .LBB2_2-.Ltmp0, $2  }
0x16: {  	_ =	sdelay $0x2  }
0x17: {  	s25 =	sshra.s32 s26, $0x2  }
0x18: {  	[tilespmem:s25+$0x11A0] =	vst v1  }
0x19: {  	[tilespmem:s25+$0x11B0] =	vst v1  }
0x1a: {  	[spmem:s5] =	stream.linear.scatter [tilespmem:s15], [sflag:$0x2], $0x6200, $0x38;
	[tilespmem:$0x1FBA0] =	vst v63  }
0x1b: {  	_ =	swait.ge [sflag:s16], $0x6200  }
0x1c: {  	[sflag:s16] =	ssyncset.done $0x0  }
0x1d: {  	[sflag:s16] =	ssyncadd.s32 $0xFFFF9E00  }
0x1e: {  	[spmem:s6] =	stream.linear.scatter [tilespmem:s15], [sflag:$0x2], $0x6200, $0x38;
	[tilespmem:$0x1FBA0] =	vst v63  }
0x1f: {  	_ =	swait.ge [sflag:s16], $0x6200  }
0x20: {  	[sflag:s16] =	ssyncset.done $0x0  }
0x21: {  	[sflag:s16] =	ssyncadd.s32 $0xFFFF9E00  }
0x22: {  	[spmem:s7] =	stream.linear.scatter [tilespmem:s15], [sflag:$0x2], $0x6200, $0x38;
	[tilespmem:$0x1FBA0] =	vst v63  }
0x23: {  	_ =	swait.ge [sflag:s16], $0x6200  }
0x24: {  	[sflag:s16] =	ssyncset.done $0x0  }
0x25: {  	[sflag:s16] =	ssyncadd.s32 $0xFFFF9E00  }
0x26: {  	[spmem:s8] =	stream.linear.scatter [tilespmem:s15], [sflag:$0x2], $0x6200, $0x38;
	[tilespmem:$0x1FBA0] =	vst v63  }
0x27: {  	_ =	swait.ge [sflag:s16], $0x6200  }
0x28: {  	[sflag:s16] =	ssyncset.done $0x0  }
0x29: {  	[sflag:s16] =	ssyncadd.s32 $0xFFFF9E00  }
0x2a: {  	s24 =	sadd.s32 $0x0, s14;
	[bflag:$0x0] =	sbarrier.arrive $0xFFFF  }
0x2b: {  	[tilespmem:s3], [sflag:$0x2] =	stream.linear.gather [hbm4b:s24+s3], $0x80, $0x38;
	[tilespmem:$0x1FBA0] =	vst v63  }
0x2c: {  	_ =	swait.ge [sflag:s16], $0x80  }
0x2d: {  	[sflag:s16] =	ssyncset.done $0x0  }
0x2e: {  	s31 =	sadd.s32 $0x0, s13;
	[sflag:s16] =	ssyncadd.s32 $0xFFFFFF80  }
0x2f: {  	[tilespmem:s17], [sflag:$0x2] =	stream.linear.gather [hbm4b:s31+s3], $0x80, $0x38;
	[tilespmem:$0x1FBA0] =	vst v63  }
0x30: {  	_ =	swait.ge [sflag:s16], $0x80  }
0x31: {  	[sflag:s16] =	ssyncset.done $0x0  }
0x32: {  	[sflag:s16] =	ssyncadd.s32 $0xFFFFFF80  }
0x33: {  	v2 =	vld [tilespmem:$0x70]  }
0x34: {  	v3 =	vld [tilespmem:$0x30]  }
0x35: {  	v6 =	vld [tilespmem:$0x20]  }
0x36: {  	v4 =	vld [tilespmem:$0x50]  }
0x37: {  	v5 =	vld [tilespmem:$0x60]  }
0x38: {  	v7 =	vld [tilespmem:$0x10];
	v2 =	vadd.s32 v0, v2  }
0x39: {  	v8 =	vld [tilespmem:$0x40];
	v3 =	vadd.s32 v0, v3;
	[tilespmem:$0x70] =	vst v2  }
0x3a: {  	v63 =	vadd.s32 v0, v6;
	v2 =	vld [tilespmem:$0x0];
	[tilespmem:$0x30] =	vst v3  }
0x3b: {  	v3 =	vadd.s32 v0, v4;
	[tilespmem:$0x20] =	vst v63  }
0x3c: {  	[tilespmem:$0x50] =	vst v3;
	v3 =	vadd.s32 v0, v5  }
0x3d: {  	[tilespmem:$0x60] =	vst v3;
	v3 =	vadd.s32 v0, v7  }
0x3e: {  	[tilespmem:$0x10] =	vst v3;
	v3 =	vadd.s32 v0, v8  }
0x3f: {  	[tilespmem:$0x40] =	vst v3;
	v2 =	vadd.s32 v0, v2  }
0x40: {  	s24 =	simm.s32 $0x10;
	[tilespmem:$0x0] =	vst v2  }
.LBB2_4:
0x41: {  	[tilespmem:s18], [sflag:$0x1] =	stream.indirect.gather [hbm4b:s4+s17], $0x20, s3, s17, $0xb8;
	[tilespmem:$0x1FBA0] =	vst v63  }
0x42: {  	s25 =	smov.u32 s24  }
0x43: {  	p0 =	sne.s32 s24, $0x1850;
	s24 =	sadd.s32 $0x10, s24;
	_ =	swait.ge [sflag:s19], $0x1000  }
0x44: {  	[sflag:s19] =	ssyncset.done $0x0  }
0x45: {  	[sflag:s19] =	ssyncadd.s32 $0xFFFFF000  }
0x46: {  	[spmem:s2] =	stream.indirect.scatter.add.f32 [tilespmem:s18], [sflag:$0x2], $0x20, s17, s17, $0xb8;
	[tilespmem:$0x1FBA0] =	vst v63  }
0x47: {  	_ =	swait.ge [sflag:s16], $0x1000  }
0x48: {  	[sflag:s16] =	ssyncset.done $0x0  }
0x49: {  	s26 =	sadd.s32 s25, s14;
	[sflag:s16] =	ssyncadd.s32 $0xFFFFF000  }
0x4a: {  	[tilespmem:s3], [sflag:$0x2] =	stream.linear.gather [hbm4b:s26+s3], $0x80, $0x38;
	[tilespmem:$0x1FBA0] =	vst v63  }
0x4b: {  	_ =	swait.ge [sflag:s16], $0x80  }
0x4c: {  	[sflag:s16] =	ssyncset.done $0x0  }
0x4d: {  	s25 =	sadd.s32 s25, s13;
	[sflag:s16] =	ssyncadd.s32 $0xFFFFFF80  }
0x4e: {  	[tilespmem:s17], [sflag:$0x2] =	stream.linear.gather [hbm4b:s25+s3], $0x80, $0x38;
	[tilespmem:$0x1FBA0] =	vst v63  }
0x4f: {  	_ =	swait.ge [sflag:s16], $0x80  }
0x50: {  	[sflag:s16] =	ssyncset.done $0x0  }
0x51: {  	[sflag:s16] =	ssyncadd.s32 $0xFFFFFF80  }
0x52: {  	v2 =	vld [tilespmem:$0x70]  }
0x53: {  	v3 =	vld [tilespmem:$0x30]  }
0x54: {  	v4 =	vld [tilespmem:$0x50]  }
0x55: {  	v5 =	vld [tilespmem:$0x60]  }
0x56: {  	v6 =	vld [tilespmem:$0x20]  }
0x57: {  	v7 =	vld [tilespmem:$0x10];
	v2 =	vadd.s32 v0, v2  }
0x58: {  	v3 =	vadd.s32 v0, v3;
	v8 =	vld [tilespmem:$0x40];
	[tilespmem:$0x70] =	vst v2  }
0x59: {  	v2 =	vld [tilespmem:$0x0];
	[tilespmem:$0x30] =	vst v3;
	v3 =	vadd.s32 v0, v4  }
0x5a: {  	[tilespmem:$0x50] =	vst v3;
	v3 =	vadd.s32 v0, v5  }
.Ltmp1:
0x5b: {  	v4 =	vadd.s32 v0, v6;
	[tilespmem:$0x60] =	vst v3;
	(pc) =	sbr.rel @p0 .LBB2_4-.Ltmp1, $4  }
0x5c: {  	v3 =	vadd.s32 v0, v7;
	[tilespmem:$0x20] =	vst v4  }
0x5d: {  	[tilespmem:$0x10] =	vst v3;
	v3 =	vadd.s32 v0, v8  }
0x5e: {  	v2 =	vadd.s32 v0, v2;
	[tilespmem:$0x40] =	vst v3  }
0x5f: {  	[tilespmem:$0x0] =	vst v2  }
0x60: {  	[tilespmem:s18], [sflag:$0x1] =	stream.indirect.gather [hbm4b:s4+s17], $0x20, s3, s17, $0xb8;
	[tilespmem:$0x1FBA0] =	vst v63  }
0x61: {  	_ =	swait.ge [sflag:s19], $0x1000  }
0x62: {  	[sflag:s19] =	ssyncset.done $0x0  }
0x63: {  	[sflag:s19] =	ssyncadd.s32 $0xFFFFF000  }
0x64: {  	[spmem:s2] =	stream.indirect.scatter.add.f32 [tilespmem:s18], [sflag:$0x2], $0x20, s17, s17, $0xb8;
	[tilespmem:$0x1FBA0] =	vst v63  }
0x65: {  	_ =	swait.ge [sflag:s16], $0x1000  }
0x66: {  	[sflag:s16] =	ssyncset.done $0x0  }
0x67: {  	[sflag:s16] =	ssyncadd.s32 $0xFFFFF000  }
0x68: {  	[tilespmem:s20], [sflag:$0x2] =	stream.linear.gather [hbm4b:s9+s3], $0x50, $0x38;
	[tilespmem:$0x1FBA0] =	vst v63  }
0x69: {  	_ =	swait.ge [sflag:s16], $0x50  }
0x6a: {  	[sflag:s16] =	ssyncset.done $0x0  }
0x6b: {  	[sflag:s16] =	ssyncadd.s32 $0xFFFFFFB0  }
0x6c: {  	[tilespmem:s21], [sflag:$0x2] =	stream.linear.gather [hbm4b:s10+s3], $0x50, $0x38;
	[tilespmem:$0x1FBA0] =	vst v63  }
0x6d: {  	_ =	swait.ge [sflag:s16], $0x50  }
0x6e: {  	[sflag:s16] =	ssyncset.done $0x0  }
0x6f: {  	[sflag:s16] =	ssyncadd.s32 $0xFFFFFFB0  }
0x70: {  	v2 =	vld [tilespmem:$0x100]  }
0x71: {  	v3 =	vld [tilespmem:$0x110]  }
0x72: {  	v4 =	vld [tilespmem:$0x120]  }
0x73: {  	v5 =	vld [tilespmem:$0x130]  }
0x74: {  	v6 =	vld [tilespmem:$0x140]  }
0x75: {  	v2 =	vadd.s32 v0, v2  }
0x76: {  	[tilespmem:$0x100] =	vst v2;
	v2 =	vadd.s32 v0, v3  }
0x77: {  	[tilespmem:$0x110] =	vst v2;
	v2 =	vadd.s32 v0, v4  }
0x78: {  	[tilespmem:$0x120] =	vst v2;
	v2 =	vadd.s32 v0, v5  }
0x79: {  	[tilespmem:$0x130] =	vst v2;
	v2 =	vadd.s32 v0, v6  }
0x7a: {  	[tilespmem:$0x140] =	vst v2  }
0x7b: {  	[tilespmem:s18], [sflag:$0x1] =	stream.indirect.gather [hbm4b:s4+s22], $0x20, s20, s22, $0xb8;
	[tilespmem:$0x1FBA0] =	vst v63  }
0x7c: {  	_ =	swait.ge [sflag:s19], $0xA00  }
0x7d: {  	[sflag:s19] =	ssyncset.done $0x0  }
0x7e: {  	[sflag:s19] =	ssyncadd.s32 $0xFFFFF600  }
0x7f: {  	[spmem:s2] =	stream.indirect.scatter.add.f32 [tilespmem:s18], [sflag:$0x2], $0x20, s21, s22, $0xb8;
	[tilespmem:$0x1FBA0] =	vst v63  }
0x80: {  	_ =	swait.ge [sflag:s16], $0xA00  }
0x81: {  	s24 =	sshll.u32 s1, $0x6;
	s23 =	sadd.s32 $0x1, s23;
	[sflag:s16] =	ssyncset.done $0x0  }
0x82: {  	s25 =	sshrl.u32 s5, $0x3;
	p0 =	sne.s32 s23, s12;
	[sflag:s16] =	ssyncadd.s32 $0xFFFFF600  }
.Ltmp2:
0x83: {  	s24 =	sor.u32 $0x1C02, s24;
	[bflag:$0x0] =	sbarrier.arrive $0xFFFF;
	(pc) =	sbr.rel @p0 .LBB2_1-.Ltmp2, $4  }
0x84: {  	[hbm:s11], [sflag:s24] =	dma.local [spmem:s25], $0x3100  }
0x85: {  	_ =	swait.ge [sflag:s16], $0x3100  }
0x86: {  	[sflag:s16] =	ssyncset.done $0x0  }
0x87: {  	[sflag:s16] =	ssyncadd.s32 $0xFFFFCF00  }
0x88: {  	_ =	sfence.sel $0x180000  }
0x89: {  	[bflag:$0x0] =	sbarrier.arrive $0xFFFF  }
0x8a: {  	p0 =	sne.s32 s1, $0x0;
	_ =	strace $0x90000050  }
0x8b: {  	s0 =	sadd.s32 @!p0 $0x100000, s0;
	[bflag:$0x2] =	sbarrier.arrive $0xFFFF  }
0x8c: {  	[sflag:s0] =	ssyncadd.tile.s32 @!p0 $0x1;
	_ =	shalt  }
.Lfunc_end2:
_tile_overlayer_lowered:
.L_overlay_start_2:
0x8d: {  	(tag) =	ssettag $0x2  }
0x8e: {  	s0 =	rddreg [dreg:$0x0];
	s2 =	stileid.u32  }
0x8f: {  	s1 =	rddreg [dreg:$0x1];
	p0 =	sne.s32 s2, $0x0  }
0x90: {  	s3 =	rddreg [dreg:$0x2];
	[bflag:$0x3] =	sbarrier.arrive $0xFFFF;
	s2 =	simm.s32 @!p0 $0x1C02  }
0x91: {  	[timem:s3], [sflag:s2] =	dma.local @!p0 [hbm:s0], s1  }
0x92: {  	s0 =	simm.s32 @!p0 $0x2  }
0x93: {  	_ =	swait.ge @!p0 [sflag:s0], s1  }
0x94: {  	s1 =	ssub.s32 @!p0 $0x0, s1;
	[sflag:s0] =	ssyncset.done @!p0 $0x0  }
0x95: {  	[sflag:s0] =	ssyncadd.s32 @!p0 s1  }
0x96: {  	[bflag:$0x3] =	sbarrier.arrive $0xFFFF  }
0x97: {  	_ =	shalt  }

// kernel: kernel.19.cloned.1.call-start
scs
__scs_entry_jumppad:
0x0: {  	(pc) =	sbr.rel $0x88, $3  }
0x1: {  	(tag) =	ssettag $0x0;
	lr =	simm.s32 $0x1  }
0x2: {  	[smem:$0x3F9C] =	sst lr;
	_ =	strace $0xD0000000  }
0x3: {  	_ = 	snop  }
0x4: {  	_ = 	snop  }
0x5: {  	_ = 	snop  }
0x6: {  	_ = 	snop  }
0x7: {  	_ = 	snop  }
__scs_overlays_trampoline_lowered:
0x8: {  	[smem:$0x3FAB] =	sst s0  }
0x9: {  	[smem:$0x3FAC] =	sst s1  }
0xa: {  	[smem:$0x3FAD] =	sst s2  }
0xb: {  	[smem:$0x3FAE] =	sst s3  }
0xc: {  	[smem:$0x3FAF] =	sst s4  }
0xd: {  	[smem:$0x3FB0] =	sst s5  }
0xe: {  	[smem:$0x3FB1] =	sst s6  }
0xf: {  	[smem:$0x3FB2] =	sst s7  }
0x10: {  	[smem:$0x3FB3] =	sst s8  }
0x11: {  	[smem:$0x3FB4] =	sst s9;
	s0 =	simm.s32 @!p0 $0x0  }
0x12: {  	s1 =	sld [smem:$0x3F9A];
	s0 =	simm.s32 @p0 $0x1  }
0x13: {  	[smem:$0x3FB5] =	sst s0;
	s0 =	simm.s32 @!p1 $0x0  }
0x14: {  	s2 =	sld [smem:$0x3F99];
	s0 =	simm.s32 @p1 $0x1  }
0x15: {  	[smem:$0x3FB6] =	sst s0;
	s0 =	simm.s32 @!p2 $0x0  }
0x16: {  	s3 =	sld [smem:$0x3FDB];
	s0 =	simm.s32 @p2 $0x1  }
0x17: {  	s4 =	simm.s32 $0x1BF5;
	[smem:$0x3FB8] =	sst s0  }
0x18: {  	s0 =	sld [smem:$0x3F9B];
	_ =	swait.ge [sflag:s4], $0x0  }
0x19: {  	s7 =	sld [smem:$0x3F9C]  }
0x1a: {  	s8 =	sadd.s32 $0xFFFFE003, lr  }
0x1b: {  	s9 =	sadd.s32 $0xFFFFFEF7, lr;
	s5 =	simm.s32 $0xFFFFFFFF;
	p2 =	slt.u32 s8, $0xFFFFF086  }
0x1c: {  	p1 =	slt.u32 s9, $0xF7A;
	s5 =	simm.s32 @!p2 $0x0  }
0x1d: {  	s5 =	simm.s32 @p1 $0x1;
	p0 =	seq.s32 s7, s2  }
0x1e: {  	s7 =	smul.u32 @!p0 $0xF7A, s2;
	p2 =	seq.s32 @!p0 s5, $0x0  }
0x1f: {  	s9 =	smul.u32 $0xF7A, s1;
	s8 =	simm.s32 @!p0 $0x1BF5;
	p2 =	por !p2, p0  }
0x20: {  	[sflag:s8] =	ssyncset.s32 @!p0 $0xFFFFF086;
	s6 =	sadd.s32 @!p0 s3, s7;
	s7 =	simm.s32 @!p0 $0x108  }
0x21: {  	s3 =	sadd.s32 s3, s9;
	s6 =	sadd.s32 @!p0 $0x88, s6;
	s7 =	simm.s32 @p2 $0x1082  }
0x22: {  	[simem:s7], [sflag:s8] =	dma.local @!p0 [hbm:s6], $0xF7A  }
0x23: {  	s9 =	sor.u32 $0xD0000000, s2;
	s6 =	simm.s32 $0x108;
	_ =	swait.ge @!p0 [sflag:s8], $0x0  }
0x24: {  	s3 =	sadd.s32 $0x88, s3;
	s6 =	simm.s32 @!p1 $0x1082;
	[sflag:s4] =	ssyncset.s32 $0xFFFFF086  }
0x25: {  	[simem:s6], [sflag:s4] =	dma.local [hbm:s3], $0xF7A  }
0x26: {  	[smem:$0x3F9C] =	sst s1;
	(tag) =	ssettag s2;
	_ =	strace s9  }
0x27: {  	s1 =	sld [smem:$0x3FAC]  }
0x28: {  	s2 =	sld [smem:$0x3FAD]  }
0x29: {  	s4 =	sld [smem:$0x3FAF]  }
0x2a: {  	p0 =	seq.s32 s5, $0x0;
	s5 =	sld [smem:$0x3FB0]  }
0x2b: {  	s6 =	sld [smem:$0x3FB1]  }
0x2c: {  	s7 =	sld [smem:$0x3FB2]  }
0x2d: {  	s3 =	simm.s32 $0x108;
	s8 =	sld [smem:$0x3FB3]  }
0x2e: {  	s3 =	simm.s32 @!p0 $0x1082;
	s9 =	sld [smem:$0x3FB4]  }
0x2f: {  	lr =	sadd.s32 s0, s3;
	s0 =	sld [smem:$0x3FAB]  }
0x30: {  	s3 =	sld [smem:$0x3FAE]  }
0x31: {  	[smem:$0x3FB7] =	sst s10  }
0x32: {  	s10 =	sld [smem:$0x3FB5];
	_ =	sdelay $0x3  }
0x33: {  	p0 =	seq.s32 s10, $0x1;
	s10 =	sld [smem:$0x3FB7];
	_ =	sdelay $0x3  }
0x34: {  	[smem:$0x3FB7] =	sst s10  }
0x35: {  	s10 =	sld [smem:$0x3FB6];
	_ =	sdelay $0x3  }
0x36: {  	p1 =	seq.s32 s10, $0x1;
	s10 =	sld [smem:$0x3FB7];
	_ =	sdelay $0x3  }
0x37: {  	[smem:$0x3FB7] =	sst s10  }
0x38: {  	s10 =	sld [smem:$0x3FB8]  }
0x39: {  	_ = 	snop;
	(pc) =	sbr.ind lr, $3  }
0x3a: {  	_ = 	snop  }
0x3b: {  	_ = 	snop  }
0x3c: {  	p2 =	seq.s32 s10, $0x1;
	s10 =	sld [smem:$0x3FB7]  }
0x3d: {  	_ =	shalt  }
0x3e: {  	_ =	shalt  }
0x3f: {  	_ =	shalt  }
0x40: {  	_ =	shalt  }
0x41: {  	_ =	shalt  }
0x42: {  	_ =	shalt  }
0x43: {  	_ =	shalt  }
0x44: {  	_ =	shalt  }
0x45: {  	_ =	shalt  }
0x46: {  	_ =	shalt  }
0x47: {  	_ =	shalt  }
0x48: {  	_ =	shalt  }
0x49: {  	_ =	shalt  }
0x4a: {  	_ =	shalt  }
0x4b: {  	_ =	shalt  }
0x4c: {  	_ =	shalt  }
0x4d: {  	_ =	shalt  }
0x4e: {  	_ =	shalt  }
0x4f: {  	_ =	shalt  }
0x50: {  	_ =	shalt  }
0x51: {  	_ =	shalt  }
0x52: {  	_ =	shalt  }
0x53: {  	_ =	shalt  }
0x54: {  	_ =	shalt  }
0x55: {  	_ =	shalt  }
0x56: {  	_ =	shalt  }
0x57: {  	_ =	shalt  }
0x58: {  	_ =	shalt  }
0x59: {  	_ =	shalt  }
0x5a: {  	_ =	shalt  }
0x5b: {  	_ =	shalt  }
0x5c: {  	_ =	shalt  }
0x5d: {  	_ =	shalt  }
0x5e: {  	_ =	shalt  }
0x5f: {  	_ =	shalt  }
0x60: {  	_ =	shalt  }
0x61: {  	_ =	shalt  }
0x62: {  	_ =	shalt  }
0x63: {  	_ =	shalt  }
0x64: {  	_ =	shalt  }
0x65: {  	_ =	shalt  }
0x66: {  	_ =	shalt  }
0x67: {  	_ =	shalt  }
0x68: {  	_ =	shalt  }
0x69: {  	_ =	shalt  }
0x6a: {  	_ =	shalt  }
0x6b: {  	_ =	shalt  }
0x6c: {  	_ =	shalt  }
0x6d: {  	_ =	shalt  }
0x6e: {  	_ =	shalt  }
0x6f: {  	_ =	shalt  }
0x70: {  	_ =	shalt  }
0x71: {  	_ =	shalt  }
0x72: {  	_ =	shalt  }
0x73: {  	_ =	shalt  }
0x74: {  	_ =	shalt  }
0x75: {  	_ =	shalt  }
0x76: {  	_ =	shalt  }
0x77: {  	_ =	shalt  }
0x78: {  	_ =	shalt  }
0x79: {  	_ =	shalt  }
0x7a: {  	_ =	shalt  }
0x7b: {  	_ =	shalt  }
0x7c: {  	_ =	shalt  }
0x7d: {  	_ =	shalt  }
0x7e: {  	_ =	shalt  }
0x7f: {  	_ =	shalt  }
0x80: {  	_ =	shalt  }
0x81: {  	_ =	shalt  }
0x82: {  	_ =	shalt  }
0x83: {  	_ =	shalt  }
0x84: {  	_ =	shalt  }
0x85: {  	_ =	shalt  }
0x86: {  	_ =	shalt  }
0x87: {  	_ =	shalt  }
.Lfunc_end0:
.L_simem_size_0:
called_computation.4_lowered:
.L_overlay_start_0:
0x88: {  	s2 =	sld [smem:$0x3FD9]  }
0x89: {  	s3 =	sld [smem:$0x3FFE];
	_ =	sdelay $0x1  }
0x8a: {  	s1 =	srdreg.scid  }
0x8b: {  	s0 =	sand.u32 $0x1, s1  }
0x8c: {  	s17 =	sshll.u32 s0, $0xA;
	s2 =	sadd.s32 s3, s2  }
0x8d: {  	s2 =	sadd.s32 s2, s17  }
0x8e: {  	[smem:$0x3FC3] =	sst s2  }
0x8f: {  	_ = 	snop  }
0x90: {  	s2 =	sld [smem:$0x3FD0];
	(tm) =	ssettm $0x1  }
0x91: {  	s18 =	sld [smem:$0x3FFB];
	_ =	sdelay $0x3  }
0x92: {  	_ =	strace s18  }
0x93: {  	s3 =	sld [smem:$0x3FFC];
	_ =	sdelay $0x3  }
0x94: {  	_ =	strace s3  }
0x95: {  	s3 =	sld [smem:$0x3FFD];
	_ =	sdelay $0x3  }
0x96: {  	_ =	strace s3  }
0x97: {  	_ =	strace $0x8FFFFFFF  }
0x98: {  	s19 =	sld [smem:$0x3FDB];
	_ =	sdelay $0x1  }
0x99: {  	s4 =	simm.s32 $_scs_section_size  }
0x9a: {  	s5 =	simm.s32 $_size__tile_overlayer_lowered;
	s6 =	simm.s32 $_tile_overlayer_lowered  }
0x9b: {  	s22 =	simm.s32 $0x1BFF;
	s21 =	sshll.u32 s6, $0x1;
	s3 =	sadd.s32 s4, s19  }
0x9c: {  	s7 =	simm.s32 $0x0;
	s20 =	sshll.u32 s5, $0x1;
	s5 =	sadd.s32 s21, s3  }
0x9d: {  	[timem:s7], [sflag:s22] =	dma.local [hbm:s5], s20  }
0x9e: {  	_ =	swait.ge [sflag:s22], s20  }
0x9f: {  	s4 =	ssub.s32 $0x0, s20;
	[sflag:s22] =	ssyncset.done $0x0  }
0xa0: {  	[sflag:s22] =	ssyncadd.s32 s4;
	_ =	sdelay $0x1  }
0xa1: {  	s23 =	simm.s32 $0x1B8B  }
0xa2: {  	_ =	swait.ge [sflag:s23], $0x1  }
0xa3: {  	[sflag:s23] =	ssyncset.done $0x0  }
0xa4: {  	s25 =	simm.s32 $0x1B8E;
	s24 =	sld [smem:$0x3FFE];
	[sflag:s23] =	ssyncadd.s32 $0xFFFFFFFF  }
0xa5: {  	s26 =	simm.s32 $execute0_lowered;
	[smem:$0x3FD2] =	sst s25  }
0xa6: {  	s5 =	sshll.u32 s26, $0x1;
	_ =	strace $0x80000052;
	[dreg:$0x1] =	wrdreg $0xFFFFFFFF  }
0xa7: {  	s28 =	simm.s32 $_size_execute0_lowered;
	s3 =	sadd.s32 s3, s5;
	[dreg:$0x0] =	wrdreg $0x0  }
0xa8: {  	s5 =	sshll.u32 s28, $0x1;
	[dreg:$0x2] =	wrdreg s3  }
0xa9: {  	[dreg:$0x3] =	wrdreg s5  }
0xaa: {  	[dreg:$0x4] =	wrdreg $0xC0  }
0xab: {  	_ =	task [dreg:s7], $0x5FFFF  }
0xac: {  	[dreg:$0x1] =	wrdreg $0xFFFFFFFF  }
0xad: {  	[dreg:$0x0] =	wrdreg $0x60  }
0xae: {  	[dreg:$0x2] =	wrdreg s24  }
0xaf: {  	[dreg:$0x3] =	wrdreg s2  }
0xb0: {  	[dreg:$0x4] =	wrdreg $0x73A00  }
0xb1: {  	[dreg:$0x5] =	wrdreg $0x9  }
0xb2: {  	_ =	task.clear_ibuf [dreg:s7], $0x6FFFF;
	_ =	strace $0x90000052  }
0xb3: {  	s29 =	simm.s32 $0x9;
	_ =	strace $0x80000054  }
0xb4: {  	_ =	swait.ge [sflag:s29], $0x1  }
0xb5: {  	[sflag:s29] =	ssyncadd.s32 $0xFFFFFFFF  }
0xb6: {  	_ =	strace $0x90000054  }
0xb7: {  	_ =	sfence  }
0xb8: {  	s30 =	sld [smem:$0x0];
	_ =	sdelay $0x2  }
0xb9: {  	s31 =	sshll.u32 s1, $0xD;
	s1 =	sshrl.u32 s1, $0x2  }
0xba: {  	s3 =	sand.u32 $0x4000, s31;
	s1 =	sadd.s32 s1, s30  }
0xbb: {  	s0 =	sor.u32 s3, s0;
	s1 =	sshll.u32 s1, $0x11  }
0xbc: {  	s0 =	sor.u32 s1, s0  }
0xbd: {  	s0 =	sadd.s32 $0x8F2B, s0  }
0xbe: {  	[sflag:s0] =	ssyncadd.remote.s32 $0x1  }
0xbf: {  	_ =	sfence.sel $0xFFFF  }
0xc0: {  	[dreg:$0x0] =	wrdreg $0xFFFFFFFF;
	(pc) =	sbr.abs _section_cstart, $3  }
0xc1: {  	[dreg:$0x1] =	wrdreg $0xFFFFFFFF  }
0xc2: {  	_ =	task.clear_ibuf [dreg:s7], $0x2FFFF;
	_ =	strace $0x9FFFFFFF  }
0xc3: {  	(tm) =	ssettm $0x7FFFFFFF  }
tec
execute0_lowered:
.L_overlay_start_1:
0x0: {  	(tag) =	ssettag $0x1  }
0x1: {  	s5 =	rddreg [dreg:$0x0]  }
0x2: {  	s14 =	rddreg [dreg:$0x1]  }
0x3: {  	s2 =	rddreg [dreg:$0x2]  }
0x4: {  	s0 =	rddreg [dreg:$0x3]  }
0x5: {  	s4 =	srdreg.scid;
	s1 =	stileid.u32  }
0x6: {  	s3 =	simm.s32 $0x0;
	s16 =	simm.s32 $0x2;
	s17 =	simm.s32 $0x80  }
0x7: {  	s18 =	simm.s32 $0x1A0;
	s19 =	simm.s32 $0x1;
	s7 =	smul.u32 $0xC40, s1  }
0x8: {  	s20 =	simm.s32 $0x100;
	s22 =	simm.s32 $0x50;
	s8 =	smul.u32 $0x62000, s1  }
0x9: {  	s23 =	simm.s32 $0x0;
	s6 =	sand.u32 $0x1, s4;
	s10 =	smul.u32 $0xC350, s1  }
0xa: {  	[smem:$0x7FF] =	sst s3;
	s4 =	sadd.s32 $0x1A2C00, s5;
	s15 =	smul.u32 $0x186A, s1  }
0xb: {  	s13 =	sadd.s32 $0x2400, s5;
	s21 =	smul.u32 $0xC400, s6;
	s6 =	ssub.s32 $0x2, s6  }
0xc: {  	_ =	strace $0x80000053;
	s9 =	sshrl.u32 s6, $0x1;
	s8 =	sshrl.u32 s8, $0x2  }
0xd: {  	s31 =	sshrl.u32 s10, $0x3;
	s7 =	sadd.s32 s7, s21;
	s12 =	ssub.s32 s6, s9  }
0xe: {  	s10 =	sadd.s32 $0x1860, s31;
	v0 =	vmov s21;
	s21 =	simm.s32 $0x150;
	s7 =	sshll.u32 s7, $0x2  }
0xf: {  	s9 =	sadd.s32 s14, s10;
	s10 =	sadd.s32 s13, s10;
	s12 =	smax.u32 s12, $0x1  }
0x10: {  	s13 =	sadd.s32 s15, s13;
	s11 =	sadd.s32 s7, s5;
	s5 =	sadd.s32 s8, s2  }
0x11: {  	s14 =	sadd.s32 s15, s14;
	s15 =	simm.s32 $0x11A0;
	s6 =	sadd.s32 $0x6200, s5  }
0x12: {  	v1 =	vimm.f32 $0.0e+00;
	s7 =	sadd.s32 $0xC400, s5;
	s8 =	sadd.s32 $0x12600, s5;
	s11 =	sadd.s32 $0x204C00, s11  }
.LBB2_1:
0x13: {  	s24 =	simm.s32 $0x80;
	s25 =	simm.s32 $0x0  }
.LBB2_2:
0x14: {  	p0 =	sne.s32 s24, $0x18780;
	[tilespmem:s25+$0x11A0] =	vst v1;
	s26 =	smov.u32 s24;
	s24 =	sadd.s32 $0x80, s24  }
.Ltmp0:
0x15: {  	[tilespmem:s25+$0x11B0] =	vst v1;
	(pc) =	sbr.rel @p0 .LBB2_2-.Ltmp0, $2  }
0x16: {  	_ =	sdelay $0x2  }
0x17: {  	s25 =	sshra.s32 s26, $0x2  }
0x18: {  	[tilespmem:s25+$0x11A0] =	vst v1  }
0x19: {  	[tilespmem:s25+$0x11B0] =	vst v1  }
0x1a: {  	[spmem:s5] =	stream.linear.scatter [tilespmem:s15], [sflag:$0x2], $0x6200, $0x38;
	[tilespmem:$0x1FBA0] =	vst v63  }
0x1b: {  	_ =	swait.ge [sflag:s16], $0x6200  }
0x1c: {  	[sflag:s16] =	ssyncset.done $0x0  }
0x1d: {  	[sflag:s16] =	ssyncadd.s32 $0xFFFF9E00  }
0x1e: {  	[spmem:s6] =	stream.linear.scatter [tilespmem:s15], [sflag:$0x2], $0x6200, $0x38;
	[tilespmem:$0x1FBA0] =	vst v63  }
0x1f: {  	_ =	swait.ge [sflag:s16], $0x6200  }
0x20: {  	[sflag:s16] =	ssyncset.done $0x0  }
0x21: {  	[sflag:s16] =	ssyncadd.s32 $0xFFFF9E00  }
0x22: {  	[spmem:s7] =	stream.linear.scatter [tilespmem:s15], [sflag:$0x2], $0x6200, $0x38;
	[tilespmem:$0x1FBA0] =	vst v63  }
0x23: {  	_ =	swait.ge [sflag:s16], $0x6200  }
0x24: {  	[sflag:s16] =	ssyncset.done $0x0  }
0x25: {  	[sflag:s16] =	ssyncadd.s32 $0xFFFF9E00  }
0x26: {  	[spmem:s8] =	stream.linear.scatter [tilespmem:s15], [sflag:$0x2], $0x6200, $0x38;
	[tilespmem:$0x1FBA0] =	vst v63  }
0x27: {  	_ =	swait.ge [sflag:s16], $0x6200  }
0x28: {  	[sflag:s16] =	ssyncset.done $0x0  }
0x29: {  	[sflag:s16] =	ssyncadd.s32 $0xFFFF9E00  }
0x2a: {  	s24 =	sadd.s32 $0x0, s14;
	[bflag:$0x0] =	sbarrier.arrive $0xFFFF  }
0x2b: {  	[tilespmem:s3], [sflag:$0x2] =	stream.linear.gather [hbm4b:s24+s3], $0x80, $0x38;
	[tilespmem:$0x1FBA0] =	vst v63  }
0x2c: {  	_ =	swait.ge [sflag:s16], $0x80  }
0x2d: {  	[sflag:s16] =	ssyncset.done $0x0  }
0x2e: {  	s31 =	sadd.s32 $0x0, s13;
	[sflag:s16] =	ssyncadd.s32 $0xFFFFFF80  }
0x2f: {  	[tilespmem:s17], [sflag:$0x2] =	stream.linear.gather [hbm4b:s31+s3], $0x80, $0x38;
	[tilespmem:$0x1FBA0] =	vst v63  }
0x30: {  	_ =	swait.ge [sflag:s16], $0x80  }
0x31: {  	[sflag:s16] =	ssyncset.done $0x0  }
0x32: {  	[sflag:s16] =	ssyncadd.s32 $0xFFFFFF80  }
0x33: {  	v2 =	vld [tilespmem:$0x70]  }
0x34: {  	v3 =	vld [tilespmem:$0x30]  }
0x35: {  	v6 =	vld [tilespmem:$0x20]  }
0x36: {  	v4 =	vld [tilespmem:$0x50]  }
0x37: {  	v5 =	vld [tilespmem:$0x60]  }
0x38: {  	v7 =	vld [tilespmem:$0x10];
	v2 =	vadd.s32 v0, v2  }
0x39: {  	v8 =	vld [tilespmem:$0x40];
	v3 =	vadd.s32 v0, v3;
	[tilespmem:$0x70] =	vst v2  }
0x3a: {  	v63 =	vadd.s32 v0, v6;
	v2 =	vld [tilespmem:$0x0];
	[tilespmem:$0x30] =	vst v3  }
0x3b: {  	v3 =	vadd.s32 v0, v4;
	[tilespmem:$0x20] =	vst v63  }
0x3c: {  	[tilespmem:$0x50] =	vst v3;
	v3 =	vadd.s32 v0, v5  }
0x3d: {  	[tilespmem:$0x60] =	vst v3;
	v3 =	vadd.s32 v0, v7  }
0x3e: {  	[tilespmem:$0x10] =	vst v3;
	v3 =	vadd.s32 v0, v8  }
0x3f: {  	[tilespmem:$0x40] =	vst v3;
	v2 =	vadd.s32 v0, v2  }
0x40: {  	s24 =	simm.s32 $0x10;
	[tilespmem:$0x0] =	vst v2  }
.LBB2_4:
0x41: {  	[tilespmem:s18], [sflag:$0x1] =	stream.indirect.gather [hbm4b:s4+s17], $0x20, s3, s17, $0xb8;
	[tilespmem:$0x1FBA0] =	vst v63  }
0x42: {  	s25 =	smov.u32 s24  }
0x43: {  	p0 =	sne.s32 s24, $0x1850;
	s24 =	sadd.s32 $0x10, s24;
	_ =	swait.ge [sflag:s19], $0x1000  }
0x44: {  	[sflag:s19] =	ssyncset.done $0x0  }
0x45: {  	[sflag:s19] =	ssyncadd.s32 $0xFFFFF000  }
0x46: {  	[spmem:s2] =	stream.indirect.scatter.add.f32 [tilespmem:s18], [sflag:$0x2], $0x20, s17, s17, $0xb8;
	[tilespmem:$0x1FBA0] =	vst v63  }
0x47: {  	_ =	swait.ge [sflag:s16], $0x1000  }
0x48: {  	[sflag:s16] =	ssyncset.done $0x0  }
0x49: {  	s26 =	sadd.s32 s25, s14;
	[sflag:s16] =	ssyncadd.s32 $0xFFFFF000  }
0x4a: {  	[tilespmem:s3], [sflag:$0x2] =	stream.linear.gather [hbm4b:s26+s3], $0x80, $0x38;
	[tilespmem:$0x1FBA0] =	vst v63  }
0x4b: {  	_ =	swait.ge [sflag:s16], $0x80  }
0x4c: {  	[sflag:s16] =	ssyncset.done $0x0  }
0x4d: {  	s25 =	sadd.s32 s25, s13;
	[sflag:s16] =	ssyncadd.s32 $0xFFFFFF80  }
0x4e: {  	[tilespmem:s17], [sflag:$0x2] =	stream.linear.gather [hbm4b:s25+s3], $0x80, $0x38;
	[tilespmem:$0x1FBA0] =	vst v63  }
0x4f: {  	_ =	swait.ge [sflag:s16], $0x80  }
0x50: {  	[sflag:s16] =	ssyncset.done $0x0  }
0x51: {  	[sflag:s16] =	ssyncadd.s32 $0xFFFFFF80  }
0x52: {  	v2 =	vld [tilespmem:$0x70]  }
0x53: {  	v3 =	vld [tilespmem:$0x30]  }
0x54: {  	v4 =	vld [tilespmem:$0x50]  }
0x55: {  	v5 =	vld [tilespmem:$0x60]  }
0x56: {  	v6 =	vld [tilespmem:$0x20]  }
0x57: {  	v7 =	vld [tilespmem:$0x10];
	v2 =	vadd.s32 v0, v2  }
0x58: {  	v3 =	vadd.s32 v0, v3;
	v8 =	vld [tilespmem:$0x40];
	[tilespmem:$0x70] =	vst v2  }
0x59: {  	v2 =	vld [tilespmem:$0x0];
	[tilespmem:$0x30] =	vst v3;
	v3 =	vadd.s32 v0, v4  }
0x5a: {  	[tilespmem:$0x50] =	vst v3;
	v3 =	vadd.s32 v0, v5  }
.Ltmp1:
0x5b: {  	v4 =	vadd.s32 v0, v6;
	[tilespmem:$0x60] =	vst v3;
	(pc) =	sbr.rel @p0 .LBB2_4-.Ltmp1, $4  }
0x5c: {  	v3 =	vadd.s32 v0, v7;
	[tilespmem:$0x20] =	vst v4  }
0x5d: {  	[tilespmem:$0x10] =	vst v3;
	v3 =	vadd.s32 v0, v8  }
0x5e: {  	v2 =	vadd.s32 v0, v2;
	[tilespmem:$0x40] =	vst v3  }
0x5f: {  	[tilespmem:$0x0] =	vst v2  }
0x60: {  	[tilespmem:s18], [sflag:$0x1] =	stream.indirect.gather [hbm4b:s4+s17], $0x20, s3, s17, $0xb8;
	[tilespmem:$0x1FBA0] =	vst v63  }
0x61: {  	_ =	swait.ge [sflag:s19], $0x1000  }
0x62: {  	[sflag:s19] =	ssyncset.done $0x0  }
0x63: {  	[sflag:s19] =	ssyncadd.s32 $0xFFFFF000  }
0x64: {  	[spmem:s2] =	stream.indirect.scatter.add.f32 [tilespmem:s18], [sflag:$0x2], $0x20, s17, s17, $0xb8;
	[tilespmem:$0x1FBA0] =	vst v63  }
0x65: {  	_ =	swait.ge [sflag:s16], $0x1000  }
0x66: {  	[sflag:s16] =	ssyncset.done $0x0  }
0x67: {  	[sflag:s16] =	ssyncadd.s32 $0xFFFFF000  }
0x68: {  	[tilespmem:s20], [sflag:$0x2] =	stream.linear.gather [hbm4b:s9+s3], $0x50, $0x38;
	[tilespmem:$0x1FBA0] =	vst v63  }
0x69: {  	_ =	swait.ge [sflag:s16], $0x50  }
0x6a: {  	[sflag:s16] =	ssyncset.done $0x0  }
0x6b: {  	[sflag:s16] =	ssyncadd.s32 $0xFFFFFFB0  }
0x6c: {  	[tilespmem:s21], [sflag:$0x2] =	stream.linear.gather [hbm4b:s10+s3], $0x50, $0x38;
	[tilespmem:$0x1FBA0] =	vst v63  }
0x6d: {  	_ =	swait.ge [sflag:s16], $0x50  }
0x6e: {  	[sflag:s16] =	ssyncset.done $0x0  }
0x6f: {  	[sflag:s16] =	ssyncadd.s32 $0xFFFFFFB0  }
0x70: {  	v2 =	vld [tilespmem:$0x100]  }
0x71: {  	v3 =	vld [tilespmem:$0x110]  }
0x72: {  	v4 =	vld [tilespmem:$0x120]  }
0x73: {  	v5 =	vld [tilespmem:$0x130]  }
0x74: {  	v6 =	vld [tilespmem:$0x140]  }
0x75: {  	v2 =	vadd.s32 v0, v2  }
0x76: {  	[tilespmem:$0x100] =	vst v2;
	v2 =	vadd.s32 v0, v3  }
0x77: {  	[tilespmem:$0x110] =	vst v2;
	v2 =	vadd.s32 v0, v4  }
0x78: {  	[tilespmem:$0x120] =	vst v2;
	v2 =	vadd.s32 v0, v5  }
0x79: {  	[tilespmem:$0x130] =	vst v2;
	v2 =	vadd.s32 v0, v6  }
0x7a: {  	[tilespmem:$0x140] =	vst v2  }
0x7b: {  	[tilespmem:s18], [sflag:$0x1] =	stream.indirect.gather [hbm4b:s4+s22], $0x20, s20, s22, $0xb8;
	[tilespmem:$0x1FBA0] =	vst v63  }
0x7c: {  	_ =	swait.ge [sflag:s19], $0xA00  }
0x7d: {  	[sflag:s19] =	ssyncset.done $0x0  }
0x7e: {  	[sflag:s19] =	ssyncadd.s32 $0xFFFFF600  }
0x7f: {  	[spmem:s2] =	stream.indirect.scatter.add.f32 [tilespmem:s18], [sflag:$0x2], $0x20, s21, s22, $0xb8;
	[tilespmem:$0x1FBA0] =	vst v63  }
0x80: {  	_ =	swait.ge [sflag:s16], $0xA00  }
0x81: {  	s24 =	sshll.u32 s1, $0x6;
	s23 =	sadd.s32 $0x1, s23;
	[sflag:s16] =	ssyncset.done $0x0  }
0x82: {  	s25 =	sshrl.u32 s5, $0x3;
	p0 =	sne.s32 s23, s12;
	[sflag:s16] =	ssyncadd.s32 $0xFFFFF600  }
.Ltmp2:
0x83: {  	s24 =	sor.u32 $0x1C02, s24;
	[bflag:$0x0] =	sbarrier.arrive $0xFFFF;
	(pc) =	sbr.rel @p0 .LBB2_1-.Ltmp2, $4  }
0x84: {  	[hbm:s11], [sflag:s24] =	dma.local [spmem:s25], $0x3100  }
0x85: {  	_ =	swait.ge [sflag:s16], $0x3100  }
0x86: {  	[sflag:s16] =	ssyncset.done $0x0  }
0x87: {  	[sflag:s16] =	ssyncadd.s32 $0xFFFFCF00  }
0x88: {  	_ =	sfence.sel $0x180000  }
0x89: {  	[bflag:$0x0] =	sbarrier.arrive $0xFFFF  }
0x8a: {  	p0 =	sne.s32 s1, $0x0;
	_ =	strace $0x90000053  }
0x8b: {  	s0 =	sadd.s32 @!p0 $0x100000, s0;
	[bflag:$0x2] =	sbarrier.arrive $0xFFFF  }
0x8c: {  	[sflag:s0] =	ssyncadd.tile.s32 @!p0 $0x1;
	_ =	shalt  }
.Lfunc_end2:
_tile_overlayer_lowered:
.L_overlay_start_2:
0x8d: {  	(tag) =	ssettag $0x2  }
0x8e: {  	s0 =	rddreg [dreg:$0x0];
	s2 =	stileid.u32  }
0x8f: {  	s1 =	rddreg [dreg:$0x1];
	p0 =	sne.s32 s2, $0x0  }
0x90: {  	s3 =	rddreg [dreg:$0x2];
	[bflag:$0x3] =	sbarrier.arrive $0xFFFF;
	s2 =	simm.s32 @!p0 $0x1C02  }
0x91: {  	[timem:s3], [sflag:s2] =	dma.local @!p0 [hbm:s0], s1  }
0x92: {  	s0 =	simm.s32 @!p0 $0x2  }
0x93: {  	_ =	swait.ge @!p0 [sflag:s0], s1  }
0x94: {  	s1 =	ssub.s32 @!p0 $0x0, s1;
	[sflag:s0] =	ssyncset.done @!p0 $0x0  }
0x95: {  	[sflag:s0] =	ssyncadd.s32 @!p0 s1  }
0x96: {  	[bflag:$0x3] =	sbarrier.arrive $0xFFFF  }
0x97: {  	_ =	shalt  }

// kernel: kernel.7.cloned.1.call-start
scs
__scs_entry_jumppad:
0x0: {  	(pc) =	sbr.rel $0x88, $3  }
0x1: {  	(tag) =	ssettag $0x0;
	lr =	simm.s32 $0x1  }
0x2: {  	[smem:$0x3F9C] =	sst lr;
	_ =	strace $0xD0000000  }
0x3: {  	_ = 	snop  }
0x4: {  	_ = 	snop  }
0x5: {  	_ = 	snop  }
0x6: {  	_ = 	snop  }
0x7: {  	_ = 	snop  }
__scs_overlays_trampoline_lowered:
0x8: {  	[smem:$0x3FAB] =	sst s0  }
0x9: {  	[smem:$0x3FAC] =	sst s1  }
0xa: {  	[smem:$0x3FAD] =	sst s2  }
0xb: {  	[smem:$0x3FAE] =	sst s3  }
0xc: {  	[smem:$0x3FAF] =	sst s4  }
0xd: {  	[smem:$0x3FB0] =	sst s5  }
0xe: {  	[smem:$0x3FB1] =	sst s6  }
0xf: {  	[smem:$0x3FB2] =	sst s7  }
0x10: {  	[smem:$0x3FB3] =	sst s8  }
0x11: {  	[smem:$0x3FB4] =	sst s9;
	s0 =	simm.s32 @!p0 $0x0  }
0x12: {  	s1 =	sld [smem:$0x3F9A];
	s0 =	simm.s32 @p0 $0x1  }
0x13: {  	[smem:$0x3FB5] =	sst s0;
	s0 =	simm.s32 @!p1 $0x0  }
0x14: {  	s2 =	sld [smem:$0x3F99];
	s0 =	simm.s32 @p1 $0x1  }
0x15: {  	[smem:$0x3FB6] =	sst s0;
	s0 =	simm.s32 @!p2 $0x0  }
0x16: {  	s3 =	sld [smem:$0x3FDB];
	s0 =	simm.s32 @p2 $0x1  }
0x17: {  	s4 =	simm.s32 $0x1BF5;
	[smem:$0x3FB8] =	sst s0  }
0x18: {  	s0 =	sld [smem:$0x3F9B];
	_ =	swait.ge [sflag:s4], $0x0  }
0x19: {  	s7 =	sld [smem:$0x3F9C]  }
0x1a: {  	s8 =	sadd.s32 $0xFFFFE003, lr  }
0x1b: {  	s9 =	sadd.s32 $0xFFFFFEF7, lr;
	s5 =	simm.s32 $0xFFFFFFFF;
	p2 =	slt.u32 s8, $0xFFFFF086  }
0x1c: {  	p1 =	slt.u32 s9, $0xF7A;
	s5 =	simm.s32 @!p2 $0x0  }
0x1d: {  	s5 =	simm.s32 @p1 $0x1;
	p0 =	seq.s32 s7, s2  }
0x1e: {  	s7 =	smul.u32 @!p0 $0xF7A, s2;
	p2 =	seq.s32 @!p0 s5, $0x0  }
0x1f: {  	s9 =	smul.u32 $0xF7A, s1;
	s8 =	simm.s32 @!p0 $0x1BF5;
	p2 =	por !p2, p0  }
0x20: {  	[sflag:s8] =	ssyncset.s32 @!p0 $0xFFFFF086;
	s6 =	sadd.s32 @!p0 s3, s7;
	s7 =	simm.s32 @!p0 $0x108  }
0x21: {  	s3 =	sadd.s32 s3, s9;
	s6 =	sadd.s32 @!p0 $0x88, s6;
	s7 =	simm.s32 @p2 $0x1082  }
0x22: {  	[simem:s7], [sflag:s8] =	dma.local @!p0 [hbm:s6], $0xF7A  }
0x23: {  	s9 =	sor.u32 $0xD0000000, s2;
	s6 =	simm.s32 $0x108;
	_ =	swait.ge @!p0 [sflag:s8], $0x0  }
0x24: {  	s3 =	sadd.s32 $0x88, s3;
	s6 =	simm.s32 @!p1 $0x1082;
	[sflag:s4] =	ssyncset.s32 $0xFFFFF086  }
0x25: {  	[simem:s6], [sflag:s4] =	dma.local [hbm:s3], $0xF7A  }
0x26: {  	[smem:$0x3F9C] =	sst s1;
	(tag) =	ssettag s2;
	_ =	strace s9  }
0x27: {  	s1 =	sld [smem:$0x3FAC]  }
0x28: {  	s2 =	sld [smem:$0x3FAD]  }
0x29: {  	s4 =	sld [smem:$0x3FAF]  }
0x2a: {  	p0 =	seq.s32 s5, $0x0;
	s5 =	sld [smem:$0x3FB0]  }
0x2b: {  	s6 =	sld [smem:$0x3FB1]  }
0x2c: {  	s7 =	sld [smem:$0x3FB2]  }
0x2d: {  	s3 =	simm.s32 $0x108;
	s8 =	sld [smem:$0x3FB3]  }
0x2e: {  	s3 =	simm.s32 @!p0 $0x1082;
	s9 =	sld [smem:$0x3FB4]  }
0x2f: {  	lr =	sadd.s32 s0, s3;
	s0 =	sld [smem:$0x3FAB]  }
0x30: {  	s3 =	sld [smem:$0x3FAE]  }
0x31: {  	[smem:$0x3FB7] =	sst s10  }
0x32: {  	s10 =	sld [smem:$0x3FB5];
	_ =	sdelay $0x3  }
0x33: {  	p0 =	seq.s32 s10, $0x1;
	s10 =	sld [smem:$0x3FB7];
	_ =	sdelay $0x3  }
0x34: {  	[smem:$0x3FB7] =	sst s10  }
0x35: {  	s10 =	sld [smem:$0x3FB6];
	_ =	sdelay $0x3  }
0x36: {  	p1 =	seq.s32 s10, $0x1;
	s10 =	sld [smem:$0x3FB7];
	_ =	sdelay $0x3  }
0x37: {  	[smem:$0x3FB7] =	sst s10  }
0x38: {  	s10 =	sld [smem:$0x3FB8]  }
0x39: {  	_ = 	snop;
	(pc) =	sbr.ind lr, $3  }
0x3a: {  	_ = 	snop  }
0x3b: {  	_ = 	snop  }
0x3c: {  	p2 =	seq.s32 s10, $0x1;
	s10 =	sld [smem:$0x3FB7]  }
0x3d: {  	_ =	shalt  }
0x3e: {  	_ =	shalt  }
0x3f: {  	_ =	shalt  }
0x40: {  	_ =	shalt  }
0x41: {  	_ =	shalt  }
0x42: {  	_ =	shalt  }
0x43: {  	_ =	shalt  }
0x44: {  	_ =	shalt  }
0x45: {  	_ =	shalt  }
0x46: {  	_ =	shalt  }
0x47: {  	_ =	shalt  }
0x48: {  	_ =	shalt  }
0x49: {  	_ =	shalt  }
0x4a: {  	_ =	shalt  }
0x4b: {  	_ =	shalt  }
0x4c: {  	_ =	shalt  }
0x4d: {  	_ =	shalt  }
0x4e: {  	_ =	shalt  }
0x4f: {  	_ =	shalt  }
0x50: {  	_ =	shalt  }
0x51: {  	_ =	shalt  }
0x52: {  	_ =	shalt  }
0x53: {  	_ =	shalt  }
0x54: {  	_ =	shalt  }
0x55: {  	_ =	shalt  }
0x56: {  	_ =	shalt  }
0x57: {  	_ =	shalt  }
0x58: {  	_ =	shalt  }
0x59: {  	_ =	shalt  }
0x5a: {  	_ =	shalt  }
0x5b: {  	_ =	shalt  }
0x5c: {  	_ =	shalt  }
0x5d: {  	_ =	shalt  }
0x5e: {  	_ =	shalt  }
0x5f: {  	_ =	shalt  }
0x60: {  	_ =	shalt  }
0x61: {  	_ =	shalt  }
0x62: {  	_ =	shalt  }
0x63: {  	_ =	shalt  }
0x64: {  	_ =	shalt  }
0x65: {  	_ =	shalt  }
0x66: {  	_ =	shalt  }
0x67: {  	_ =	shalt  }
0x68: {  	_ =	shalt  }
0x69: {  	_ =	shalt  }
0x6a: {  	_ =	shalt  }
0x6b: {  	_ =	shalt  }
0x6c: {  	_ =	shalt  }
0x6d: {  	_ =	shalt  }
0x6e: {  	_ =	shalt  }
0x6f: {  	_ =	shalt  }
0x70: {  	_ =	shalt  }
0x71: {  	_ =	shalt  }
0x72: {  	_ =	shalt  }
0x73: {  	_ =	shalt  }
0x74: {  	_ =	shalt  }
0x75: {  	_ =	shalt  }
0x76: {  	_ =	shalt  }
0x77: {  	_ =	shalt  }
0x78: {  	_ =	shalt  }
0x79: {  	_ =	shalt  }
0x7a: {  	_ =	shalt  }
0x7b: {  	_ =	shalt  }
0x7c: {  	_ =	shalt  }
0x7d: {  	_ =	shalt  }
0x7e: {  	_ =	shalt  }
0x7f: {  	_ =	shalt  }
0x80: {  	_ =	shalt  }
0x81: {  	_ =	shalt  }
0x82: {  	_ =	shalt  }
0x83: {  	_ =	shalt  }
0x84: {  	_ =	shalt  }
0x85: {  	_ =	shalt  }
0x86: {  	_ =	shalt  }
0x87: {  	_ =	shalt  }
.Lfunc_end0:
.L_simem_size_0:
called_computation_lowered:
.L_overlay_start_0:
0x88: {  	s2 =	sld [smem:$0x3FD9]  }
0x89: {  	s3 =	sld [smem:$0x3FFE];
	_ =	sdelay $0x1  }
0x8a: {  	s1 =	srdreg.scid  }
0x8b: {  	s0 =	sand.u32 $0x1, s1  }
0x8c: {  	s17 =	sshll.u32 s0, $0xA;
	s2 =	sadd.s32 s3, s2  }
0x8d: {  	s2 =	sadd.s32 s2, s17  }
0x8e: {  	[smem:$0x3FC3] =	sst s2  }
0x8f: {  	_ = 	snop  }
0x90: {  	s18 =	sld [smem:$0x3FD0];
	(tm) =	ssettm $0x1  }
0x91: {  	s19 =	sld [smem:$0x3FFB];
	_ =	sdelay $0x3  }
0x92: {  	_ =	strace s19  }
0x93: {  	s2 =	sld [smem:$0x3FFC];
	_ =	sdelay $0x3  }
0x94: {  	_ =	strace s2  }
0x95: {  	s2 =	sld [smem:$0x3FFD];
	_ =	sdelay $0x3  }
0x96: {  	_ =	strace s2  }
0x97: {  	_ =	strace $0x8FFFFFFF  }
0x98: {  	s20 =	sld [smem:$0x3FDB];
	_ =	sdelay $0x1  }
0x99: {  	s4 =	simm.s32 $_scs_section_size  }
0x9a: {  	s5 =	simm.s32 $_size__tile_overlayer_lowered;
	s6 =	simm.s32 $_tile_overlayer_lowered  }
0x9b: {  	s7 =	simm.s32 $0x1BFF;
	s21 =	sshll.u32 s6, $0x1;
	s4 =	sadd.s32 s4, s20  }
0x9c: {  	s22 =	simm.s32 $0x0;
	s5 =	sshll.u32 s5, $0x1;
	s6 =	sadd.s32 s21, s4  }
0x9d: {  	[timem:s22], [sflag:s7] =	dma.local [hbm:s6], s5  }
0x9e: {  	_ =	swait.ge [sflag:s7], s5  }
0x9f: {  	s5 =	ssub.s32 $0x0, s5;
	[sflag:s7] =	ssyncset.done $0x0  }
0xa0: {  	[sflag:s7] =	ssyncadd.s32 s5;
	_ =	sdelay $0x1  }
0xa1: {  	s23 =	simm.s32 $0x1B8B  }
0xa2: {  	_ =	swait.ge [sflag:s23], $0x1  }
0xa3: {  	[sflag:s23] =	ssyncset.done $0x0  }
0xa4: {  	[sflag:s23] =	ssyncadd.s32 $0xFFFFFFFF  }
0xa5: {  	s5 =	sld [smem:$0x0]  }
0xa6: {  	s6 =	sand.u32 $0xFFFFFFFE, s1  }
0xa7: {  	p0 =	sne.s32 s1, s6  }
0xa8: {  	s6 =	sshll.u32 @p0 s6, $0xE  }
0xa9: {  	s6 =	sadd.s32 @p0 $0x11B8D, s6;
	s7 =	sshll.u32 @p0 s5, $0x11  }
0xaa: {  	s6 =	sor.u32 @p0 s7, s6  }
0xab: {  	[sflag:s6] =	ssyncadd.remote.s32 @p0 $0x1;
	_ =	sdelay $0x1  }
0xac: {  	s6 =	simm.s32 @p0 $0x1B8D  }
0xad: {  	_ =	swait.eq @p0 [sflag:s6], $0x1  }
0xae: {  	[sflag:s6] =	ssyncadd.s32 @p0 $0xFFFFFFFF  }
0xaf: {  	s7 =	sshll.u32 @!p0 s1, $0xE  }
0xb0: {  	s7 =	sor.u32 @!p0 $0x4000, s7;
	s6 =	simm.s32 @!p0 $0x1B8D  }
0xb1: {  	s5 =	sshll.u32 @!p0 s5, $0x11;
	s7 =	sadd.s32 @!p0 $0x11B8D, s7;
	_ =	swait.eq @!p0 [sflag:s6], $0x1  }
0xb2: {  	s5 =	sor.u32 @!p0 s5, s7;
	[sflag:s6] =	ssyncadd.s32 @!p0 $0xFFFFFFFF  }
0xb3: {  	s25 =	simm.s32 $0x1B8E;
	s24 =	sld [smem:$0x3FFE];
	[sflag:s5] =	ssyncadd.remote.s32 @!p0 $0x1  }
0xb4: {  	s26 =	simm.s32 $execute0_lowered;
	[smem:$0x3FD2] =	sst s25  }
0xb5: {  	s6 =	sshll.u32 s26, $0x1;
	_ =	strace $0x80000049;
	[dreg:$0x1] =	wrdreg $0xFFFFFFFF  }
0xb6: {  	s28 =	simm.s32 $_size_execute0_lowered;
	s4 =	sadd.s32 s4, s6;
	[dreg:$0x0] =	wrdreg $0x0  }
0xb7: {  	s6 =	sshll.u32 s28, $0x1;
	[dreg:$0x2] =	wrdreg s4  }
0xb8: {  	[dreg:$0x3] =	wrdreg s6  }
0xb9: {  	[dreg:$0x4] =	wrdreg $0xC0  }
0xba: {  	_ =	task [dreg:s22], $0x5FFFF  }
0xbb: {  	[dreg:$0x1] =	wrdreg $0xFFFFFFFF  }
0xbc: {  	[dreg:$0x0] =	wrdreg $0x60  }
0xbd: {  	[dreg:$0x2] =	wrdreg s24  }
0xbe: {  	[dreg:$0x3] =	wrdreg s18  }
0xbf: {  	[dreg:$0x4] =	wrdreg $0x73A00  }
0xc0: {  	[dreg:$0x5] =	wrdreg $0x9  }
0xc1: {  	_ =	task.clear_ibuf [dreg:s22], $0x6FFFF;
	_ =	strace $0x90000049  }
0xc2: {  	s29 =	simm.s32 $0x9;
	_ =	strace $0x8000004B  }
0xc3: {  	_ =	swait.ge [sflag:s29], $0x1  }
0xc4: {  	[sflag:s29] =	ssyncadd.s32 $0xFFFFFFFF  }
0xc5: {  	_ =	strace $0x9000004B  }
0xc6: {  	_ =	sfence  }
0xc7: {  	s30 =	sld [smem:$0x0];
	_ =	sdelay $0x2  }
0xc8: {  	s31 =	sshll.u32 s1, $0xD;
	s1 =	sshrl.u32 s1, $0x2  }
0xc9: {  	s4 =	sand.u32 $0x4000, s31;
	s1 =	sadd.s32 s1, s30  }
0xca: {  	s0 =	sor.u32 s4, s0;
	s1 =	sshll.u32 s1, $0x11  }
0xcb: {  	s0 =	sor.u32 s1, s0  }
0xcc: {  	s0 =	sadd.s32 $0x8F2B, s0  }
0xcd: {  	[sflag:s0] =	ssyncadd.remote.s32 $0x1  }
0xce: {  	_ =	sfence.sel $0xFFFF  }
0xcf: {  	[dreg:$0x0] =	wrdreg $0xFFFFFFFF;
	(pc) =	sbr.abs _section_cstart, $3  }
0xd0: {  	[dreg:$0x1] =	wrdreg $0xFFFFFFFF  }
0xd1: {  	_ =	task.clear_ibuf [dreg:s22], $0x2FFFF;
	_ =	strace $0x9FFFFFFF  }
0xd2: {  	(tm) =	ssettm $0x7FFFFFFF  }
0xd3: {  	_ =	shalt  }
tec
execute0_lowered:
.L_overlay_start_1:
0x0: {  	(tag) =	ssettag $0x1  }
0x1: {  	s5 =	rddreg [dreg:$0x0]  }
0x2: {  	s14 =	rddreg [dreg:$0x1]  }
0x3: {  	s2 =	rddreg [dreg:$0x2]  }
0x4: {  	s0 =	rddreg [dreg:$0x3]  }
0x5: {  	s4 =	srdreg.scid;
	s1 =	stileid.u32  }
0x6: {  	s3 =	simm.s32 $0x0;
	s16 =	simm.s32 $0x2;
	s17 =	simm.s32 $0x80  }
0x7: {  	s18 =	simm.s32 $0x1A0;
	s19 =	simm.s32 $0x1;
	s7 =	smul.u32 $0xC40, s1  }
0x8: {  	s20 =	simm.s32 $0x100;
	s22 =	simm.s32 $0x50;
	s8 =	smul.u32 $0x62000, s1  }
0x9: {  	s23 =	simm.s32 $0x0;
	s6 =	sand.u32 $0x1, s4;
	s10 =	smul.u32 $0xC350, s1  }
0xa: {  	[smem:$0x7FF] =	sst s3;
	s4 =	sadd.s32 $0x1AC00, s5;
	s15 =	smul.u32 $0x186A, s1  }
0xb: {  	s13 =	sadd.s32 $0x2400, s5;
	s21 =	smul.u32 $0xC400, s6;
	s6 =	ssub.s32 $0x2, s6  }
0xc: {  	_ =	strace $0x8000004A;
	s9 =	sshrl.u32 s6, $0x1;
	s8 =	sshrl.u32 s8, $0x2  }
0xd: {  	s31 =	sshrl.u32 s10, $0x3;
	s7 =	sadd.s32 s7, s21;
	s12 =	ssub.s32 s6, s9  }
0xe: {  	s10 =	sadd.s32 $0x1860, s31;
	v0 =	vmov s21;
	s21 =	simm.s32 $0x150;
	s7 =	sshll.u32 s7, $0x2  }
0xf: {  	s9 =	sadd.s32 s14, s10;
	s10 =	sadd.s32 s13, s10;
	s12 =	smax.u32 s12, $0x1  }
0x10: {  	s13 =	sadd.s32 s15, s13;
	s11 =	sadd.s32 s7, s5;
	s5 =	sadd.s32 s8, s2  }
0x11: {  	s14 =	sadd.s32 s15, s14;
	s15 =	simm.s32 $0x11A0;
	s6 =	sadd.s32 $0x6200, s5  }
0x12: {  	v1 =	vimm.f32 $0.0e+00;
	s7 =	sadd.s32 $0xC400, s5;
	s8 =	sadd.s32 $0x12600, s5;
	s11 =	sadd.s32 $0xDEC00, s11  }
.LBB2_1:
0x13: {  	s24 =	simm.s32 $0x80;
	s25 =	simm.s32 $0x0  }
.LBB2_2:
0x14: {  	p0 =	sne.s32 s24, $0x18780;
	[tilespmem:s25+$0x11A0] =	vst v1;
	s26 =	smov.u32 s24;
	s24 =	sadd.s32 $0x80, s24  }
.Ltmp0:
0x15: {  	[tilespmem:s25+$0x11B0] =	vst v1;
	(pc) =	sbr.rel @p0 .LBB2_2-.Ltmp0, $2  }
0x16: {  	_ =	sdelay $0x2  }
0x17: {  	s25 =	sshra.s32 s26, $0x2  }
0x18: {  	[tilespmem:s25+$0x11A0] =	vst v1  }
0x19: {  	[tilespmem:s25+$0x11B0] =	vst v1  }
0x1a: {  	[spmem:s5] =	stream.linear.scatter [tilespmem:s15], [sflag:$0x2], $0x6200, $0x38;
	[tilespmem:$0x1FBA0] =	vst v63  }
0x1b: {  	_ =	swait.ge [sflag:s16], $0x6200  }
0x1c: {  	[sflag:s16] =	ssyncset.done $0x0  }
0x1d: {  	[sflag:s16] =	ssyncadd.s32 $0xFFFF9E00  }
0x1e: {  	[spmem:s6] =	stream.linear.scatter [tilespmem:s15], [sflag:$0x2], $0x6200, $0x38;
	[tilespmem:$0x1FBA0] =	vst v63  }
0x1f: {  	_ =	swait.ge [sflag:s16], $0x6200  }
0x20: {  	[sflag:s16] =	ssyncset.done $0x0  }
0x21: {  	[sflag:s16] =	ssyncadd.s32 $0xFFFF9E00  }
0x22: {  	[spmem:s7] =	stream.linear.scatter [tilespmem:s15], [sflag:$0x2], $0x6200, $0x38;
	[tilespmem:$0x1FBA0] =	vst v63  }
0x23: {  	_ =	swait.ge [sflag:s16], $0x6200  }
0x24: {  	[sflag:s16] =	ssyncset.done $0x0  }
0x25: {  	[sflag:s16] =	ssyncadd.s32 $0xFFFF9E00  }
0x26: {  	[spmem:s8] =	stream.linear.scatter [tilespmem:s15], [sflag:$0x2], $0x6200, $0x38;
	[tilespmem:$0x1FBA0] =	vst v63  }
0x27: {  	_ =	swait.ge [sflag:s16], $0x6200  }
0x28: {  	[sflag:s16] =	ssyncset.done $0x0  }
0x29: {  	[sflag:s16] =	ssyncadd.s32 $0xFFFF9E00  }
0x2a: {  	s24 =	sadd.s32 $0x0, s14;
	[bflag:$0x0] =	sbarrier.arrive $0xFFFF  }
0x2b: {  	[tilespmem:s3], [sflag:$0x2] =	stream.linear.gather [hbm4b:s24+s3], $0x80, $0x38;
	[tilespmem:$0x1FBA0] =	vst v63  }
0x2c: {  	_ =	swait.ge [sflag:s16], $0x80  }
0x2d: {  	[sflag:s16] =	ssyncset.done $0x0  }
0x2e: {  	s31 =	sadd.s32 $0x0, s13;
	[sflag:s16] =	ssyncadd.s32 $0xFFFFFF80  }
0x2f: {  	[tilespmem:s17], [sflag:$0x2] =	stream.linear.gather [hbm4b:s31+s3], $0x80, $0x38;
	[tilespmem:$0x1FBA0] =	vst v63  }
0x30: {  	_ =	swait.ge [sflag:s16], $0x80  }
0x31: {  	[sflag:s16] =	ssyncset.done $0x0  }
0x32: {  	[sflag:s16] =	ssyncadd.s32 $0xFFFFFF80  }
0x33: {  	v2 =	vld [tilespmem:$0x70]  }
0x34: {  	v3 =	vld [tilespmem:$0x30]  }
0x35: {  	v6 =	vld [tilespmem:$0x20]  }
0x36: {  	v4 =	vld [tilespmem:$0x50]  }
0x37: {  	v5 =	vld [tilespmem:$0x60]  }
0x38: {  	v7 =	vld [tilespmem:$0x10];
	v2 =	vadd.s32 v0, v2  }
0x39: {  	v8 =	vld [tilespmem:$0x40];
	v3 =	vadd.s32 v0, v3;
	[tilespmem:$0x70] =	vst v2  }
0x3a: {  	v63 =	vadd.s32 v0, v6;
	v2 =	vld [tilespmem:$0x0];
	[tilespmem:$0x30] =	vst v3  }
0x3b: {  	v3 =	vadd.s32 v0, v4;
	[tilespmem:$0x20] =	vst v63  }
0x3c: {  	[tilespmem:$0x50] =	vst v3;
	v3 =	vadd.s32 v0, v5  }
0x3d: {  	[tilespmem:$0x60] =	vst v3;
	v3 =	vadd.s32 v0, v7  }
0x3e: {  	[tilespmem:$0x10] =	vst v3;
	v3 =	vadd.s32 v0, v8  }
0x3f: {  	[tilespmem:$0x40] =	vst v3;
	v2 =	vadd.s32 v0, v2  }
0x40: {  	s24 =	simm.s32 $0x10;
	[tilespmem:$0x0] =	vst v2  }
.LBB2_4:
0x41: {  	[tilespmem:s18], [sflag:$0x1] =	stream.indirect.gather [hbm4b:s4+s17], $0x20, s3, s17, $0xb8;
	[tilespmem:$0x1FBA0] =	vst v63  }
0x42: {  	s25 =	smov.u32 s24  }
0x43: {  	p0 =	sne.s32 s24, $0x1850;
	s24 =	sadd.s32 $0x10, s24;
	_ =	swait.ge [sflag:s19], $0x1000  }
0x44: {  	[sflag:s19] =	ssyncset.done $0x0  }
0x45: {  	[sflag:s19] =	ssyncadd.s32 $0xFFFFF000  }
0x46: {  	[spmem:s2] =	stream.indirect.scatter.add.f32 [tilespmem:s18], [sflag:$0x2], $0x20, s17, s17, $0xb8;
	[tilespmem:$0x1FBA0] =	vst v63  }
0x47: {  	_ =	swait.ge [sflag:s16], $0x1000  }
0x48: {  	[sflag:s16] =	ssyncset.done $0x0  }
0x49: {  	s26 =	sadd.s32 s25, s14;
	[sflag:s16] =	ssyncadd.s32 $0xFFFFF000  }
0x4a: {  	[tilespmem:s3], [sflag:$0x2] =	stream.linear.gather [hbm4b:s26+s3], $0x80, $0x38;
	[tilespmem:$0x1FBA0] =	vst v63  }
0x4b: {  	_ =	swait.ge [sflag:s16], $0x80  }
0x4c: {  	[sflag:s16] =	ssyncset.done $0x0  }
0x4d: {  	s25 =	sadd.s32 s25, s13;
	[sflag:s16] =	ssyncadd.s32 $0xFFFFFF80  }
0x4e: {  	[tilespmem:s17], [sflag:$0x2] =	stream.linear.gather [hbm4b:s25+s3], $0x80, $0x38;
	[tilespmem:$0x1FBA0] =	vst v63  }
0x4f: {  	_ =	swait.ge [sflag:s16], $0x80  }
0x50: {  	[sflag:s16] =	ssyncset.done $0x0  }
0x51: {  	[sflag:s16] =	ssyncadd.s32 $0xFFFFFF80  }
0x52: {  	v2 =	vld [tilespmem:$0x70]  }
0x53: {  	v3 =	vld [tilespmem:$0x30]  }
0x54: {  	v4 =	vld [tilespmem:$0x50]  }
0x55: {  	v5 =	vld [tilespmem:$0x60]  }
0x56: {  	v6 =	vld [tilespmem:$0x20]  }
0x57: {  	v7 =	vld [tilespmem:$0x10];
	v2 =	vadd.s32 v0, v2  }
0x58: {  	v3 =	vadd.s32 v0, v3;
	v8 =	vld [tilespmem:$0x40];
	[tilespmem:$0x70] =	vst v2  }
0x59: {  	v2 =	vld [tilespmem:$0x0];
	[tilespmem:$0x30] =	vst v3;
	v3 =	vadd.s32 v0, v4  }
0x5a: {  	[tilespmem:$0x50] =	vst v3;
	v3 =	vadd.s32 v0, v5  }
.Ltmp1:
0x5b: {  	v4 =	vadd.s32 v0, v6;
	[tilespmem:$0x60] =	vst v3;
	(pc) =	sbr.rel @p0 .LBB2_4-.Ltmp1, $4  }
0x5c: {  	v3 =	vadd.s32 v0, v7;
	[tilespmem:$0x20] =	vst v4  }
0x5d: {  	[tilespmem:$0x10] =	vst v3;
	v3 =	vadd.s32 v0, v8  }
0x5e: {  	v2 =	vadd.s32 v0, v2;
	[tilespmem:$0x40] =	vst v3  }
0x5f: {  	[tilespmem:$0x0] =	vst v2  }
0x60: {  	[tilespmem:s18], [sflag:$0x1] =	stream.indirect.gather [hbm4b:s4+s17], $0x20, s3, s17, $0xb8;
	[tilespmem:$0x1FBA0] =	vst v63  }
0x61: {  	_ =	swait.ge [sflag:s19], $0x1000  }
0x62: {  	[sflag:s19] =	ssyncset.done $0x0  }
0x63: {  	[sflag:s19] =	ssyncadd.s32 $0xFFFFF000  }
0x64: {  	[spmem:s2] =	stream.indirect.scatter.add.f32 [tilespmem:s18], [sflag:$0x2], $0x20, s17, s17, $0xb8;
	[tilespmem:$0x1FBA0] =	vst v63  }
0x65: {  	_ =	swait.ge [sflag:s16], $0x1000  }
0x66: {  	[sflag:s16] =	ssyncset.done $0x0  }
0x67: {  	[sflag:s16] =	ssyncadd.s32 $0xFFFFF000  }
0x68: {  	[tilespmem:s20], [sflag:$0x2] =	stream.linear.gather [hbm4b:s9+s3], $0x50, $0x38;
	[tilespmem:$0x1FBA0] =	vst v63  }
0x69: {  	_ =	swait.ge [sflag:s16], $0x50  }
0x6a: {  	[sflag:s16] =	ssyncset.done $0x0  }
0x6b: {  	[sflag:s16] =	ssyncadd.s32 $0xFFFFFFB0  }
0x6c: {  	[tilespmem:s21], [sflag:$0x2] =	stream.linear.gather [hbm4b:s10+s3], $0x50, $0x38;
	[tilespmem:$0x1FBA0] =	vst v63  }
0x6d: {  	_ =	swait.ge [sflag:s16], $0x50  }
0x6e: {  	[sflag:s16] =	ssyncset.done $0x0  }
0x6f: {  	[sflag:s16] =	ssyncadd.s32 $0xFFFFFFB0  }
0x70: {  	v2 =	vld [tilespmem:$0x100]  }
0x71: {  	v3 =	vld [tilespmem:$0x110]  }
0x72: {  	v4 =	vld [tilespmem:$0x120]  }
0x73: {  	v5 =	vld [tilespmem:$0x130]  }
0x74: {  	v6 =	vld [tilespmem:$0x140]  }
0x75: {  	v2 =	vadd.s32 v0, v2  }
0x76: {  	[tilespmem:$0x100] =	vst v2;
	v2 =	vadd.s32 v0, v3  }
0x77: {  	[tilespmem:$0x110] =	vst v2;
	v2 =	vadd.s32 v0, v4  }
0x78: {  	[tilespmem:$0x120] =	vst v2;
	v2 =	vadd.s32 v0, v5  }
0x79: {  	[tilespmem:$0x130] =	vst v2;
	v2 =	vadd.s32 v0, v6  }
0x7a: {  	[tilespmem:$0x140] =	vst v2  }
0x7b: {  	[tilespmem:s18], [sflag:$0x1] =	stream.indirect.gather [hbm4b:s4+s22], $0x20, s20, s22, $0xb8;
	[tilespmem:$0x1FBA0] =	vst v63  }
0x7c: {  	_ =	swait.ge [sflag:s19], $0xA00  }
0x7d: {  	[sflag:s19] =	ssyncset.done $0x0  }
0x7e: {  	[sflag:s19] =	ssyncadd.s32 $0xFFFFF600  }
0x7f: {  	[spmem:s2] =	stream.indirect.scatter.add.f32 [tilespmem:s18], [sflag:$0x2], $0x20, s21, s22, $0xb8;
	[tilespmem:$0x1FBA0] =	vst v63  }
0x80: {  	_ =	swait.ge [sflag:s16], $0xA00  }
0x81: {  	s24 =	sshll.u32 s1, $0x6;
	s23 =	sadd.s32 $0x1, s23;
	[sflag:s16] =	ssyncset.done $0x0  }
0x82: {  	s25 =	sshrl.u32 s5, $0x3;
	p0 =	sne.s32 s23, s12;
	[sflag:s16] =	ssyncadd.s32 $0xFFFFF600  }
.Ltmp2:
0x83: {  	s24 =	sor.u32 $0x1C02, s24;
	[bflag:$0x0] =	sbarrier.arrive $0xFFFF;
	(pc) =	sbr.rel @p0 .LBB2_1-.Ltmp2, $4  }
0x84: {  	[hbm:s11], [sflag:s24] =	dma.local [spmem:s25], $0x3100  }
0x85: {  	_ =	swait.ge [sflag:s16], $0x3100  }
0x86: {  	[sflag:s16] =	ssyncset.done $0x0  }
0x87: {  	[sflag:s16] =	ssyncadd.s32 $0xFFFFCF00  }
0x88: {  	_ =	sfence.sel $0x180000  }
0x89: {  	[bflag:$0x0] =	sbarrier.arrive $0xFFFF  }
0x8a: {  	p0 =	sne.s32 s1, $0x0;
	_ =	strace $0x9000004A  }
0x8b: {  	s0 =	sadd.s32 @!p0 $0x100000, s0;
	[bflag:$0x2] =	sbarrier.arrive $0xFFFF  }
0x8c: {  	[sflag:s0] =	ssyncadd.tile.s32 @!p0 $0x1;
	_ =	shalt  }
.Lfunc_end2:
_tile_overlayer_lowered:
.L_overlay_start_2:
0x8d: {  	(tag) =	ssettag $0x2  }
0x8e: {  	s0 =	rddreg [dreg:$0x0];
	s2 =	stileid.u32  }
0x8f: {  	s1 =	rddreg [dreg:$0x1];
	p0 =	sne.s32 s2, $0x0  }
0x90: {  	s3 =	rddreg [dreg:$0x2];
	[bflag:$0x3] =	sbarrier.arrive $0xFFFF;
	s2 =	simm.s32 @!p0 $0x1C02  }
0x91: {  	[timem:s3], [sflag:s2] =	dma.local @!p0 [hbm:s0], s1  }
0x92: {  	s0 =	simm.s32 @!p0 $0x2  }
0x93: {  	_ =	swait.ge @!p0 [sflag:s0], s1  }
0x94: {  	s1 =	ssub.s32 @!p0 $0x0, s1;
	[sflag:s0] =	ssyncset.done @!p0 $0x0  }
0x95: {  	[sflag:s0] =	ssyncadd.s32 @!p0 s1  }
0x96: {  	[bflag:$0x3] =	sbarrier.arrive $0xFFFF  }
0x97: {  	_ =	shalt  }

</sc_bundles>
